<compile_context>
chip_gen: v7x
topology: tpu7x:2x2x1
jax: 0.10.2.dev20260603
libtpu: 0.0.44.dev20260713+nightly
codegen_flags: <defaults>
</compile_context>

<pallas_src>
import functools

import jax
import jax.numpy as jnp
from jax import lax
from jax.experimental import pallas as pl
from jax.experimental.pallas import tpu as pltpu
from jax.experimental.pallas import tpu_sc as plsc

LANES = 16
BLK = 128
UPP = 4


@functools.lru_cache(maxsize=None)
def _build_gather(vocab, embed, batch, seq, nc, ns):
    nw = nc * ns
    mesh = plsc.VectorSubcoreMesh(core_axis_name="c", subcore_axis_name="s")
    b_per_w = batch // nw
    ntb = b_per_w // BLK
    et = embed // 8
    n_pairs = seq * ntb // UPP
    n_iter = n_pairs // 2
    assert b_per_w % BLK == 0 and embed % 8 == 0 and ntb % UPP == 0
    assert n_iter * 2 == n_pairs

    @functools.partial(
        pl.kernel,
        out_type=jax.ShapeDtypeStruct(
            (seq, et, (batch // BLK) * 8 * BLK), jnp.float32),
        mesh=mesh,
        scratch_types=[
            pltpu.VMEM((UPP * BLK,), jnp.int32),
            pltpu.VMEM((UPP * BLK,), jnp.int32),
            pltpu.VMEM((UPP * BLK, embed), jnp.float32),
            pltpu.VMEM((UPP * BLK, embed), jnp.float32),
            pltpu.VMEM((et, UPP * 8 * BLK), jnp.float32),
            pltpu.VMEM((et, UPP * 8 * BLK), jnp.float32),
            pltpu.SemaphoreType.DMA,
            pltpu.SemaphoreType.DMA,
            pltpu.SemaphoreType.DMA,
            pltpu.SemaphoreType.DMA,
            pltpu.SemaphoreType.DMA,
            pltpu.SemaphoreType.DMA,
        ],
        compiler_params=pltpu.CompilerParams(
            use_tc_tiling_on_sc=False, needs_layout_passes=False,
            disable_bounds_checks=True),
    )
    def gather(table_hbm, idxt_hbm, out_hbm, idxb0, idxb1,
               rows0, rows1, tile0, tile1, gs0, gs1, ws0, ws1, is0, is1):
        wid = lax.axis_index("s") * nc + lax.axis_index("c")
        ii = lax.iota(jnp.int32, LANES)

        def pair_coords(p):
            s = p // (ntb // UPP)
            tb0 = UPP * lax.rem(p, ntb // UPP)
            return s, wid * ntb + tb0

        def fetch_idx(p, idxb, isem):
            s, tbg0 = pair_coords(p)
            pltpu.async_copy(
                idxt_hbm.at[s, pl.ds(BLK * tbg0, UPP * BLK)], idxb, isem)

        def wait_idx(idxb, isem):
            pltpu.make_async_copy(
                idxt_hbm.at[0, pl.ds(0, UPP * BLK)], idxb, isem).wait()

        def fire_gathers(idxb, rows, gsem):
            for u in range(UPP):
                pltpu.async_copy(
                    table_hbm.at[idxb.at[pl.ds(u * BLK, BLK)]],
                    rows.at[pl.ds(u * BLK, BLK)], gsem)

        def drain_gathers(rows, gsem):
            pltpu.make_async_copy(
                table_hbm.at[pl.ds(0, UPP * BLK)], rows, gsem).wait()

        pmod = [lax.rem(ii + d, LANES) for d in range(LANES)]
        vrow = [lax.shift_right_logical(pmod[d], 3) for d in range(LANES)]
        vcol = [lax.bitwise_and(pmod[d], 7) * BLK + ii for d in range(LANES)]

        def transpose(rows, tile):
            def blk_body(ug, carry):
                u = ug // (BLK // LANES)
                g = lax.rem(ug, BLK // LANES)
                roff = u * BLK + LANES * g
                coff = u * 8 * BLK + LANES * g
                rvec = roff + ii
                for h in range(embed // LANES):
                    for d in range(LANES):
                        v = plsc.load_gather(
                            rows, [rvec, LANES * h + pmod[d]])
                        plsc.store_scatter(
                            tile, [vrow[d] + 2 * h, vcol[d] + coff], v)
                return carry

            lax.fori_loop(0, UPP * (BLK // LANES), blk_body, 0)

        def fire_write(p, tile, wsem):
            s, tbg0 = pair_coords(p)
            pltpu.async_copy(
                tile, out_hbm.at[s, :, pl.ds(8 * BLK * tbg0, UPP * 8 * BLK)],
                wsem)

        def drain_write(tile, wsem):
            pltpu.make_async_copy(
                out_hbm.at[0, :, pl.ds(0, UPP * 8 * BLK)], tile, wsem).wait()

        fetch_idx(0, idxb0, is0)
        fetch_idx(1, idxb1, is1)
        wait_idx(idxb0, is0)
        fire_gathers(idxb0, rows0, gs0)
        wait_idx(idxb1, is1)
        fire_gathers(idxb1, rows1, gs1)

        def half(t, p, idxb, rows, tile, gsem, wsem, isem):
            drain_gathers(rows, gsem)

            @pl.when(t < n_iter - 1)
            def _():
                fetch_idx(p + 2, idxb, isem)

            @pl.when(t >= 1)
            def _():
                drain_write(tile, wsem)

            transpose(rows, tile)
            fire_write(p, tile, wsem)

            @pl.when(t < n_iter - 1)
            def _():
                wait_idx(idxb, isem)
                fire_gathers(idxb, rows, gsem)

        def body(t, carry):
            p0 = 2 * t
            half(t, p0, idxb0, rows0, tile0, gs0, ws0, is0)
            half(t, p0 + 1, idxb1, rows1, tile1, gs1, ws1, is1)
            return carry

        lax.fori_loop(0, n_iter, body, 0)
        drain_write(tile0, ws0)
        drain_write(tile1, ws1)

    return gather


def kernel(indices, table):
    b, s = indices.shape
    vocab, embed = table.shape
    info = plsc.get_sparse_core_info()
    nc, ns = info.num_cores, info.num_subcores
    idx_t = indices.astype(jnp.int32).T
    out3 = _build_gather(vocab, embed, b, s, nc, ns)(table, idx_t)
    out5 = out3.reshape(s, embed // 8, b // BLK, 8, BLK)
    return jnp.transpose(out5, (2, 4, 0, 1, 3)).reshape(b, s, embed)

# --- scband reference (transcript-rebuilt; emitter-appended) ---
"""Pipeline reference for scband-model-embeddings-15607911154237 (READ-ONLY COPY).

The authoritative reference and input builder live on the scoring server;
editing this copy changes nothing except your own understanding.
"""

import jax, jax.numpy as jnp
import numpy as np

VOCAB = 1000000
EMBED = 32
PAD_IDX = 0
BATCH = 16384
SEQ = 50

def setup_inputs(seed: int = 0) -> dict:
    key = jax.random.key(seed)
    k1, k2 = jax.random.split(key)
    # nn.Embedding weight; padding_idx row is zero-initialized in torch
    table = jax.random.normal(k1, (VOCAB, EMBED), dtype=jnp.float32)
    table = table.at[PAD_IDX].set(0.0)
    indices = jax.random.randint(k2, (BATCH, SEQ), 0, VOCAB, dtype=jnp.int64)
    return {"indices": indices, "table": table}

def reference(indices, table):
    # ModelEmbeddings.source(indices): plain embedding gather
    out = jnp.take(table, indices, axis=0)
    return out

if __name__ == "__main__":
    import jax
    _d = setup_inputs()
    print(jax.jit(kernel)(*tuple(_d.values())))

</pallas_src>

<mosaic_0001>
#map = affine_map<(d0, d1) -> (0, 0)>
#map1 = affine_map<(d0, d1) -> (0, 0, 0)>
module attributes {stable_mosaic.version = 14 : i64} {
  func.func @gather(%arg0: i32, %arg1: i32, %arg2: memref<1000000x32xf32, #tpu.memory_space<hbm>>, %arg3: memref<50x16384xi32, #tpu.memory_space<hbm>>, %arg4: memref<50x4x131072xf32, #tpu.memory_space<hbm>>, %arg5: memref<512xi32, #tpu.memory_space<vmem>>, %arg6: memref<512xi32, #tpu.memory_space<vmem>>, %arg7: memref<512x32xf32, #tpu.memory_space<vmem>>, %arg8: memref<512x32xf32, #tpu.memory_space<vmem>>, %arg9: memref<4x4096xf32, #tpu.memory_space<vmem>>, %arg10: memref<4x4096xf32, #tpu.memory_space<vmem>>, %arg11: memref<!tpu.dma_semaphore, #tpu.memory_space<semaphore_mem>>, %arg12: memref<!tpu.dma_semaphore, #tpu.memory_space<semaphore_mem>>, %arg13: memref<!tpu.dma_semaphore, #tpu.memory_space<semaphore_mem>>, %arg14: memref<!tpu.dma_semaphore, #tpu.memory_space<semaphore_mem>>, %arg15: memref<!tpu.dma_semaphore, #tpu.memory_space<semaphore_mem>>, %arg16: memref<!tpu.dma_semaphore, #tpu.memory_space<semaphore_mem>>) attributes {dimension_semantics = [#tpu.dimension_semantics<core_parallel>, #tpu.dimension_semantics<subcore_parallel>], iteration_bounds = array<i64: 2, 16>, scalar_prefetch = 0 : i64, scratch_operands = 12 : i64, tpu.core_type = #tpu.core_type<sc_vector_subcore>, window_params = [{transform_indices = #map}, {transform_indices = #map}, {transform_indices = #map1}]} {
    %mul3A = arith.constant 2 : i32
    %mul3A_0 = arith.muli %arg1, %mul3A : i32
    %add3A = arith.addi %mul3A_0, %arg0 : i32
    %iota3A = tpu.iota {dimensions = array<i32: 0>} : vector<16xi32>
    %add3A_1 = arith.constant 0 : i32
    %add3A_2 = vector.broadcast %add3A_1 : i32 to vector<16xi32>
    %add3A_3 = arith.addi %iota3A, %add3A_2 : vector<16xi32>
    %rem3A = arith.constant 16 : i32
    %rem3A_4 = vector.broadcast %rem3A : i32 to vector<16xi32>
    %rem3A_5 = arith.remsi %add3A_3, %rem3A_4 : vector<16xi32>
    %add3A_6 = arith.constant 1 : i32
    %add3A_7 = vector.broadcast %add3A_6 : i32 to vector<16xi32>
    %add3A_8 = arith.addi %iota3A, %add3A_7 : vector<16xi32>
    %rem3A_9 = arith.constant 16 : i32
    %rem3A_10 = vector.broadcast %rem3A_9 : i32 to vector<16xi32>
    %rem3A_11 = arith.remsi %add3A_8, %rem3A_10 : vector<16xi32>
    %add3A_12 = arith.constant 2 : i32
    %add3A_13 = vector.broadcast %add3A_12 : i32 to vector<16xi32>
    %add3A_14 = arith.addi %iota3A, %add3A_13 : vector<16xi32>
    %rem3A_15 = arith.constant 16 : i32
    %rem3A_16 = vector.broadcast %rem3A_15 : i32 to vector<16xi32>
    %rem3A_17 = arith.remsi %add3A_14, %rem3A_16 : vector<16xi32>
    %add3A_18 = arith.constant 3 : i32
    %add3A_19 = vector.broadcast %add3A_18 : i32 to vector<16xi32>
    %add3A_20 = arith.addi %iota3A, %add3A_19 : vector<16xi32>
    %rem3A_21 = arith.constant 16 : i32
    %rem3A_22 = vector.broadcast %rem3A_21 : i32 to vector<16xi32>
    %rem3A_23 = arith.remsi %add3A_20, %rem3A_22 : vector<16xi32>
    %add3A_24 = arith.constant 4 : i32
    %add3A_25 = vector.broadcast %add3A_24 : i32 to vector<16xi32>
    %add3A_26 = arith.addi %iota3A, %add3A_25 : vector<16xi32>
    %rem3A_27 = arith.constant 16 : i32
    %rem3A_28 = vector.broadcast %rem3A_27 : i32 to vector<16xi32>
    %rem3A_29 = arith.remsi %add3A_26, %rem3A_28 : vector<16xi32>
    %add3A_30 = arith.constant 5 : i32
    %add3A_31 = vector.broadcast %add3A_30 : i32 to vector<16xi32>
    %add3A_32 = arith.addi %iota3A, %add3A_31 : vector<16xi32>
    %rem3A_33 = arith.constant 16 : i32
    %rem3A_34 = vector.broadcast %rem3A_33 : i32 to vector<16xi32>
    %rem3A_35 = arith.remsi %add3A_32, %rem3A_34 : vector<16xi32>
    %add3A_36 = arith.constant 6 : i32
    %add3A_37 = vector.broadcast %add3A_36 : i32 to vector<16xi32>
    %add3A_38 = arith.addi %iota3A, %add3A_37 : vector<16xi32>
    %rem3A_39 = arith.constant 16 : i32
    %rem3A_40 = vector.broadcast %rem3A_39 : i32 to vector<16xi32>
    %rem3A_41 = arith.remsi %add3A_38, %rem3A_40 : vector<16xi32>
    %add3A_42 = arith.constant 7 : i32
    %add3A_43 = vector.broadcast %add3A_42 : i32 to vector<16xi32>
    %add3A_44 = arith.addi %iota3A, %add3A_43 : vector<16xi32>
    %rem3A_45 = arith.constant 16 : i32
    %rem3A_46 = vector.broadcast %rem3A_45 : i32 to vector<16xi32>
    %rem3A_47 = arith.remsi %add3A_44, %rem3A_46 : vector<16xi32>
    %add3A_48 = arith.constant 8 : i32
    %add3A_49 = vector.broadcast %add3A_48 : i32 to vector<16xi32>
    %add3A_50 = arith.addi %iota3A, %add3A_49 : vector<16xi32>
    %rem3A_51 = arith.constant 16 : i32
    %rem3A_52 = vector.broadcast %rem3A_51 : i32 to vector<16xi32>
    %rem3A_53 = arith.remsi %add3A_50, %rem3A_52 : vector<16xi32>
    %add3A_54 = arith.constant 9 : i32
    %add3A_55 = vector.broadcast %add3A_54 : i32 to vector<16xi32>
    %add3A_56 = arith.addi %iota3A, %add3A_55 : vector<16xi32>
    %rem3A_57 = arith.constant 16 : i32
    %rem3A_58 = vector.broadcast %rem3A_57 : i32 to vector<16xi32>
    %rem3A_59 = arith.remsi %add3A_56, %rem3A_58 : vector<16xi32>
    %add3A_60 = arith.constant 10 : i32
    %add3A_61 = vector.broadcast %add3A_60 : i32 to vector<16xi32>
    %add3A_62 = arith.addi %iota3A, %add3A_61 : vector<16xi32>
    %rem3A_63 = arith.constant 16 : i32
    %rem3A_64 = vector.broadcast %rem3A_63 : i32 to vector<16xi32>
    %rem3A_65 = arith.remsi %add3A_62, %rem3A_64 : vector<16xi32>
    %add3A_66 = arith.constant 11 : i32
    %add3A_67 = vector.broadcast %add3A_66 : i32 to vector<16xi32>
    %add3A_68 = arith.addi %iota3A, %add3A_67 : vector<16xi32>
    %rem3A_69 = arith.constant 16 : i32
    %rem3A_70 = vector.broadcast %rem3A_69 : i32 to vector<16xi32>
    %rem3A_71 = arith.remsi %add3A_68, %rem3A_70 : vector<16xi32>
    %add3A_72 = arith.constant 12 : i32
    %add3A_73 = vector.broadcast %add3A_72 : i32 to vector<16xi32>
    %add3A_74 = arith.addi %iota3A, %add3A_73 : vector<16xi32>
    %rem3A_75 = arith.constant 16 : i32
    %rem3A_76 = vector.broadcast %rem3A_75 : i32 to vector<16xi32>
    %rem3A_77 = arith.remsi %add3A_74, %rem3A_76 : vector<16xi32>
    %add3A_78 = arith.constant 13 : i32
    %add3A_79 = vector.broadcast %add3A_78 : i32 to vector<16xi32>
    %add3A_80 = arith.addi %iota3A, %add3A_79 : vector<16xi32>
    %rem3A_81 = arith.constant 16 : i32
    %rem3A_82 = vector.broadcast %rem3A_81 : i32 to vector<16xi32>
    %rem3A_83 = arith.remsi %add3A_80, %rem3A_82 : vector<16xi32>
    %add3A_84 = arith.constant 14 : i32
    %add3A_85 = vector.broadcast %add3A_84 : i32 to vector<16xi32>
    %add3A_86 = arith.addi %iota3A, %add3A_85 : vector<16xi32>
    %rem3A_87 = arith.constant 16 : i32
    %rem3A_88 = vector.broadcast %rem3A_87 : i32 to vector<16xi32>
    %rem3A_89 = arith.remsi %add3A_86, %rem3A_88 : vector<16xi32>
    %add3A_90 = arith.constant 15 : i32
    %add3A_91 = vector.broadcast %add3A_90 : i32 to vector<16xi32>
    %add3A_92 = arith.addi %iota3A, %add3A_91 : vector<16xi32>
    %rem3A_93 = arith.constant 16 : i32
    %rem3A_94 = vector.broadcast %rem3A_93 : i32 to vector<16xi32>
    %rem3A_95 = arith.remsi %add3A_92, %rem3A_94 : vector<16xi32>
    %shift_right_logical3A = arith.constant 3 : i32
    %shift_right_logical3A_96 = vector.broadcast %shift_right_logical3A : i32 to vector<16xi32>
    %shift_right_logical3A_97 = arith.shrui %rem3A_5, %shift_right_logical3A_96 : vector<16xi32>
    %shift_right_logical3A_98 = arith.constant 3 : i32
    %shift_right_logical3A_99 = vector.broadcast %shift_right_logical3A_98 : i32 to vector<16xi32>
    %shift_right_logical3A_100 = arith.shrui %rem3A_11, %shift_right_logical3A_99 : vector<16xi32>
    %shift_right_logical3A_101 = arith.constant 3 : i32
    %shift_right_logical3A_102 = vector.broadcast %shift_right_logical3A_101 : i32 to vector<16xi32>
    %shift_right_logical3A_103 = arith.shrui %rem3A_17, %shift_right_logical3A_102 : vector<16xi32>
    %shift_right_logical3A_104 = arith.constant 3 : i32
    %shift_right_logical3A_105 = vector.broadcast %shift_right_logical3A_104 : i32 to vector<16xi32>
    %shift_right_logical3A_106 = arith.shrui %rem3A_23, %shift_right_logical3A_105 : vector<16xi32>
    %shift_right_logical3A_107 = arith.constant 3 : i32
    %shift_right_logical3A_108 = vector.broadcast %shift_right_logical3A_107 : i32 to vector<16xi32>
    %shift_right_logical3A_109 = arith.shrui %rem3A_29, %shift_right_logical3A_108 : vector<16xi32>
    %shift_right_logical3A_110 = arith.constant 3 : i32
    %shift_right_logical3A_111 = vector.broadcast %shift_right_logical3A_110 : i32 to vector<16xi32>
    %shift_right_logical3A_112 = arith.shrui %rem3A_35, %shift_right_logical3A_111 : vector<16xi32>
    %shift_right_logical3A_113 = arith.constant 3 : i32
    %shift_right_logical3A_114 = vector.broadcast %shift_right_logical3A_113 : i32 to vector<16xi32>
    %shift_right_logical3A_115 = arith.shrui %rem3A_41, %shift_right_logical3A_114 : vector<16xi32>
    %shift_right_logical3A_116 = arith.constant 3 : i32
    %shift_right_logical3A_117 = vector.broadcast %shift_right_logical3A_116 : i32 to vector<16xi32>
    %shift_right_logical3A_118 = arith.shrui %rem3A_47, %shift_right_logical3A_117 : vector<16xi32>
    %shift_right_logical3A_119 = arith.constant 3 : i32
    %shift_right_logical3A_120 = vector.broadcast %shift_right_logical3A_119 : i32 to vector<16xi32>
    %shift_right_logical3A_121 = arith.shrui %rem3A_53, %shift_right_logical3A_120 : vector<16xi32>
    %shift_right_logical3A_122 = arith.constant 3 : i32
    %shift_right_logical3A_123 = vector.broadcast %shift_right_logical3A_122 : i32 to vector<16xi32>
    %shift_right_logical3A_124 = arith.shrui %rem3A_59, %shift_right_logical3A_123 : vector<16xi32>
    %shift_right_logical3A_125 = arith.constant 3 : i32
    %shift_right_logical3A_126 = vector.broadcast %shift_right_logical3A_125 : i32 to vector<16xi32>
    %shift_right_logical3A_127 = arith.shrui %rem3A_65, %shift_right_logical3A_126 : vector<16xi32>
    %shift_right_logical3A_128 = arith.constant 3 : i32
    %shift_right_logical3A_129 = vector.broadcast %shift_right_logical3A_128 : i32 to vector<16xi32>
    %shift_right_logical3A_130 = arith.shrui %rem3A_71, %shift_right_logical3A_129 : vector<16xi32>
    %shift_right_logical3A_131 = arith.constant 3 : i32
    %shift_right_logical3A_132 = vector.broadcast %shift_right_logical3A_131 : i32 to vector<16xi32>
    %shift_right_logical3A_133 = arith.shrui %rem3A_77, %shift_right_logical3A_132 : vector<16xi32>
    %shift_right_logical3A_134 = arith.constant 3 : i32
    %shift_right_logical3A_135 = vector.broadcast %shift_right_logical3A_134 : i32 to vector<16xi32>
    %shift_right_logical3A_136 = arith.shrui %rem3A_83, %shift_right_logical3A_135 : vector<16xi32>
    %shift_right_logical3A_137 = arith.constant 3 : i32
    %shift_right_logical3A_138 = vector.broadcast %shift_right_logical3A_137 : i32 to vector<16xi32>
    %shift_right_logical3A_139 = arith.shrui %rem3A_89, %shift_right_logical3A_138 : vector<16xi32>
    %shift_right_logical3A_140 = arith.constant 3 : i32
    %shift_right_logical3A_141 = vector.broadcast %shift_right_logical3A_140 : i32 to vector<16xi32>
    %shift_right_logical3A_142 = arith.shrui %rem3A_95, %shift_right_logical3A_141 : vector<16xi32>
    %and3A = arith.constant 7 : i32
    %and3A_143 = vector.broadcast %and3A : i32 to vector<16xi32>
    %and3A_144 = arith.andi %rem3A_5, %and3A_143 : vector<16xi32>
    %mul3A_145 = arith.constant 128 : i32
    %mul3A_146 = vector.broadcast %mul3A_145 : i32 to vector<16xi32>
    %mul3A_147 = arith.muli %and3A_144, %mul3A_146 : vector<16xi32>
    %add3A_148 = arith.addi %mul3A_147, %iota3A : vector<16xi32>
    %and3A_149 = arith.constant 7 : i32
    %and3A_150 = vector.broadcast %and3A_149 : i32 to vector<16xi32>
    %and3A_151 = arith.andi %rem3A_11, %and3A_150 : vector<16xi32>
    %mul3A_152 = arith.constant 128 : i32
    %mul3A_153 = vector.broadcast %mul3A_152 : i32 to vector<16xi32>
    %mul3A_154 = arith.muli %and3A_151, %mul3A_153 : vector<16xi32>
    %add3A_155 = arith.addi %mul3A_154, %iota3A : vector<16xi32>
    %and3A_156 = arith.constant 7 : i32
    %and3A_157 = vector.broadcast %and3A_156 : i32 to vector<16xi32>
    %and3A_158 = arith.andi %rem3A_17, %and3A_157 : vector<16xi32>
    %mul3A_159 = arith.constant 128 : i32
    %mul3A_160 = vector.broadcast %mul3A_159 : i32 to vector<16xi32>
    %mul3A_161 = arith.muli %and3A_158, %mul3A_160 : vector<16xi32>
    %add3A_162 = arith.addi %mul3A_161, %iota3A : vector<16xi32>
    %and3A_163 = arith.constant 7 : i32
    %and3A_164 = vector.broadcast %and3A_163 : i32 to vector<16xi32>
    %and3A_165 = arith.andi %rem3A_23, %and3A_164 : vector<16xi32>
    %mul3A_166 = arith.constant 128 : i32
    %mul3A_167 = vector.broadcast %mul3A_166 : i32 to vector<16xi32>
    %mul3A_168 = arith.muli %and3A_165, %mul3A_167 : vector<16xi32>
    %add3A_169 = arith.addi %mul3A_168, %iota3A : vector<16xi32>
    %and3A_170 = arith.constant 7 : i32
    %and3A_171 = vector.broadcast %and3A_170 : i32 to vector<16xi32>
    %and3A_172 = arith.andi %rem3A_29, %and3A_171 : vector<16xi32>
    %mul3A_173 = arith.constant 128 : i32
    %mul3A_174 = vector.broadcast %mul3A_173 : i32 to vector<16xi32>
    %mul3A_175 = arith.muli %and3A_172, %mul3A_174 : vector<16xi32>
    %add3A_176 = arith.addi %mul3A_175, %iota3A : vector<16xi32>
    %and3A_177 = arith.constant 7 : i32
    %and3A_178 = vector.broadcast %and3A_177 : i32 to vector<16xi32>
    %and3A_179 = arith.andi %rem3A_35, %and3A_178 : vector<16xi32>
    %mul3A_180 = arith.constant 128 : i32
    %mul3A_181 = vector.broadcast %mul3A_180 : i32 to vector<16xi32>
    %mul3A_182 = arith.muli %and3A_179, %mul3A_181 : vector<16xi32>
    %add3A_183 = arith.addi %mul3A_182, %iota3A : vector<16xi32>
    %and3A_184 = arith.constant 7 : i32
    %and3A_185 = vector.broadcast %and3A_184 : i32 to vector<16xi32>
    %and3A_186 = arith.andi %rem3A_41, %and3A_185 : vector<16xi32>
    %mul3A_187 = arith.constant 128 : i32
    %mul3A_188 = vector.broadcast %mul3A_187 : i32 to vector<16xi32>
    %mul3A_189 = arith.muli %and3A_186, %mul3A_188 : vector<16xi32>
    %add3A_190 = arith.addi %mul3A_189, %iota3A : vector<16xi32>
    %and3A_191 = arith.constant 7 : i32
    %and3A_192 = vector.broadcast %and3A_191 : i32 to vector<16xi32>
    %and3A_193 = arith.andi %rem3A_47, %and3A_192 : vector<16xi32>
    %mul3A_194 = arith.constant 128 : i32
    %mul3A_195 = vector.broadcast %mul3A_194 : i32 to vector<16xi32>
    %mul3A_196 = arith.muli %and3A_193, %mul3A_195 : vector<16xi32>
    %add3A_197 = arith.addi %mul3A_196, %iota3A : vector<16xi32>
    %and3A_198 = arith.constant 7 : i32
    %and3A_199 = vector.broadcast %and3A_198 : i32 to vector<16xi32>
    %and3A_200 = arith.andi %rem3A_53, %and3A_199 : vector<16xi32>
    %mul3A_201 = arith.constant 128 : i32
    %mul3A_202 = vector.broadcast %mul3A_201 : i32 to vector<16xi32>
    %mul3A_203 = arith.muli %and3A_200, %mul3A_202 : vector<16xi32>
    %add3A_204 = arith.addi %mul3A_203, %iota3A : vector<16xi32>
    %and3A_205 = arith.constant 7 : i32
    %and3A_206 = vector.broadcast %and3A_205 : i32 to vector<16xi32>
    %and3A_207 = arith.andi %rem3A_59, %and3A_206 : vector<16xi32>
    %mul3A_208 = arith.constant 128 : i32
    %mul3A_209 = vector.broadcast %mul3A_208 : i32 to vector<16xi32>
    %mul3A_210 = arith.muli %and3A_207, %mul3A_209 : vector<16xi32>
    %add3A_211 = arith.addi %mul3A_210, %iota3A : vector<16xi32>
    %and3A_212 = arith.constant 7 : i32
    %and3A_213 = vector.broadcast %and3A_212 : i32 to vector<16xi32>
    %and3A_214 = arith.andi %rem3A_65, %and3A_213 : vector<16xi32>
    %mul3A_215 = arith.constant 128 : i32
    %mul3A_216 = vector.broadcast %mul3A_215 : i32 to vector<16xi32>
    %mul3A_217 = arith.muli %and3A_214, %mul3A_216 : vector<16xi32>
    %add3A_218 = arith.addi %mul3A_217, %iota3A : vector<16xi32>
    %and3A_219 = arith.constant 7 : i32
    %and3A_220 = vector.broadcast %and3A_219 : i32 to vector<16xi32>
    %and3A_221 = arith.andi %rem3A_71, %and3A_220 : vector<16xi32>
    %mul3A_222 = arith.constant 128 : i32
    %mul3A_223 = vector.broadcast %mul3A_222 : i32 to vector<16xi32>
    %mul3A_224 = arith.muli %and3A_221, %mul3A_223 : vector<16xi32>
    %add3A_225 = arith.addi %mul3A_224, %iota3A : vector<16xi32>
    %and3A_226 = arith.constant 7 : i32
    %and3A_227 = vector.broadcast %and3A_226 : i32 to vector<16xi32>
    %and3A_228 = arith.andi %rem3A_77, %and3A_227 : vector<16xi32>
    %mul3A_229 = arith.constant 128 : i32
    %mul3A_230 = vector.broadcast %mul3A_229 : i32 to vector<16xi32>
    %mul3A_231 = arith.muli %and3A_228, %mul3A_230 : vector<16xi32>
    %add3A_232 = arith.addi %mul3A_231, %iota3A : vector<16xi32>
    %and3A_233 = arith.constant 7 : i32
    %and3A_234 = vector.broadcast %and3A_233 : i32 to vector<16xi32>
    %and3A_235 = arith.andi %rem3A_83, %and3A_234 : vector<16xi32>
    %mul3A_236 = arith.constant 128 : i32
    %mul3A_237 = vector.broadcast %mul3A_236 : i32 to vector<16xi32>
    %mul3A_238 = arith.muli %and3A_235, %mul3A_237 : vector<16xi32>
    %add3A_239 = arith.addi %mul3A_238, %iota3A : vector<16xi32>
    %and3A_240 = arith.constant 7 : i32
    %and3A_241 = vector.broadcast %and3A_240 : i32 to vector<16xi32>
    %and3A_242 = arith.andi %rem3A_89, %and3A_241 : vector<16xi32>
    %mul3A_243 = arith.constant 128 : i32
    %mul3A_244 = vector.broadcast %mul3A_243 : i32 to vector<16xi32>
    %mul3A_245 = arith.muli %and3A_242, %mul3A_244 : vector<16xi32>
    %add3A_246 = arith.addi %mul3A_245, %iota3A : vector<16xi32>
    %and3A_247 = arith.constant 7 : i32
    %and3A_248 = vector.broadcast %and3A_247 : i32 to vector<16xi32>
    %and3A_249 = arith.andi %rem3A_95, %and3A_248 : vector<16xi32>
    %mul3A_250 = arith.constant 128 : i32
    %mul3A_251 = vector.broadcast %mul3A_250 : i32 to vector<16xi32>
    %mul3A_252 = arith.muli %and3A_249, %mul3A_251 : vector<16xi32>
    %add3A_253 = arith.addi %mul3A_252, %iota3A : vector<16xi32>
    %rem3A_254 = arith.constant 0 : i32
    %rem3A_255 = arith.constant 1 : i32
    %rem3A_256 = arith.remsi %rem3A_254, %rem3A_255 : i32
    %mul3A_257 = arith.constant 4 : i32
    %mul3A_258 = arith.muli %mul3A_257, %rem3A_256 : i32
    %mul3A_259 = arith.constant 4 : i32
    %mul3A_260 = arith.muli %add3A, %mul3A_259 : i32
    %add3A_261 = arith.addi %mul3A_260, %mul3A_258 : i32
    %mul3A_262 = arith.constant 128 : i32
    %mul3A_263 = arith.muli %mul3A_262, %add3A_261 : i32
    %dma_start3A = arith.constant 0 : i32
    %dma_start3A_264 = tpu.memref_slice %arg3[%dma_start3A, %mul3A_263] : memref<50x16384xi32, #tpu.memory_space<hbm>> -> memref<1x512xi32, #tpu.memory_space<hbm>>
    %dma_start3A_265 = tpu.memref_squeeze %dma_start3A_264 : memref<1x512xi32, #tpu.memory_space<hbm>> -> memref<512xi32, #tpu.memory_space<hbm>>
    %dma_start3A_266 = tpu.memref_slice %arg3[%dma_start3A, %mul3A_263] : memref<50x16384xi32, #tpu.memory_space<hbm>> -> memref<1x512xi32, #tpu.memory_space<hbm>>
    %dma_start3A_267 = tpu.memref_squeeze %dma_start3A_266 : memref<1x512xi32, #tpu.memory_space<hbm>> -> memref<512xi32, #tpu.memory_space<hbm>>
    tpu.enqueue_dma source(%dma_start3A_267 : memref<512xi32, #tpu.memory_space<hbm>>) target(%arg5 : memref<512xi32, #tpu.memory_space<vmem>>) target_semaphore(%arg15 : memref<!tpu.dma_semaphore, #tpu.memory_space<semaphore_mem>>)
    %rem3A_268 = arith.constant 1 : i32
    %rem3A_269 = arith.constant 1 : i32
    %rem3A_270 = arith.remsi %rem3A_268, %rem3A_269 : i32
    %mul3A_271 = arith.constant 4 : i32
    %mul3A_272 = arith.muli %mul3A_271, %rem3A_270 : i32
    %mul3A_273 = arith.constant 4 : i32
    %mul3A_274 = arith.muli %add3A, %mul3A_273 : i32
    %add3A_275 = arith.addi %mul3A_274, %mul3A_272 : i32
    %mul3A_276 = arith.constant 128 : i32
    %mul3A_277 = arith.muli %mul3A_276, %add3A_275 : i32
    %dma_start3A_278 = arith.constant 1 : i32
    %dma_start3A_279 = tpu.memref_slice %arg3[%dma_start3A_278, %mul3A_277] : memref<50x16384xi32, #tpu.memory_space<hbm>> -> memref<1x512xi32, #tpu.memory_space<hbm>>
    %dma_start3A_280 = tpu.memref_squeeze %dma_start3A_279 : memref<1x512xi32, #tpu.memory_space<hbm>> -> memref<512xi32, #tpu.memory_space<hbm>>
    %dma_start3A_281 = tpu.memref_slice %arg3[%dma_start3A_278, %mul3A_277] : memref<50x16384xi32, #tpu.memory_space<hbm>> -> memref<1x512xi32, #tpu.memory_space<hbm>>
    %dma_start3A_282 = tpu.memref_squeeze %dma_start3A_281 : memref<1x512xi32, #tpu.memory_space<hbm>> -> memref<512xi32, #tpu.memory_space<hbm>>
    tpu.enqueue_dma source(%dma_start3A_282 : memref<512xi32, #tpu.memory_space<hbm>>) target(%arg6 : memref<512xi32, #tpu.memory_space<vmem>>) target_semaphore(%arg16 : memref<!tpu.dma_semaphore, #tpu.memory_space<semaphore_mem>>)
    %dma_wait3A = arith.constant 0 : i32
    %dma_wait3A_283 = arith.constant 0 : i32
    %dma_wait3A_284 = tpu.memref_slice %arg3[%dma_wait3A, %dma_wait3A_283] : memref<50x16384xi32, #tpu.memory_space<hbm>> -> memref<1x512xi32, #tpu.memory_space<hbm>>
    %dma_wait3A_285 = tpu.memref_squeeze %dma_wait3A_284 : memref<1x512xi32, #tpu.memory_space<hbm>> -> memref<512xi32, #tpu.memory_space<hbm>>
    %dma_wait3A_286 = arith.constant 0 : i32
    %dma_wait3A_287 = tpu.memref_slice %arg3[%dma_wait3A, %dma_wait3A_286] : memref<50x16384xi32, #tpu.memory_space<hbm>> -> memref<1x512xi32, #tpu.memory_space<hbm>>
    %dma_wait3A_288 = tpu.memref_squeeze %dma_wait3A_287 : memref<1x512xi32, #tpu.memory_space<hbm>> -> memref<512xi32, #tpu.memory_space<hbm>>
    tpu.wait_dma2 semaphore(%arg15 : memref<!tpu.dma_semaphore, #tpu.memory_space<semaphore_mem>>) src(%dma_wait3A_288 : memref<512xi32, #tpu.memory_space<hbm>>) dst(%arg5 : memref<512xi32, #tpu.memory_space<vmem>>)
    %dma_start3A_289 = arith.constant 0 : i32
    %dma_start3A_290 = arith.constant 0 : i32
    %dma_start3A_291 = tpu.memref_slice %arg7[%dma_start3A_289, %dma_start3A_290] : memref<512x32xf32, #tpu.memory_space<vmem>> -> memref<128x32xf32, #tpu.memory_space<vmem>>
    %dma_start3A_292 = arith.constant 0 : i32
    %dma_start3A_293 = tpu.memref_slice %arg5[%dma_start3A_292] : memref<512xi32, #tpu.memory_space<vmem>> -> memref<128xi32, #tpu.memory_space<vmem>>
    %dma_start3A_294 = arith.constant 0 : i32
    %dma_start3A_295 = arith.constant 0 : i32
    %dma_start3A_296 = tpu.memref_slice %arg2[%dma_start3A_294, %dma_start3A_295] : memref<1000000x32xf32, #tpu.memory_space<hbm>> -> memref<1000000x32xf32, #tpu.memory_space<hbm>>
    tpu.enqueue_indirect_dma source(%dma_start3A_296 : memref<1000000x32xf32, #tpu.memory_space<hbm>>) target(%dma_start3A_291 : memref<128x32xf32, #tpu.memory_space<vmem>>) offsets(%dma_start3A_293 : memref<128xi32, #tpu.memory_space<vmem>>) semaphore(%arg11 : memref<!tpu.dma_semaphore, #tpu.memory_space<semaphore_mem>>)
    %dma_start3A_297 = arith.constant 128 : i32
    %dma_start3A_298 = arith.constant 0 : i32
    %dma_start3A_299 = tpu.memref_slice %arg7[%dma_start3A_297, %dma_start3A_298] : memref<512x32xf32, #tpu.memory_space<vmem>> -> memref<128x32xf32, #tpu.memory_space<vmem>>
    %dma_start3A_300 = arith.constant 128 : i32
    %dma_start3A_301 = tpu.memref_slice %arg5[%dma_start3A_300] : memref<512xi32, #tpu.memory_space<vmem>> -> memref<128xi32, #tpu.memory_space<vmem>>
    %dma_start3A_302 = arith.constant 0 : i32
    %dma_start3A_303 = arith.constant 0 : i32
    %dma_start3A_304 = tpu.memref_slice %arg2[%dma_start3A_302, %dma_start3A_303] : memref<1000000x32xf32, #tpu.memory_space<hbm>> -> memref<1000000x32xf32, #tpu.memory_space<hbm>>
    tpu.enqueue_indirect_dma source(%dma_start3A_304 : memref<1000000x32xf32, #tpu.memory_space<hbm>>) target(%dma_start3A_299 : memref<128x32xf32, #tpu.memory_space<vmem>>) offsets(%dma_start3A_301 : memref<128xi32, #tpu.memory_space<vmem>>) semaphore(%arg11 : memref<!tpu.dma_semaphore, #tpu.memory_space<semaphore_mem>>)
    %dma_start3A_305 = arith.constant 256 : i32
    %dma_start3A_306 = arith.constant 0 : i32
    %dma_start3A_307 = tpu.memref_slice %arg7[%dma_start3A_305, %dma_start3A_306] : memref<512x32xf32, #tpu.memory_space<vmem>> -> memref<128x32xf32, #tpu.memory_space<vmem>>
    %dma_start3A_308 = arith.constant 256 : i32
    %dma_start3A_309 = tpu.memref_slice %arg5[%dma_start3A_308] : memref<512xi32, #tpu.memory_space<vmem>> -> memref<128xi32, #tpu.memory_space<vmem>>
    %dma_start3A_310 = arith.constant 0 : i32
    %dma_start3A_311 = arith.constant 0 : i32
    %dma_start3A_312 = tpu.memref_slice %arg2[%dma_start3A_310, %dma_start3A_311] : memref<1000000x32xf32, #tpu.memory_space<hbm>> -> memref<1000000x32xf32, #tpu.memory_space<hbm>>
    tpu.enqueue_indirect_dma source(%dma_start3A_312 : memref<1000000x32xf32, #tpu.memory_space<hbm>>) target(%dma_start3A_307 : memref<128x32xf32, #tpu.memory_space<vmem>>) offsets(%dma_start3A_309 : memref<128xi32, #tpu.memory_space<vmem>>) semaphore(%arg11 : memref<!tpu.dma_semaphore, #tpu.memory_space<semaphore_mem>>)
    %dma_start3A_313 = arith.constant 384 : i32
    %dma_start3A_314 = arith.constant 0 : i32
    %dma_start3A_315 = tpu.memref_slice %arg7[%dma_start3A_313, %dma_start3A_314] : memref<512x32xf32, #tpu.memory_space<vmem>> -> memref<128x32xf32, #tpu.memory_space<vmem>>
    %dma_start3A_316 = arith.constant 384 : i32
    %dma_start3A_317 = tpu.memref_slice %arg5[%dma_start3A_316] : memref<512xi32, #tpu.memory_space<vmem>> -> memref<128xi32, #tpu.memory_space<vmem>>
    %dma_start3A_318 = arith.constant 0 : i32
    %dma_start3A_319 = arith.constant 0 : i32
    %dma_start3A_320 = tpu.memref_slice %arg2[%dma_start3A_318, %dma_start3A_319] : memref<1000000x32xf32, #tpu.memory_space<hbm>> -> memref<1000000x32xf32, #tpu.memory_space<hbm>>
    tpu.enqueue_indirect_dma source(%dma_start3A_320 : memref<1000000x32xf32, #tpu.memory_space<hbm>>) target(%dma_start3A_315 : memref<128x32xf32, #tpu.memory_space<vmem>>) offsets(%dma_start3A_317 : memref<128xi32, #tpu.memory_space<vmem>>) semaphore(%arg11 : memref<!tpu.dma_semaphore, #tpu.memory_space<semaphore_mem>>)
    %dma_wait3A_321 = arith.constant 0 : i32
    %dma_wait3A_322 = arith.constant 0 : i32
    %dma_wait3A_323 = tpu.memref_slice %arg3[%dma_wait3A_321, %dma_wait3A_322] : memref<50x16384xi32, #tpu.memory_space<hbm>> -> memref<1x512xi32, #tpu.memory_space<hbm>>
    %dma_wait3A_324 = tpu.memref_squeeze %dma_wait3A_323 : memref<1x512xi32, #tpu.memory_space<hbm>> -> memref<512xi32, #tpu.memory_space<hbm>>
    %dma_wait3A_325 = arith.constant 0 : i32
    %dma_wait3A_326 = tpu.memref_slice %arg3[%dma_wait3A_321, %dma_wait3A_325] : memref<50x16384xi32, #tpu.memory_space<hbm>> -> memref<1x512xi32, #tpu.memory_space<hbm>>
    %dma_wait3A_327 = tpu.memref_squeeze %dma_wait3A_326 : memref<1x512xi32, #tpu.memory_space<hbm>> -> memref<512xi32, #tpu.memory_space<hbm>>
    tpu.wait_dma2 semaphore(%arg16 : memref<!tpu.dma_semaphore, #tpu.memory_space<semaphore_mem>>) src(%dma_wait3A_327 : memref<512xi32, #tpu.memory_space<hbm>>) dst(%arg6 : memref<512xi32, #tpu.memory_space<vmem>>)
    %dma_start3A_328 = arith.constant 0 : i32
    %dma_start3A_329 = arith.constant 0 : i32
    %dma_start3A_330 = tpu.memref_slice %arg8[%dma_start3A_328, %dma_start3A_329] : memref<512x32xf32, #tpu.memory_space<vmem>> -> memref<128x32xf32, #tpu.memory_space<vmem>>
    %dma_start3A_331 = arith.constant 0 : i32
    %dma_start3A_332 = tpu.memref_slice %arg6[%dma_start3A_331] : memref<512xi32, #tpu.memory_space<vmem>> -> memref<128xi32, #tpu.memory_space<vmem>>
    %dma_start3A_333 = arith.constant 0 : i32
    %dma_start3A_334 = arith.constant 0 : i32
    %dma_start3A_335 = tpu.memref_slice %arg2[%dma_start3A_333, %dma_start3A_334] : memref<1000000x32xf32, #tpu.memory_space<hbm>> -> memref<1000000x32xf32, #tpu.memory_space<hbm>>
    tpu.enqueue_indirect_dma source(%dma_start3A_335 : memref<1000000x32xf32, #tpu.memory_space<hbm>>) target(%dma_start3A_330 : memref<128x32xf32, #tpu.memory_space<vmem>>) offsets(%dma_start3A_332 : memref<128xi32, #tpu.memory_space<vmem>>) semaphore(%arg12 : memref<!tpu.dma_semaphore, #tpu.memory_space<semaphore_mem>>)
    %dma_start3A_336 = arith.constant 128 : i32
    %dma_start3A_337 = arith.constant 0 : i32
    %dma_start3A_338 = tpu.memref_slice %arg8[%dma_start3A_336, %dma_start3A_337] : memref<512x32xf32, #tpu.memory_space<vmem>> -> memref<128x32xf32, #tpu.memory_space<vmem>>
    %dma_start3A_339 = arith.constant 128 : i32
    %dma_start3A_340 = tpu.memref_slice %arg6[%dma_start3A_339] : memref<512xi32, #tpu.memory_space<vmem>> -> memref<128xi32, #tpu.memory_space<vmem>>
    %dma_start3A_341 = arith.constant 0 : i32
    %dma_start3A_342 = arith.constant 0 : i32
    %dma_start3A_343 = tpu.memref_slice %arg2[%dma_start3A_341, %dma_start3A_342] : memref<1000000x32xf32, #tpu.memory_space<hbm>> -> memref<1000000x32xf32, #tpu.memory_space<hbm>>
    tpu.enqueue_indirect_dma source(%dma_start3A_343 : memref<1000000x32xf32, #tpu.memory_space<hbm>>) target(%dma_start3A_338 : memref<128x32xf32, #tpu.memory_space<vmem>>) offsets(%dma_start3A_340 : memref<128xi32, #tpu.memory_space<vmem>>) semaphore(%arg12 : memref<!tpu.dma_semaphore, #tpu.memory_space<semaphore_mem>>)
    %dma_start3A_344 = arith.constant 256 : i32
    %dma_start3A_345 = arith.constant 0 : i32
    %dma_start3A_346 = tpu.memref_slice %arg8[%dma_start3A_344, %dma_start3A_345] : memref<512x32xf32, #tpu.memory_space<vmem>> -> memref<128x32xf32, #tpu.memory_space<vmem>>
    %dma_start3A_347 = arith.constant 256 : i32
    %dma_start3A_348 = tpu.memref_slice %arg6[%dma_start3A_347] : memref<512xi32, #tpu.memory_space<vmem>> -> memref<128xi32, #tpu.memory_space<vmem>>
    %dma_start3A_349 = arith.constant 0 : i32
    %dma_start3A_350 = arith.constant 0 : i32
    %dma_start3A_351 = tpu.memref_slice %arg2[%dma_start3A_349, %dma_start3A_350] : memref<1000000x32xf32, #tpu.memory_space<hbm>> -> memref<1000000x32xf32, #tpu.memory_space<hbm>>
    tpu.enqueue_indirect_dma source(%dma_start3A_351 : memref<1000000x32xf32, #tpu.memory_space<hbm>>) target(%dma_start3A_346 : memref<128x32xf32, #tpu.memory_space<vmem>>) offsets(%dma_start3A_348 : memref<128xi32, #tpu.memory_space<vmem>>) semaphore(%arg12 : memref<!tpu.dma_semaphore, #tpu.memory_space<semaphore_mem>>)
    %dma_start3A_352 = arith.constant 384 : i32
    %dma_start3A_353 = arith.constant 0 : i32
    %dma_start3A_354 = tpu.memref_slice %arg8[%dma_start3A_352, %dma_start3A_353] : memref<512x32xf32, #tpu.memory_space<vmem>> -> memref<128x32xf32, #tpu.memory_space<vmem>>
    %dma_start3A_355 = arith.constant 384 : i32
    %dma_start3A_356 = tpu.memref_slice %arg6[%dma_start3A_355] : memref<512xi32, #tpu.memory_space<vmem>> -> memref<128xi32, #tpu.memory_space<vmem>>
    %dma_start3A_357 = arith.constant 0 : i32
    %dma_start3A_358 = arith.constant 0 : i32
    %dma_start3A_359 = tpu.memref_slice %arg2[%dma_start3A_357, %dma_start3A_358] : memref<1000000x32xf32, #tpu.memory_space<hbm>> -> memref<1000000x32xf32, #tpu.memory_space<hbm>>
    tpu.enqueue_indirect_dma source(%dma_start3A_359 : memref<1000000x32xf32, #tpu.memory_space<hbm>>) target(%dma_start3A_354 : memref<128x32xf32, #tpu.memory_space<vmem>>) offsets(%dma_start3A_356 : memref<128xi32, #tpu.memory_space<vmem>>) semaphore(%arg12 : memref<!tpu.dma_semaphore, #tpu.memory_space<semaphore_mem>>)
    %scan3A = arith.constant 0 : i32
    %scan3A_360 = arith.constant 0 : i32
    %scan3A_361 = arith.constant 25 : i32
    %scan3A_362 = arith.addi %scan3A_360, %scan3A_361 : i32
    %scan3A_363 = arith.constant 1 : i32
    scf.for %scan3A_383 = %scan3A_360 to %scan3A_362 step %scan3A_363  : i32 {
      %mul3A_384 = arith.constant 2 : i32
      %mul3A_385 = arith.muli %mul3A_384, %scan3A_383 : i32
      %dma_wait3A_386 = arith.constant 0 : i32
      %dma_wait3A_387 = arith.constant 0 : i32
      %dma_wait3A_388 = tpu.memref_slice %arg2[%dma_wait3A_386, %dma_wait3A_387] : memref<1000000x32xf32, #tpu.memory_space<hbm>> -> memref<512x32xf32, #tpu.memory_space<hbm>>
      %dma_wait3A_389 = arith.constant 0 : i32
      %dma_wait3A_390 = arith.constant 0 : i32
      %dma_wait3A_391 = tpu.memref_slice %arg2[%dma_wait3A_389, %dma_wait3A_390] : memref<1000000x32xf32, #tpu.memory_space<hbm>> -> memref<512x32xf32, #tpu.memory_space<hbm>>
      tpu.wait_dma2 semaphore(%arg11 : memref<!tpu.dma_semaphore, #tpu.memory_space<semaphore_mem>>) src(%dma_wait3A_391 : memref<512x32xf32, #tpu.memory_space<hbm>>) dst(%arg7 : memref<512x32xf32, #tpu.memory_space<vmem>>)
      %lt3A = arith.constant 24 : i32
      %lt3A_392 = arith.cmpi slt, %scan3A_383, %lt3A : i32
      %convert_element_type3A = arith.extui %lt3A_392 : i1 to i32
      %cond3A = arith.constant 0 : i32
      %cond3A_393 = arith.cmpi ne, %convert_element_type3A, %cond3A : i32
      scf.if %cond3A_393 {
        %add3A_510 = arith.constant 2 : i32
        %add3A_511 = arith.addi %mul3A_385, %add3A_510 : i32
        %jit3A_512 = arith.constant 1 : i32
        %div3A_513 = arith.divsi %add3A_511, %jit3A_512 : i32
        %sign3A_514 = arith.constant 0 : i32
        %sign3A_515 = arith.cmpi sgt, %add3A_511, %sign3A_514 : i32
        %sign3A_516 = arith.extui %sign3A_515 : i1 to i32
        %sign3A_517 = arith.constant 0 : i32
        %sign3A_518 = arith.cmpi slt, %add3A_511, %sign3A_517 : i32
        %sign3A_519 = arith.extui %sign3A_518 : i1 to i32
        %sign3A_520 = arith.subi %sign3A_516, %sign3A_519 : i32
        %sign3A_521 = arith.constant 0 : i32
        %sign3A_522 = arith.cmpi sgt, %jit3A_512, %sign3A_521 : i32
        %sign3A_523 = arith.extui %sign3A_522 : i1 to i32
        %sign3A_524 = arith.constant 0 : i32
        %sign3A_525 = arith.cmpi slt, %jit3A_512, %sign3A_524 : i32
        %sign3A_526 = arith.extui %sign3A_525 : i1 to i32
        %sign3A_527 = arith.subi %sign3A_523, %sign3A_526 : i32
        %ne3A_528 = arith.cmpi ne, %sign3A_520, %sign3A_527 : i32
        %rem3A_529 = arith.remsi %add3A_511, %jit3A_512 : i32
        %ne3A_530 = arith.constant 0 : i32
        %ne3A_531 = arith.cmpi ne, %rem3A_529, %ne3A_530 : i32
        %and3A_532 = arith.andi %ne3A_528, %ne3A_531 : i1
        %sub3A_533 = arith.constant 1 : i32
        %sub3A_534 = arith.subi %div3A_513, %sub3A_533 : i32
        %select_n3A_535 = arith.select %and3A_532, %sub3A_534, %div3A_513 : i32
        %rem3A_536 = arith.constant 1 : i32
        %rem3A_537 = arith.remsi %add3A_511, %rem3A_536 : i32
        %mul3A_538 = arith.constant 4 : i32
        %mul3A_539 = arith.muli %mul3A_538, %rem3A_537 : i32
        %mul3A_540 = arith.constant 4 : i32
        %mul3A_541 = arith.muli %add3A, %mul3A_540 : i32
        %add3A_542 = arith.addi %mul3A_541, %mul3A_539 : i32
        %mul3A_543 = arith.constant 128 : i32
        %mul3A_544 = arith.muli %mul3A_543, %add3A_542 : i32
        %dma_start3A_545 = tpu.memref_slice %arg3[%select_n3A_535, %mul3A_544] : memref<50x16384xi32, #tpu.memory_space<hbm>> -> memref<1x512xi32, #tpu.memory_space<hbm>>
        %dma_start3A_546 = tpu.memref_squeeze %dma_start3A_545 : memref<1x512xi32, #tpu.memory_space<hbm>> -> memref<512xi32, #tpu.memory_space<hbm>>
        %dma_start3A_547 = tpu.memref_slice %arg3[%select_n3A_535, %mul3A_544] : memref<50x16384xi32, #tpu.memory_space<hbm>> -> memref<1x512xi32, #tpu.memory_space<hbm>>
        %dma_start3A_548 = tpu.memref_squeeze %dma_start3A_547 : memref<1x512xi32, #tpu.memory_space<hbm>> -> memref<512xi32, #tpu.memory_space<hbm>>
        tpu.enqueue_dma source(%dma_start3A_548 : memref<512xi32, #tpu.memory_space<hbm>>) target(%arg5 : memref<512xi32, #tpu.memory_space<vmem>>) target_semaphore(%arg15 : memref<!tpu.dma_semaphore, #tpu.memory_space<semaphore_mem>>)
      } else {
      }
      %ge3A = arith.constant 1 : i32
      %ge3A_394 = arith.cmpi sge, %scan3A_383, %ge3A : i32
      %convert_element_type3A_395 = arith.extui %ge3A_394 : i1 to i32
      %cond3A_396 = arith.constant 0 : i32
      %cond3A_397 = arith.cmpi ne, %convert_element_type3A_395, %cond3A_396 : i32
      scf.if %cond3A_397 {
        %dma_wait3A_510 = arith.constant 0 : i32
        %dma_wait3A_511 = arith.constant 0 : i32
        %dma_wait3A_512 = arith.constant 0 : i32
        %dma_wait3A_513 = tpu.memref_slice %arg4[%dma_wait3A_510, %dma_wait3A_511, %dma_wait3A_512] : memref<50x4x131072xf32, #tpu.memory_space<hbm>> -> memref<1x4x4096xf32, #tpu.memory_space<hbm>>
        %dma_wait3A_514 = tpu.memref_squeeze %dma_wait3A_513 : memref<1x4x4096xf32, #tpu.memory_space<hbm>> -> memref<4x4096xf32, #tpu.memory_space<hbm>>
        %dma_wait3A_515 = arith.constant 0 : i32
        %dma_wait3A_516 = arith.constant 0 : i32
        %dma_wait3A_517 = tpu.memref_slice %arg4[%dma_wait3A_510, %dma_wait3A_515, %dma_wait3A_516] : memref<50x4x131072xf32, #tpu.memory_space<hbm>> -> memref<1x4x4096xf32, #tpu.memory_space<hbm>>
        %dma_wait3A_518 = tpu.memref_squeeze %dma_wait3A_517 : memref<1x4x4096xf32, #tpu.memory_space<hbm>> -> memref<4x4096xf32, #tpu.memory_space<hbm>>
        tpu.wait_dma2 semaphore(%arg13 : memref<!tpu.dma_semaphore, #tpu.memory_space<semaphore_mem>>) src(%dma_wait3A_518 : memref<4x4096xf32, #tpu.memory_space<hbm>>) dst(%arg9 : memref<4x4096xf32, #tpu.memory_space<vmem>>)
      } else {
      }
      %scan3A_398 = arith.constant 0 : i32
      %scan3A_399 = arith.constant 0 : i32
      %scan3A_400 = arith.constant 32 : i32
      %scan3A_401 = arith.addi %scan3A_399, %scan3A_400 : i32
      %scan3A_402 = arith.constant 1 : i32
      scf.for %scan3A_510 = %scan3A_399 to %scan3A_401 step %scan3A_402  : i32 {
        %jit3A_511 = arith.constant 8 : i32
        %div3A_512 = arith.divsi %scan3A_510, %jit3A_511 : i32
        %sign3A_513 = arith.constant 0 : i32
        %sign3A_514 = arith.cmpi sgt, %scan3A_510, %sign3A_513 : i32
        %sign3A_515 = arith.extui %sign3A_514 : i1 to i32
        %sign3A_516 = arith.constant 0 : i32
        %sign3A_517 = arith.cmpi slt, %scan3A_510, %sign3A_516 : i32
        %sign3A_518 = arith.extui %sign3A_517 : i1 to i32
        %sign3A_519 = arith.subi %sign3A_515, %sign3A_518 : i32
        %sign3A_520 = arith.constant 0 : i32
        %sign3A_521 = arith.cmpi sgt, %jit3A_511, %sign3A_520 : i32
        %sign3A_522 = arith.extui %sign3A_521 : i1 to i32
        %sign3A_523 = arith.constant 0 : i32
        %sign3A_524 = arith.cmpi slt, %jit3A_511, %sign3A_523 : i32
        %sign3A_525 = arith.extui %sign3A_524 : i1 to i32
        %sign3A_526 = arith.subi %sign3A_522, %sign3A_525 : i32
        %ne3A_527 = arith.cmpi ne, %sign3A_519, %sign3A_526 : i32
        %rem3A_528 = arith.remsi %scan3A_510, %jit3A_511 : i32
        %ne3A_529 = arith.constant 0 : i32
        %ne3A_530 = arith.cmpi ne, %rem3A_528, %ne3A_529 : i32
        %and3A_531 = arith.andi %ne3A_527, %ne3A_530 : i1
        %sub3A_532 = arith.constant 1 : i32
        %sub3A_533 = arith.subi %div3A_512, %sub3A_532 : i32
        %select_n3A_534 = arith.select %and3A_531, %sub3A_533, %div3A_512 : i32
        %rem3A_535 = arith.constant 8 : i32
        %rem3A_536 = arith.remsi %scan3A_510, %rem3A_535 : i32
        %mul3A_537 = arith.constant 128 : i32
        %mul3A_538 = arith.muli %select_n3A_534, %mul3A_537 : i32
        %mul3A_539 = arith.constant 16 : i32
        %mul3A_540 = arith.muli %mul3A_539, %rem3A_536 : i32
        %add3A_541 = arith.addi %mul3A_538, %mul3A_540 : i32
        %mul3A_542 = arith.constant 8 : i32
        %mul3A_543 = arith.muli %select_n3A_534, %mul3A_542 : i32
        %mul3A_544 = arith.constant 128 : i32
        %mul3A_545 = arith.muli %mul3A_543, %mul3A_544 : i32
        %mul3A_546 = arith.constant 16 : i32
        %mul3A_547 = arith.muli %mul3A_546, %rem3A_536 : i32
        %add3A_548 = arith.addi %mul3A_545, %mul3A_547 : i32
        %add3A_549 = vector.broadcast %add3A_541 : i32 to vector<16xi32>
        %add3A_550 = arith.addi %add3A_549, %iota3A : vector<16xi32>
        %add3A_551 = arith.constant 0 : i32
        %add3A_552 = vector.broadcast %add3A_551 : i32 to vector<16xi32>
        %add3A_553 = arith.addi %add3A_552, %rem3A_5 : vector<16xi32>
        %gather3A = tpu.vector_load_idx %arg7[%add3A_550, %add3A_553] : memref<512x32xf32, #tpu.memory_space<vmem>>[vector<16xi32>, vector<16xi32>], vector<16xf32>,
        %add3A_554 = arith.constant 0 : i32
        %add3A_555 = vector.broadcast %add3A_554 : i32 to vector<16xi32>
        %add3A_556 = arith.addi %shift_right_logical3A_97, %add3A_555 : vector<16xi32>
        %add3A_557 = vector.broadcast %add3A_548 : i32 to vector<16xi32>
        %add3A_558 = arith.addi %add3A_148, %add3A_557 : vector<16xi32>
        tpu.vector_store_idx %arg9[%add3A_556, %add3A_558], %gather3A : memref<4x4096xf32, #tpu.memory_space<vmem>>[vector<16xi32>, vector<16xi32>], vector<16xf32>,
        %add3A_559 = arith.constant 0 : i32
        %add3A_560 = vector.broadcast %add3A_559 : i32 to vector<16xi32>
        %add3A_561 = arith.addi %add3A_560, %rem3A_11 : vector<16xi32>
        %gather3A_562 = tpu.vector_load_idx %arg7[%add3A_550, %add3A_561] : memref<512x32xf32, #tpu.memory_space<vmem>>[vector<16xi32>, vector<16xi32>], vector<16xf32>,
        %add3A_563 = arith.constant 0 : i32
        %add3A_564 = vector.broadcast %add3A_563 : i32 to vector<16xi32>
        %add3A_565 = arith.addi %shift_right_logical3A_100, %add3A_564 : vector<16xi32>
        %add3A_566 = vector.broadcast %add3A_548 : i32 to vector<16xi32>
        %add3A_567 = arith.addi %add3A_155, %add3A_566 : vector<16xi32>
        tpu.vector_store_idx %arg9[%add3A_565, %add3A_567], %gather3A_562 : memref<4x4096xf32, #tpu.memory_space<vmem>>[vector<16xi32>, vector<16xi32>], vector<16xf32>,
        %add3A_568 = arith.constant 0 : i32
        %add3A_569 = vector.broadcast %add3A_568 : i32 to vector<16xi32>
        %add3A_570 = arith.addi %add3A_569, %rem3A_17 : vector<16xi32>
        %gather3A_571 = tpu.vector_load_idx %arg7[%add3A_550, %add3A_570] : memref<512x32xf32, #tpu.memory_space<vmem>>[vector<16xi32>, vector<16xi32>], vector<16xf32>,
        %add3A_572 = arith.constant 0 : i32
        %add3A_573 = vector.broadcast %add3A_572 : i32 to vector<16xi32>
        %add3A_574 = arith.addi %shift_right_logical3A_103, %add3A_573 : vector<16xi32>
        %add3A_575 = vector.broadcast %add3A_548 : i32 to vector<16xi32>
        %add3A_576 = arith.addi %add3A_162, %add3A_575 : vector<16xi32>
        tpu.vector_store_idx %arg9[%add3A_574, %add3A_576], %gather3A_571 : memref<4x4096xf32, #tpu.memory_space<vmem>>[vector<16xi32>, vector<16xi32>], vector<16xf32>,
        %add3A_577 = arith.constant 0 : i32
        %add3A_578 = vector.broadcast %add3A_577 : i32 to vector<16xi32>
        %add3A_579 = arith.addi %add3A_578, %rem3A_23 : vector<16xi32>
        %gather3A_580 = tpu.vector_load_idx %arg7[%add3A_550, %add3A_579] : memref<512x32xf32, #tpu.memory_space<vmem>>[vector<16xi32>, vector<16xi32>], vector<16xf32>,
        %add3A_581 = arith.constant 0 : i32
        %add3A_582 = vector.broadcast %add3A_581 : i32 to vector<16xi32>
        %add3A_583 = arith.addi %shift_right_logical3A_106, %add3A_582 : vector<16xi32>
        %add3A_584 = vector.broadcast %add3A_548 : i32 to vector<16xi32>
        %add3A_585 = arith.addi %add3A_169, %add3A_584 : vector<16xi32>
        tpu.vector_store_idx %arg9[%add3A_583, %add3A_585], %gather3A_580 : memref<4x4096xf32, #tpu.memory_space<vmem>>[vector<16xi32>, vector<16xi32>], vector<16xf32>,
        %add3A_586 = arith.constant 0 : i32
        %add3A_587 = vector.broadcast %add3A_586 : i32 to vector<16xi32>
        %add3A_588 = arith.addi %add3A_587, %rem3A_29 : vector<16xi32>
        %gather3A_589 = tpu.vector_load_idx %arg7[%add3A_550, %add3A_588] : memref<512x32xf32, #tpu.memory_space<vmem>>[vector<16xi32>, vector<16xi32>], vector<16xf32>,
        %add3A_590 = arith.constant 0 : i32
        %add3A_591 = vector.broadcast %add3A_590 : i32 to vector<16xi32>
        %add3A_592 = arith.addi %shift_right_logical3A_109, %add3A_591 : vector<16xi32>
        %add3A_593 = vector.broadcast %add3A_548 : i32 to vector<16xi32>
        %add3A_594 = arith.addi %add3A_176, %add3A_593 : vector<16xi32>
        tpu.vector_store_idx %arg9[%add3A_592, %add3A_594], %gather3A_589 : memref<4x4096xf32, #tpu.memory_space<vmem>>[vector<16xi32>, vector<16xi32>], vector<16xf32>,
        %add3A_595 = arith.constant 0 : i32
        %add3A_596 = vector.broadcast %add3A_595 : i32 to vector<16xi32>
        %add3A_597 = arith.addi %add3A_596, %rem3A_35 : vector<16xi32>
        %gather3A_598 = tpu.vector_load_idx %arg7[%add3A_550, %add3A_597] : memref<512x32xf32, #tpu.memory_space<vmem>>[vector<16xi32>, vector<16xi32>], vector<16xf32>,
        %add3A_599 = arith.constant 0 : i32
        %add3A_600 = vector.broadcast %add3A_599 : i32 to vector<16xi32>
        %add3A_601 = arith.addi %shift_right_logical3A_112, %add3A_600 : vector<16xi32>
        %add3A_602 = vector.broadcast %add3A_548 : i32 to vector<16xi32>
        %add3A_603 = arith.addi %add3A_183, %add3A_602 : vector<16xi32>
        tpu.vector_store_idx %arg9[%add3A_601, %add3A_603], %gather3A_598 : memref<4x4096xf32, #tpu.memory_space<vmem>>[vector<16xi32>, vector<16xi32>], vector<16xf32>,
        %add3A_604 = arith.constant 0 : i32
        %add3A_605 = vector.broadcast %add3A_604 : i32 to vector<16xi32>
        %add3A_606 = arith.addi %add3A_605, %rem3A_41 : vector<16xi32>
        %gather3A_607 = tpu.vector_load_idx %arg7[%add3A_550, %add3A_606] : memref<512x32xf32, #tpu.memory_space<vmem>>[vector<16xi32>, vector<16xi32>], vector<16xf32>,
        %add3A_608 = arith.constant 0 : i32
        %add3A_609 = vector.broadcast %add3A_608 : i32 to vector<16xi32>
        %add3A_610 = arith.addi %shift_right_logical3A_115, %add3A_609 : vector<16xi32>
        %add3A_611 = vector.broadcast %add3A_548 : i32 to vector<16xi32>
        %add3A_612 = arith.addi %add3A_190, %add3A_611 : vector<16xi32>
        tpu.vector_store_idx %arg9[%add3A_610, %add3A_612], %gather3A_607 : memref<4x4096xf32, #tpu.memory_space<vmem>>[vector<16xi32>, vector<16xi32>], vector<16xf32>,
        %add3A_613 = arith.constant 0 : i32
        %add3A_614 = vector.broadcast %add3A_613 : i32 to vector<16xi32>
        %add3A_615 = arith.addi %add3A_614, %rem3A_47 : vector<16xi32>
        %gather3A_616 = tpu.vector_load_idx %arg7[%add3A_550, %add3A_615] : memref<512x32xf32, #tpu.memory_space<vmem>>[vector<16xi32>, vector<16xi32>], vector<16xf32>,
        %add3A_617 = arith.constant 0 : i32
        %add3A_618 = vector.broadcast %add3A_617 : i32 to vector<16xi32>
        %add3A_619 = arith.addi %shift_right_logical3A_118, %add3A_618 : vector<16xi32>
        %add3A_620 = vector.broadcast %add3A_548 : i32 to vector<16xi32>
        %add3A_621 = arith.addi %add3A_197, %add3A_620 : vector<16xi32>
        tpu.vector_store_idx %arg9[%add3A_619, %add3A_621], %gather3A_616 : memref<4x4096xf32, #tpu.memory_space<vmem>>[vector<16xi32>, vector<16xi32>], vector<16xf32>,
        %add3A_622 = arith.constant 0 : i32
        %add3A_623 = vector.broadcast %add3A_622 : i32 to vector<16xi32>
        %add3A_624 = arith.addi %add3A_623, %rem3A_53 : vector<16xi32>
        %gather3A_625 = tpu.vector_load_idx %arg7[%add3A_550, %add3A_624] : memref<512x32xf32, #tpu.memory_space<vmem>>[vector<16xi32>, vector<16xi32>], vector<16xf32>,
        %add3A_626 = arith.constant 0 : i32
        %add3A_627 = vector.broadcast %add3A_626 : i32 to vector<16xi32>
        %add3A_628 = arith.addi %shift_right_logical3A_121, %add3A_627 : vector<16xi32>
        %add3A_629 = vector.broadcast %add3A_548 : i32 to vector<16xi32>
        %add3A_630 = arith.addi %add3A_204, %add3A_629 : vector<16xi32>
        tpu.vector_store_idx %arg9[%add3A_628, %add3A_630], %gather3A_625 : memref<4x4096xf32, #tpu.memory_space<vmem>>[vector<16xi32>, vector<16xi32>], vector<16xf32>,
        %add3A_631 = arith.constant 0 : i32
        %add3A_632 = vector.broadcast %add3A_631 : i32 to vector<16xi32>
        %add3A_633 = arith.addi %add3A_632, %rem3A_59 : vector<16xi32>
        %gather3A_634 = tpu.vector_load_idx %arg7[%add3A_550, %add3A_633] : memref<512x32xf32, #tpu.memory_space<vmem>>[vector<16xi32>, vector<16xi32>], vector<16xf32>,
        %add3A_635 = arith.constant 0 : i32
        %add3A_636 = vector.broadcast %add3A_635 : i32 to vector<16xi32>
        %add3A_637 = arith.addi %shift_right_logical3A_124, %add3A_636 : vector<16xi32>
        %add3A_638 = vector.broadcast %add3A_548 : i32 to vector<16xi32>
        %add3A_639 = arith.addi %add3A_211, %add3A_638 : vector<16xi32>
        tpu.vector_store_idx %arg9[%add3A_637, %add3A_639], %gather3A_634 : memref<4x4096xf32, #tpu.memory_space<vmem>>[vector<16xi32>, vector<16xi32>], vector<16xf32>,
        %add3A_640 = arith.constant 0 : i32
        %add3A_641 = vector.broadcast %add3A_640 : i32 to vector<16xi32>
        %add3A_642 = arith.addi %add3A_641, %rem3A_65 : vector<16xi32>
        %gather3A_643 = tpu.vector_load_idx %arg7[%add3A_550, %add3A_642] : memref<512x32xf32, #tpu.memory_space<vmem>>[vector<16xi32>, vector<16xi32>], vector<16xf32>,
        %add3A_644 = arith.constant 0 : i32
        %add3A_645 = vector.broadcast %add3A_644 : i32 to vector<16xi32>
        %add3A_646 = arith.addi %shift_right_logical3A_127, %add3A_645 : vector<16xi32>
        %add3A_647 = vector.broadcast %add3A_548 : i32 to vector<16xi32>
        %add3A_648 = arith.addi %add3A_218, %add3A_647 : vector<16xi32>
        tpu.vector_store_idx %arg9[%add3A_646, %add3A_648], %gather3A_643 : memref<4x4096xf32, #tpu.memory_space<vmem>>[vector<16xi32>, vector<16xi32>], vector<16xf32>,
        %add3A_649 = arith.constant 0 : i32
        %add3A_650 = vector.broadcast %add3A_649 : i32 to vector<16xi32>
        %add3A_651 = arith.addi %add3A_650, %rem3A_71 : vector<16xi32>
        %gather3A_652 = tpu.vector_load_idx %arg7[%add3A_550, %add3A_651] : memref<512x32xf32, #tpu.memory_space<vmem>>[vector<16xi32>, vector<16xi32>], vector<16xf32>,
        %add3A_653 = arith.constant 0 : i32
        %add3A_654 = vector.broadcast %add3A_653 : i32 to vector<16xi32>
        %add3A_655 = arith.addi %shift_right_logical3A_130, %add3A_654 : vector<16xi32>
        %add3A_656 = vector.broadcast %add3A_548 : i32 to vector<16xi32>
        %add3A_657 = arith.addi %add3A_225, %add3A_656 : vector<16xi32>
        tpu.vector_store_idx %arg9[%add3A_655, %add3A_657], %gather3A_652 : memref<4x4096xf32, #tpu.memory_space<vmem>>[vector<16xi32>, vector<16xi32>], vector<16xf32>,
        %add3A_658 = arith.constant 0 : i32
        %add3A_659 = vector.broadcast %add3A_658 : i32 to vector<16xi32>
        %add3A_660 = arith.addi %add3A_659, %rem3A_77 : vector<16xi32>
        %gather3A_661 = tpu.vector_load_idx %arg7[%add3A_550, %add3A_660] : memref<512x32xf32, #tpu.memory_space<vmem>>[vector<16xi32>, vector<16xi32>], vector<16xf32>,
        %add3A_662 = arith.constant 0 : i32
        %add3A_663 = vector.broadcast %add3A_662 : i32 to vector<16xi32>
        %add3A_664 = arith.addi %shift_right_logical3A_133, %add3A_663 : vector<16xi32>
        %add3A_665 = vector.broadcast %add3A_548 : i32 to vector<16xi32>
        %add3A_666 = arith.addi %add3A_232, %add3A_665 : vector<16xi32>
        tpu.vector_store_idx %arg9[%add3A_664, %add3A_666], %gather3A_661 : memref<4x4096xf32, #tpu.memory_space<vmem>>[vector<16xi32>, vector<16xi32>], vector<16xf32>,
        %add3A_667 = arith.constant 0 : i32
        %add3A_668 = vector.broadcast %add3A_667 : i32 to vector<16xi32>
        %add3A_669 = arith.addi %add3A_668, %rem3A_83 : vector<16xi32>
        %gather3A_670 = tpu.vector_load_idx %arg7[%add3A_550, %add3A_669] : memref<512x32xf32, #tpu.memory_space<vmem>>[vector<16xi32>, vector<16xi32>], vector<16xf32>,
        %add3A_671 = arith.constant 0 : i32
        %add3A_672 = vector.broadcast %add3A_671 : i32 to vector<16xi32>
        %add3A_673 = arith.addi %shift_right_logical3A_136, %add3A_672 : vector<16xi32>
        %add3A_674 = vector.broadcast %add3A_548 : i32 to vector<16xi32>
        %add3A_675 = arith.addi %add3A_239, %add3A_674 : vector<16xi32>
        tpu.vector_store_idx %arg9[%add3A_673, %add3A_675], %gather3A_670 : memref<4x4096xf32, #tpu.memory_space<vmem>>[vector<16xi32>, vector<16xi32>], vector<16xf32>,
        %add3A_676 = arith.constant 0 : i32
        %add3A_677 = vector.broadcast %add3A_676 : i32 to vector<16xi32>
        %add3A_678 = arith.addi %add3A_677, %rem3A_89 : vector<16xi32>
        %gather3A_679 = tpu.vector_load_idx %arg7[%add3A_550, %add3A_678] : memref<512x32xf32, #tpu.memory_space<vmem>>[vector<16xi32>, vector<16xi32>], vector<16xf32>,
        %add3A_680 = arith.constant 0 : i32
        %add3A_681 = vector.broadcast %add3A_680 : i32 to vector<16xi32>
        %add3A_682 = arith.addi %shift_right_logical3A_139, %add3A_681 : vector<16xi32>
        %add3A_683 = vector.broadcast %add3A_548 : i32 to vector<16xi32>
        %add3A_684 = arith.addi %add3A_246, %add3A_683 : vector<16xi32>
        tpu.vector_store_idx %arg9[%add3A_682, %add3A_684], %gather3A_679 : memref<4x4096xf32, #tpu.memory_space<vmem>>[vector<16xi32>, vector<16xi32>], vector<16xf32>,
        %add3A_685 = arith.constant 0 : i32
        %add3A_686 = vector.broadcast %add3A_685 : i32 to vector<16xi32>
        %add3A_687 = arith.addi %add3A_686, %rem3A_95 : vector<16xi32>
        %gather3A_688 = tpu.vector_load_idx %arg7[%add3A_550, %add3A_687] : memref<512x32xf32, #tpu.memory_space<vmem>>[vector<16xi32>, vector<16xi32>], vector<16xf32>,
        %add3A_689 = arith.constant 0 : i32
        %add3A_690 = vector.broadcast %add3A_689 : i32 to vector<16xi32>
        %add3A_691 = arith.addi %shift_right_logical3A_142, %add3A_690 : vector<16xi32>
        %add3A_692 = vector.broadcast %add3A_548 : i32 to vector<16xi32>
        %add3A_693 = arith.addi %add3A_253, %add3A_692 : vector<16xi32>
        tpu.vector_store_idx %arg9[%add3A_691, %add3A_693], %gather3A_688 : memref<4x4096xf32, #tpu.memory_space<vmem>>[vector<16xi32>, vector<16xi32>], vector<16xf32>,
        %add3A_694 = arith.constant 16 : i32
        %add3A_695 = vector.broadcast %add3A_694 : i32 to vector<16xi32>
        %add3A_696 = arith.addi %add3A_695, %rem3A_5 : vector<16xi32>
        %gather3A_697 = tpu.vector_load_idx %arg7[%add3A_550, %add3A_696] : memref<512x32xf32, #tpu.memory_space<vmem>>[vector<16xi32>, vector<16xi32>], vector<16xf32>,
        %add3A_698 = arith.constant 2 : i32
        %add3A_699 = vector.broadcast %add3A_698 : i32 to vector<16xi32>
        %add3A_700 = arith.addi %shift_right_logical3A_97, %add3A_699 : vector<16xi32>
        %add3A_701 = vector.broadcast %add3A_548 : i32 to vector<16xi32>
        %add3A_702 = arith.addi %add3A_148, %add3A_701 : vector<16xi32>
        tpu.vector_store_idx %arg9[%add3A_700, %add3A_702], %gather3A_697 : memref<4x4096xf32, #tpu.memory_space<vmem>>[vector<16xi32>, vector<16xi32>], vector<16xf32>,
        %add3A_703 = arith.constant 16 : i32
        %add3A_704 = vector.broadcast %add3A_703 : i32 to vector<16xi32>
        %add3A_705 = arith.addi %add3A_704, %rem3A_11 : vector<16xi32>
        %gather3A_706 = tpu.vector_load_idx %arg7[%add3A_550, %add3A_705] : memref<512x32xf32, #tpu.memory_space<vmem>>[vector<16xi32>, vector<16xi32>], vector<16xf32>,
        %add3A_707 = arith.constant 2 : i32
        %add3A_708 = vector.broadcast %add3A_707 : i32 to vector<16xi32>
        %add3A_709 = arith.addi %shift_right_logical3A_100, %add3A_708 : vector<16xi32>
        %add3A_710 = vector.broadcast %add3A_548 : i32 to vector<16xi32>
        %add3A_711 = arith.addi %add3A_155, %add3A_710 : vector<16xi32>
        tpu.vector_store_idx %arg9[%add3A_709, %add3A_711], %gather3A_706 : memref<4x4096xf32, #tpu.memory_space<vmem>>[vector<16xi32>, vector<16xi32>], vector<16xf32>,
        %add3A_712 = arith.constant 16 : i32
        %add3A_713 = vector.broadcast %add3A_712 : i32 to vector<16xi32>
        %add3A_714 = arith.addi %add3A_713, %rem3A_17 : vector<16xi32>
        %gather3A_715 = tpu.vector_load_idx %arg7[%add3A_550, %add3A_714] : memref<512x32xf32, #tpu.memory_space<vmem>>[vector<16xi32>, vector<16xi32>], vector<16xf32>,
        %add3A_716 = arith.constant 2 : i32
        %add3A_717 = vector.broadcast %add3A_716 : i32 to vector<16xi32>
        %add3A_718 = arith.addi %shift_right_logical3A_103, %add3A_717 : vector<16xi32>
        %add3A_719 = vector.broadcast %add3A_548 : i32 to vector<16xi32>
        %add3A_720 = arith.addi %add3A_162, %add3A_719 : vector<16xi32>
        tpu.vector_store_idx %arg9[%add3A_718, %add3A_720], %gather3A_715 : memref<4x4096xf32, #tpu.memory_space<vmem>>[vector<16xi32>, vector<16xi32>], vector<16xf32>,
        %add3A_721 = arith.constant 16 : i32
        %add3A_722 = vector.broadcast %add3A_721 : i32 to vector<16xi32>
        %add3A_723 = arith.addi %add3A_722, %rem3A_23 : vector<16xi32>
        %gather3A_724 = tpu.vector_load_idx %arg7[%add3A_550, %add3A_723] : memref<512x32xf32, #tpu.memory_space<vmem>>[vector<16xi32>, vector<16xi32>], vector<16xf32>,
        %add3A_725 = arith.constant 2 : i32
        %add3A_726 = vector.broadcast %add3A_725 : i32 to vector<16xi32>
        %add3A_727 = arith.addi %shift_right_logical3A_106, %add3A_726 : vector<16xi32>
        %add3A_728 = vector.broadcast %add3A_548 : i32 to vector<16xi32>
        %add3A_729 = arith.addi %add3A_169, %add3A_728 : vector<16xi32>
        tpu.vector_store_idx %arg9[%add3A_727, %add3A_729], %gather3A_724 : memref<4x4096xf32, #tpu.memory_space<vmem>>[vector<16xi32>, vector<16xi32>], vector<16xf32>,
        %add3A_730 = arith.constant 16 : i32
        %add3A_731 = vector.broadcast %add3A_730 : i32 to vector<16xi32>
        %add3A_732 = arith.addi %add3A_731, %rem3A_29 : vector<16xi32>
        %gather3A_733 = tpu.vector_load_idx %arg7[%add3A_550, %add3A_732] : memref<512x32xf32, #tpu.memory_space<vmem>>[vector<16xi32>, vector<16xi32>], vector<16xf32>,
        %add3A_734 = arith.constant 2 : i32
        %add3A_735 = vector.broadcast %add3A_734 : i32 to vector<16xi32>
        %add3A_736 = arith.addi %shift_right_logical3A_109, %add3A_735 : vector<16xi32>
        %add3A_737 = vector.broadcast %add3A_548 : i32 to vector<16xi32>
        %add3A_738 = arith.addi %add3A_176, %add3A_737 : vector<16xi32>
        tpu.vector_store_idx %arg9[%add3A_736, %add3A_738], %gather3A_733 : memref<4x4096xf32, #tpu.memory_space<vmem>>[vector<16xi32>, vector<16xi32>], vector<16xf32>,
        %add3A_739 = arith.constant 16 : i32
        %add3A_740 = vector.broadcast %add3A_739 : i32 to vector<16xi32>
        %add3A_741 = arith.addi %add3A_740, %rem3A_35 : vector<16xi32>
        %gather3A_742 = tpu.vector_load_idx %arg7[%add3A_550, %add3A_741] : memref<512x32xf32, #tpu.memory_space<vmem>>[vector<16xi32>, vector<16xi32>], vector<16xf32>,
        %add3A_743 = arith.constant 2 : i32
        %add3A_744 = vector.broadcast %add3A_743 : i32 to vector<16xi32>
        %add3A_745 = arith.addi %shift_right_logical3A_112, %add3A_744 : vector<16xi32>
        %add3A_746 = vector.broadcast %add3A_548 : i32 to vector<16xi32>
        %add3A_747 = arith.addi %add3A_183, %add3A_746 : vector<16xi32>
        tpu.vector_store_idx %arg9[%add3A_745, %add3A_747], %gather3A_742 : memref<4x4096xf32, #tpu.memory_space<vmem>>[vector<16xi32>, vector<16xi32>], vector<16xf32>,
        %add3A_748 = arith.constant 16 : i32
        %add3A_749 = vector.broadcast %add3A_748 : i32 to vector<16xi32>
        %add3A_750 = arith.addi %add3A_749, %rem3A_41 : vector<16xi32>
        %gather3A_751 = tpu.vector_load_idx %arg7[%add3A_550, %add3A_750] : memref<512x32xf32, #tpu.memory_space<vmem>>[vector<16xi32>, vector<16xi32>], vector<16xf32>,
        %add3A_752 = arith.constant 2 : i32
        %add3A_753 = vector.broadcast %add3A_752 : i32 to vector<16xi32>
        %add3A_754 = arith.addi %shift_right_logical3A_115, %add3A_753 : vector<16xi32>
        %add3A_755 = vector.broadcast %add3A_548 : i32 to vector<16xi32>
        %add3A_756 = arith.addi %add3A_190, %add3A_755 : vector<16xi32>
        tpu.vector_store_idx %arg9[%add3A_754, %add3A_756], %gather3A_751 : memref<4x4096xf32, #tpu.memory_space<vmem>>[vector<16xi32>, vector<16xi32>], vector<16xf32>,
        %add3A_757 = arith.constant 16 : i32
        %add3A_758 = vector.broadcast %add3A_757 : i32 to vector<16xi32>
        %add3A_759 = arith.addi %add3A_758, %rem3A_47 : vector<16xi32>
        %gather3A_760 = tpu.vector_load_idx %arg7[%add3A_550, %add3A_759] : memref<512x32xf32, #tpu.memory_space<vmem>>[vector<16xi32>, vector<16xi32>], vector<16xf32>,
        %add3A_761 = arith.constant 2 : i32
        %add3A_762 = vector.broadcast %add3A_761 : i32 to vector<16xi32>
        %add3A_763 = arith.addi %shift_right_logical3A_118, %add3A_762 : vector<16xi32>
        %add3A_764 = vector.broadcast %add3A_548 : i32 to vector<16xi32>
        %add3A_765 = arith.addi %add3A_197, %add3A_764 : vector<16xi32>
        tpu.vector_store_idx %arg9[%add3A_763, %add3A_765], %gather3A_760 : memref<4x4096xf32, #tpu.memory_space<vmem>>[vector<16xi32>, vector<16xi32>], vector<16xf32>,
        %add3A_766 = arith.constant 16 : i32
        %add3A_767 = vector.broadcast %add3A_766 : i32 to vector<16xi32>
        %add3A_768 = arith.addi %add3A_767, %rem3A_53 : vector<16xi32>
        %gather3A_769 = tpu.vector_load_idx %arg7[%add3A_550, %add3A_768] : memref<512x32xf32, #tpu.memory_space<vmem>>[vector<16xi32>, vector<16xi32>], vector<16xf32>,
        %add3A_770 = arith.constant 2 : i32
        %add3A_771 = vector.broadcast %add3A_770 : i32 to vector<16xi32>
        %add3A_772 = arith.addi %shift_right_logical3A_121, %add3A_771 : vector<16xi32>
        %add3A_773 = vector.broadcast %add3A_548 : i32 to vector<16xi32>
        %add3A_774 = arith.addi %add3A_204, %add3A_773 : vector<16xi32>
        tpu.vector_store_idx %arg9[%add3A_772, %add3A_774], %gather3A_769 : memref<4x4096xf32, #tpu.memory_space<vmem>>[vector<16xi32>, vector<16xi32>], vector<16xf32>,
        %add3A_775 = arith.constant 16 : i32
        %add3A_776 = vector.broadcast %add3A_775 : i32 to vector<16xi32>
        %add3A_777 = arith.addi %add3A_776, %rem3A_59 : vector<16xi32>
        %gather3A_778 = tpu.vector_load_idx %arg7[%add3A_550, %add3A_777] : memref<512x32xf32, #tpu.memory_space<vmem>>[vector<16xi32>, vector<16xi32>], vector<16xf32>,
        %add3A_779 = arith.constant 2 : i32
        %add3A_780 = vector.broadcast %add3A_779 : i32 to vector<16xi32>
        %add3A_781 = arith.addi %shift_right_logical3A_124, %add3A_780 : vector<16xi32>
        %add3A_782 = vector.broadcast %add3A_548 : i32 to vector<16xi32>
        %add3A_783 = arith.addi %add3A_211, %add3A_782 : vector<16xi32>
        tpu.vector_store_idx %arg9[%add3A_781, %add3A_783], %gather3A_778 : memref<4x4096xf32, #tpu.memory_space<vmem>>[vector<16xi32>, vector<16xi32>], vector<16xf32>,
        %add3A_784 = arith.constant 16 : i32
        %add3A_785 = vector.broadcast %add3A_784 : i32 to vector<16xi32>
        %add3A_786 = arith.addi %add3A_785, %rem3A_65 : vector<16xi32>
        %gather3A_787 = tpu.vector_load_idx %arg7[%add3A_550, %add3A_786] : memref<512x32xf32, #tpu.memory_space<vmem>>[vector<16xi32>, vector<16xi32>], vector<16xf32>,
        %add3A_788 = arith.constant 2 : i32
        %add3A_789 = vector.broadcast %add3A_788 : i32 to vector<16xi32>
        %add3A_790 = arith.addi %shift_right_logical3A_127, %add3A_789 : vector<16xi32>
        %add3A_791 = vector.broadcast %add3A_548 : i32 to vector<16xi32>
        %add3A_792 = arith.addi %add3A_218, %add3A_791 : vector<16xi32>
        tpu.vector_store_idx %arg9[%add3A_790, %add3A_792], %gather3A_787 : memref<4x4096xf32, #tpu.memory_space<vmem>>[vector<16xi32>, vector<16xi32>], vector<16xf32>,
        %add3A_793 = arith.constant 16 : i32
        %add3A_794 = vector.broadcast %add3A_793 : i32 to vector<16xi32>
        %add3A_795 = arith.addi %add3A_794, %rem3A_71 : vector<16xi32>
        %gather3A_796 = tpu.vector_load_idx %arg7[%add3A_550, %add3A_795] : memref<512x32xf32, #tpu.memory_space<vmem>>[vector<16xi32>, vector<16xi32>], vector<16xf32>,
        %add3A_797 = arith.constant 2 : i32
        %add3A_798 = vector.broadcast %add3A_797 : i32 to vector<16xi32>
        %add3A_799 = arith.addi %shift_right_logical3A_130, %add3A_798 : vector<16xi32>
        %add3A_800 = vector.broadcast %add3A_548 : i32 to vector<16xi32>
        %add3A_801 = arith.addi %add3A_225, %add3A_800 : vector<16xi32>
        tpu.vector_store_idx %arg9[%add3A_799, %add3A_801], %gather3A_796 : memref<4x4096xf32, #tpu.memory_space<vmem>>[vector<16xi32>, vector<16xi32>], vector<16xf32>,
        %add3A_802 = arith.constant 16 : i32
        %add3A_803 = vector.broadcast %add3A_802 : i32 to vector<16xi32>
        %add3A_804 = arith.addi %add3A_803, %rem3A_77 : vector<16xi32>
        %gather3A_805 = tpu.vector_load_idx %arg7[%add3A_550, %add3A_804] : memref<512x32xf32, #tpu.memory_space<vmem>>[vector<16xi32>, vector<16xi32>], vector<16xf32>,
        %add3A_806 = arith.constant 2 : i32
        %add3A_807 = vector.broadcast %add3A_806 : i32 to vector<16xi32>
        %add3A_808 = arith.addi %shift_right_logical3A_133, %add3A_807 : vector<16xi32>
        %add3A_809 = vector.broadcast %add3A_548 : i32 to vector<16xi32>
        %add3A_810 = arith.addi %add3A_232, %add3A_809 : vector<16xi32>
        tpu.vector_store_idx %arg9[%add3A_808, %add3A_810], %gather3A_805 : memref<4x4096xf32, #tpu.memory_space<vmem>>[vector<16xi32>, vector<16xi32>], vector<16xf32>,
        %add3A_811 = arith.constant 16 : i32
        %add3A_812 = vector.broadcast %add3A_811 : i32 to vector<16xi32>
        %add3A_813 = arith.addi %add3A_812, %rem3A_83 : vector<16xi32>
        %gather3A_814 = tpu.vector_load_idx %arg7[%add3A_550, %add3A_813] : memref<512x32xf32, #tpu.memory_space<vmem>>[vector<16xi32>, vector<16xi32>], vector<16xf32>,
        %add3A_815 = arith.constant 2 : i32
        %add3A_816 = vector.broadcast %add3A_815 : i32 to vector<16xi32>
        %add3A_817 = arith.addi %shift_right_logical3A_136, %add3A_816 : vector<16xi32>
        %add3A_818 = vector.broadcast %add3A_548 : i32 to vector<16xi32>
        %add3A_819 = arith.addi %add3A_239, %add3A_818 : vector<16xi32>
        tpu.vector_store_idx %arg9[%add3A_817, %add3A_819], %gather3A_814 : memref<4x4096xf32, #tpu.memory_space<vmem>>[vector<16xi32>, vector<16xi32>], vector<16xf32>,
        %add3A_820 = arith.constant 16 : i32
        %add3A_821 = vector.broadcast %add3A_820 : i32 to vector<16xi32>
        %add3A_822 = arith.addi %add3A_821, %rem3A_89 : vector<16xi32>
        %gather3A_823 = tpu.vector_load_idx %arg7[%add3A_550, %add3A_822] : memref<512x32xf32, #tpu.memory_space<vmem>>[vector<16xi32>, vector<16xi32>], vector<16xf32>,
        %add3A_824 = arith.constant 2 : i32
        %add3A_825 = vector.broadcast %add3A_824 : i32 to vector<16xi32>
        %add3A_826 = arith.addi %shift_right_logical3A_139, %add3A_825 : vector<16xi32>
        %add3A_827 = vector.broadcast %add3A_548 : i32 to vector<16xi32>
        %add3A_828 = arith.addi %add3A_246, %add3A_827 : vector<16xi32>
        tpu.vector_store_idx %arg9[%add3A_826, %add3A_828], %gather3A_823 : memref<4x4096xf32, #tpu.memory_space<vmem>>[vector<16xi32>, vector<16xi32>], vector<16xf32>,
        %add3A_829 = arith.constant 16 : i32
        %add3A_830 = vector.broadcast %add3A_829 : i32 to vector<16xi32>
        %add3A_831 = arith.addi %add3A_830, %rem3A_95 : vector<16xi32>
        %gather3A_832 = tpu.vector_load_idx %arg7[%add3A_550, %add3A_831] : memref<512x32xf32, #tpu.memory_space<vmem>>[vector<16xi32>, vector<16xi32>], vector<16xf32>,
        %add3A_833 = arith.constant 2 : i32
        %add3A_834 = vector.broadcast %add3A_833 : i32 to vector<16xi32>
        %add3A_835 = arith.addi %shift_right_logical3A_142, %add3A_834 : vector<16xi32>
        %add3A_836 = vector.broadcast %add3A_548 : i32 to vector<16xi32>
        %add3A_837 = arith.addi %add3A_253, %add3A_836 : vector<16xi32>
        tpu.vector_store_idx %arg9[%add3A_835, %add3A_837], %gather3A_832 : memref<4x4096xf32, #tpu.memory_space<vmem>>[vector<16xi32>, vector<16xi32>], vector<16xf32>,
      }
      %scan3A_403 = arith.constant 32 : i32
      %jit3A = arith.constant 1 : i32
      %div3A = arith.divsi %mul3A_385, %jit3A : i32
      %sign3A = arith.constant 0 : i32
      %sign3A_404 = arith.cmpi sgt, %mul3A_385, %sign3A : i32
      %sign3A_405 = arith.extui %sign3A_404 : i1 to i32
      %sign3A_406 = arith.constant 0 : i32
      %sign3A_407 = arith.cmpi slt, %mul3A_385, %sign3A_406 : i32
      %sign3A_408 = arith.extui %sign3A_407 : i1 to i32
      %sign3A_409 = arith.subi %sign3A_405, %sign3A_408 : i32
      %sign3A_410 = arith.constant 0 : i32
      %sign3A_411 = arith.cmpi sgt, %jit3A, %sign3A_410 : i32
      %sign3A_412 = arith.extui %sign3A_411 : i1 to i32
      %sign3A_413 = arith.constant 0 : i32
      %sign3A_414 = arith.cmpi slt, %jit3A, %sign3A_413 : i32
      %sign3A_415 = arith.extui %sign3A_414 : i1 to i32
      %sign3A_416 = arith.subi %sign3A_412, %sign3A_415 : i32
      %ne3A = arith.cmpi ne, %sign3A_409, %sign3A_416 : i32
      %rem3A_417 = arith.remsi %mul3A_385, %jit3A : i32
      %ne3A_418 = arith.constant 0 : i32
      %ne3A_419 = arith.cmpi ne, %rem3A_417, %ne3A_418 : i32
      %and3A_420 = arith.andi %ne3A, %ne3A_419 : i1
      %sub3A = arith.constant 1 : i32
      %sub3A_421 = arith.subi %div3A, %sub3A : i32
      %select_n3A = arith.select %and3A_420, %sub3A_421, %div3A : i32
      %rem3A_422 = arith.constant 1 : i32
      %rem3A_423 = arith.remsi %mul3A_385, %rem3A_422 : i32
      %mul3A_424 = arith.constant 4 : i32
      %mul3A_425 = arith.muli %mul3A_424, %rem3A_423 : i32
      %mul3A_426 = arith.constant 4 : i32
      %mul3A_427 = arith.muli %add3A, %mul3A_426 : i32
      %add3A_428 = arith.addi %mul3A_427, %mul3A_425 : i32
      %mul3A_429 = arith.constant 1024 : i32
      %mul3A_430 = arith.muli %mul3A_429, %add3A_428 : i32
      %dma_start3A_431 = arith.constant 0 : i32
      %dma_start3A_432 = tpu.memref_slice %arg4[%select_n3A, %dma_start3A_431, %mul3A_430] : memref<50x4x131072xf32, #tpu.memory_space<hbm>> -> memref<1x4x4096xf32, #tpu.memory_space<hbm>>
      %dma_start3A_433 = tpu.memref_squeeze %dma_start3A_432 : memref<1x4x4096xf32, #tpu.memory_space<hbm>> -> memref<4x4096xf32, #tpu.memory_space<hbm>>
      %dma_start3A_434 = arith.constant 0 : i32
      %dma_start3A_435 = tpu.memref_slice %arg4[%select_n3A, %dma_start3A_434, %mul3A_430] : memref<50x4x131072xf32, #tpu.memory_space<hbm>> -> memref<1x4x4096xf32, #tpu.memory_space<hbm>>
      %dma_start3A_436 = tpu.memref_squeeze %dma_start3A_435 : memref<1x4x4096xf32, #tpu.memory_space<hbm>> -> memref<4x4096xf32, #tpu.memory_space<hbm>>
      tpu.enqueue_dma source(%arg9 : memref<4x4096xf32, #tpu.memory_space<vmem>>) target(%dma_start3A_436 : memref<4x4096xf32, #tpu.memory_space<hbm>>) target_semaphore(%arg13 : memref<!tpu.dma_semaphore, #tpu.memory_space<semaphore_mem>>)
      %lt3A_437 = arith.constant 24 : i32
      %lt3A_438 = arith.cmpi slt, %scan3A_383, %lt3A_437 : i32
      %convert_element_type3A_439 = arith.extui %lt3A_438 : i1 to i32
      %cond3A_440 = arith.constant 0 : i32
      %cond3A_441 = arith.cmpi ne, %convert_element_type3A_439, %cond3A_440 : i32
      scf.if %cond3A_441 {
        %dma_wait3A_510 = arith.constant 0 : i32
        %dma_wait3A_511 = arith.constant 0 : i32
        %dma_wait3A_512 = tpu.memref_slice %arg3[%dma_wait3A_510, %dma_wait3A_511] : memref<50x16384xi32, #tpu.memory_space<hbm>> -> memref<1x512xi32, #tpu.memory_space<hbm>>
        %dma_wait3A_513 = tpu.memref_squeeze %dma_wait3A_512 : memref<1x512xi32, #tpu.memory_space<hbm>> -> memref<512xi32, #tpu.memory_space<hbm>>
        %dma_wait3A_514 = arith.constant 0 : i32
        %dma_wait3A_515 = tpu.memref_slice %arg3[%dma_wait3A_510, %dma_wait3A_514] : memref<50x16384xi32, #tpu.memory_space<hbm>> -> memref<1x512xi32, #tpu.memory_space<hbm>>
        %dma_wait3A_516 = tpu.memref_squeeze %dma_wait3A_515 : memref<1x512xi32, #tpu.memory_space<hbm>> -> memref<512xi32, #tpu.memory_space<hbm>>
        tpu.wait_dma2 semaphore(%arg15 : memref<!tpu.dma_semaphore, #tpu.memory_space<semaphore_mem>>) src(%dma_wait3A_516 : memref<512xi32, #tpu.memory_space<hbm>>) dst(%arg5 : memref<512xi32, #tpu.memory_space<vmem>>)
        %dma_start3A_517 = arith.constant 0 : i32
        %dma_start3A_518 = arith.constant 0 : i32
        %dma_start3A_519 = tpu.memref_slice %arg7[%dma_start3A_517, %dma_start3A_518] : memref<512x32xf32, #tpu.memory_space<vmem>> -> memref<128x32xf32, #tpu.memory_space<vmem>>
        %dma_start3A_520 = arith.constant 0 : i32
        %dma_start3A_521 = tpu.memref_slice %arg5[%dma_start3A_520] : memref<512xi32, #tpu.memory_space<vmem>> -> memref<128xi32, #tpu.memory_space<vmem>>
        %dma_start3A_522 = arith.constant 0 : i32
        %dma_start3A_523 = arith.constant 0 : i32
        %dma_start3A_524 = tpu.memref_slice %arg2[%dma_start3A_522, %dma_start3A_523] : memref<1000000x32xf32, #tpu.memory_space<hbm>> -> memref<1000000x32xf32, #tpu.memory_space<hbm>>
        tpu.enqueue_indirect_dma source(%dma_start3A_524 : memref<1000000x32xf32, #tpu.memory_space<hbm>>) target(%dma_start3A_519 : memref<128x32xf32, #tpu.memory_space<vmem>>) offsets(%dma_start3A_521 : memref<128xi32, #tpu.memory_space<vmem>>) semaphore(%arg11 : memref<!tpu.dma_semaphore, #tpu.memory_space<semaphore_mem>>)
        %dma_start3A_525 = arith.constant 128 : i32
        %dma_start3A_526 = arith.constant 0 : i32
        %dma_start3A_527 = tpu.memref_slice %arg7[%dma_start3A_525, %dma_start3A_526] : memref<512x32xf32, #tpu.memory_space<vmem>> -> memref<128x32xf32, #tpu.memory_space<vmem>>
        %dma_start3A_528 = arith.constant 128 : i32
        %dma_start3A_529 = tpu.memref_slice %arg5[%dma_start3A_528] : memref<512xi32, #tpu.memory_space<vmem>> -> memref<128xi32, #tpu.memory_space<vmem>>
        %dma_start3A_530 = arith.constant 0 : i32
        %dma_start3A_531 = arith.constant 0 : i32
        %dma_start3A_532 = tpu.memref_slice %arg2[%dma_start3A_530, %dma_start3A_531] : memref<1000000x32xf32, #tpu.memory_space<hbm>> -> memref<1000000x32xf32, #tpu.memory_space<hbm>>
        tpu.enqueue_indirect_dma source(%dma_start3A_532 : memref<1000000x32xf32, #tpu.memory_space<hbm>>) target(%dma_start3A_527 : memref<128x32xf32, #tpu.memory_space<vmem>>) offsets(%dma_start3A_529 : memref<128xi32, #tpu.memory_space<vmem>>) semaphore(%arg11 : memref<!tpu.dma_semaphore, #tpu.memory_space<semaphore_mem>>)
        %dma_start3A_533 = arith.constant 256 : i32
        %dma_start3A_534 = arith.constant 0 : i32
        %dma_start3A_535 = tpu.memref_slice %arg7[%dma_start3A_533, %dma_start3A_534] : memref<512x32xf32, #tpu.memory_space<vmem>> -> memref<128x32xf32, #tpu.memory_space<vmem>>
        %dma_start3A_536 = arith.constant 256 : i32
        %dma_start3A_537 = tpu.memref_slice %arg5[%dma_start3A_536] : memref<512xi32, #tpu.memory_space<vmem>> -> memref<128xi32, #tpu.memory_space<vmem>>
        %dma_start3A_538 = arith.constant 0 : i32
        %dma_start3A_539 = arith.constant 0 : i32
        %dma_start3A_540 = tpu.memref_slice %arg2[%dma_start3A_538, %dma_start3A_539] : memref<1000000x32xf32, #tpu.memory_space<hbm>> -> memref<1000000x32xf32, #tpu.memory_space<hbm>>
        tpu.enqueue_indirect_dma source(%dma_start3A_540 : memref<1000000x32xf32, #tpu.memory_space<hbm>>) target(%dma_start3A_535 : memref<128x32xf32, #tpu.memory_space<vmem>>) offsets(%dma_start3A_537 : memref<128xi32, #tpu.memory_space<vmem>>) semaphore(%arg11 : memref<!tpu.dma_semaphore, #tpu.memory_space<semaphore_mem>>)
        %dma_start3A_541 = arith.constant 384 : i32
        %dma_start3A_542 = arith.constant 0 : i32
        %dma_start3A_543 = tpu.memref_slice %arg7[%dma_start3A_541, %dma_start3A_542] : memref<512x32xf32, #tpu.memory_space<vmem>> -> memref<128x32xf32, #tpu.memory_space<vmem>>
        %dma_start3A_544 = arith.constant 384 : i32
        %dma_start3A_545 = tpu.memref_slice %arg5[%dma_start3A_544] : memref<512xi32, #tpu.memory_space<vmem>> -> memref<128xi32, #tpu.memory_space<vmem>>
        %dma_start3A_546 = arith.constant 0 : i32
        %dma_start3A_547 = arith.constant 0 : i32
        %dma_start3A_548 = tpu.memref_slice %arg2[%dma_start3A_546, %dma_start3A_547] : memref<1000000x32xf32, #tpu.memory_space<hbm>> -> memref<1000000x32xf32, #tpu.memory_space<hbm>>
        tpu.enqueue_indirect_dma source(%dma_start3A_548 : memref<1000000x32xf32, #tpu.memory_space<hbm>>) target(%dma_start3A_543 : memref<128x32xf32, #tpu.memory_space<vmem>>) offsets(%dma_start3A_545 : memref<128xi32, #tpu.memory_space<vmem>>) semaphore(%arg11 : memref<!tpu.dma_semaphore, #tpu.memory_space<semaphore_mem>>)
      } else {
      }
      %add3A_442 = arith.constant 1 : i32
      %add3A_443 = arith.addi %mul3A_385, %add3A_442 : i32
      %dma_wait3A_444 = arith.constant 0 : i32
      %dma_wait3A_445 = arith.constant 0 : i32
      %dma_wait3A_446 = tpu.memref_slice %arg2[%dma_wait3A_444, %dma_wait3A_445] : memref<1000000x32xf32, #tpu.memory_space<hbm>> -> memref<512x32xf32, #tpu.memory_space<hbm>>
      %dma_wait3A_447 = arith.constant 0 : i32
      %dma_wait3A_448 = arith.constant 0 : i32
      %dma_wait3A_449 = tpu.memref_slice %arg2[%dma_wait3A_447, %dma_wait3A_448] : memref<1000000x32xf32, #tpu.memory_space<hbm>> -> memref<512x32xf32, #tpu.memory_space<hbm>>
      tpu.wait_dma2 semaphore(%arg12 : memref<!tpu.dma_semaphore, #tpu.memory_space<semaphore_mem>>) src(%dma_wait3A_449 : memref<512x32xf32, #tpu.memory_space<hbm>>) dst(%arg8 : memref<512x32xf32, #tpu.memory_space<vmem>>)
      %lt3A_450 = arith.constant 24 : i32
      %lt3A_451 = arith.cmpi slt, %scan3A_383, %lt3A_450 : i32
      %convert_element_type3A_452 = arith.extui %lt3A_451 : i1 to i32
      %cond3A_453 = arith.constant 0 : i32
      %cond3A_454 = arith.cmpi ne, %convert_element_type3A_452, %cond3A_453 : i32
      scf.if %cond3A_454 {
        %add3A_510 = arith.constant 2 : i32
        %add3A_511 = arith.addi %add3A_443, %add3A_510 : i32
        %jit3A_512 = arith.constant 1 : i32
        %div3A_513 = arith.divsi %add3A_511, %jit3A_512 : i32
        %sign3A_514 = arith.constant 0 : i32
        %sign3A_515 = arith.cmpi sgt, %add3A_511, %sign3A_514 : i32
        %sign3A_516 = arith.extui %sign3A_515 : i1 to i32
        %sign3A_517 = arith.constant 0 : i32
        %sign3A_518 = arith.cmpi slt, %add3A_511, %sign3A_517 : i32
        %sign3A_519 = arith.extui %sign3A_518 : i1 to i32
        %sign3A_520 = arith.subi %sign3A_516, %sign3A_519 : i32
        %sign3A_521 = arith.constant 0 : i32
        %sign3A_522 = arith.cmpi sgt, %jit3A_512, %sign3A_521 : i32
        %sign3A_523 = arith.extui %sign3A_522 : i1 to i32
        %sign3A_524 = arith.constant 0 : i32
        %sign3A_525 = arith.cmpi slt, %jit3A_512, %sign3A_524 : i32
        %sign3A_526 = arith.extui %sign3A_525 : i1 to i32
        %sign3A_527 = arith.subi %sign3A_523, %sign3A_526 : i32
        %ne3A_528 = arith.cmpi ne, %sign3A_520, %sign3A_527 : i32
        %rem3A_529 = arith.remsi %add3A_511, %jit3A_512 : i32
        %ne3A_530 = arith.constant 0 : i32
        %ne3A_531 = arith.cmpi ne, %rem3A_529, %ne3A_530 : i32
        %and3A_532 = arith.andi %ne3A_528, %ne3A_531 : i1
        %sub3A_533 = arith.constant 1 : i32
        %sub3A_534 = arith.subi %div3A_513, %sub3A_533 : i32
        %select_n3A_535 = arith.select %and3A_532, %sub3A_534, %div3A_513 : i32
        %rem3A_536 = arith.constant 1 : i32
        %rem3A_537 = arith.remsi %add3A_511, %rem3A_536 : i32
        %mul3A_538 = arith.constant 4 : i32
        %mul3A_539 = arith.muli %mul3A_538, %rem3A_537 : i32
        %mul3A_540 = arith.constant 4 : i32
        %mul3A_541 = arith.muli %add3A, %mul3A_540 : i32
        %add3A_542 = arith.addi %mul3A_541, %mul3A_539 : i32
        %mul3A_543 = arith.constant 128 : i32
        %mul3A_544 = arith.muli %mul3A_543, %add3A_542 : i32
        %dma_start3A_545 = tpu.memref_slice %arg3[%select_n3A_535, %mul3A_544] : memref<50x16384xi32, #tpu.memory_space<hbm>> -> memref<1x512xi32, #tpu.memory_space<hbm>>
        %dma_start3A_546 = tpu.memref_squeeze %dma_start3A_545 : memref<1x512xi32, #tpu.memory_space<hbm>> -> memref<512xi32, #tpu.memory_space<hbm>>
        %dma_start3A_547 = tpu.memref_slice %arg3[%select_n3A_535, %mul3A_544] : memref<50x16384xi32, #tpu.memory_space<hbm>> -> memref<1x512xi32, #tpu.memory_space<hbm>>
        %dma_start3A_548 = tpu.memref_squeeze %dma_start3A_547 : memref<1x512xi32, #tpu.memory_space<hbm>> -> memref<512xi32, #tpu.memory_space<hbm>>
        tpu.enqueue_dma source(%dma_start3A_548 : memref<512xi32, #tpu.memory_space<hbm>>) target(%arg6 : memref<512xi32, #tpu.memory_space<vmem>>) target_semaphore(%arg16 : memref<!tpu.dma_semaphore, #tpu.memory_space<semaphore_mem>>)
      } else {
      }
      %ge3A_455 = arith.constant 1 : i32
      %ge3A_456 = arith.cmpi sge, %scan3A_383, %ge3A_455 : i32
      %convert_element_type3A_457 = arith.extui %ge3A_456 : i1 to i32
      %cond3A_458 = arith.constant 0 : i32
      %cond3A_459 = arith.cmpi ne, %convert_element_type3A_457, %cond3A_458 : i32
      scf.if %cond3A_459 {
        %dma_wait3A_510 = arith.constant 0 : i32
        %dma_wait3A_511 = arith.constant 0 : i32
        %dma_wait3A_512 = arith.constant 0 : i32
        %dma_wait3A_513 = tpu.memref_slice %arg4[%dma_wait3A_510, %dma_wait3A_511, %dma_wait3A_512] : memref<50x4x131072xf32, #tpu.memory_space<hbm>> -> memref<1x4x4096xf32, #tpu.memory_space<hbm>>
        %dma_wait3A_514 = tpu.memref_squeeze %dma_wait3A_513 : memref<1x4x4096xf32, #tpu.memory_space<hbm>> -> memref<4x4096xf32, #tpu.memory_space<hbm>>
        %dma_wait3A_515 = arith.constant 0 : i32
        %dma_wait3A_516 = arith.constant 0 : i32
        %dma_wait3A_517 = tpu.memref_slice %arg4[%dma_wait3A_510, %dma_wait3A_515, %dma_wait3A_516] : memref<50x4x131072xf32, #tpu.memory_space<hbm>> -> memref<1x4x4096xf32, #tpu.memory_space<hbm>>
        %dma_wait3A_518 = tpu.memref_squeeze %dma_wait3A_517 : memref<1x4x4096xf32, #tpu.memory_space<hbm>> -> memref<4x4096xf32, #tpu.memory_space<hbm>>
        tpu.wait_dma2 semaphore(%arg14 : memref<!tpu.dma_semaphore, #tpu.memory_space<semaphore_mem>>) src(%dma_wait3A_518 : memref<4x4096xf32, #tpu.memory_space<hbm>>) dst(%arg10 : memref<4x4096xf32, #tpu.memory_space<vmem>>)
      } else {
      }
      %scan3A_460 = arith.constant 0 : i32
      %scan3A_461 = arith.constant 0 : i32
      %scan3A_462 = arith.constant 32 : i32
      %scan3A_463 = arith.addi %scan3A_461, %scan3A_462 : i32
      %scan3A_464 = arith.constant 1 : i32
      scf.for %scan3A_510 = %scan3A_461 to %scan3A_463 step %scan3A_464  : i32 {
        %jit3A_511 = arith.constant 8 : i32
        %div3A_512 = arith.divsi %scan3A_510, %jit3A_511 : i32
        %sign3A_513 = arith.constant 0 : i32
        %sign3A_514 = arith.cmpi sgt, %scan3A_510, %sign3A_513 : i32
        %sign3A_515 = arith.extui %sign3A_514 : i1 to i32
        %sign3A_516 = arith.constant 0 : i32
        %sign3A_517 = arith.cmpi slt, %scan3A_510, %sign3A_516 : i32
        %sign3A_518 = arith.extui %sign3A_517 : i1 to i32
        %sign3A_519 = arith.subi %sign3A_515, %sign3A_518 : i32
        %sign3A_520 = arith.constant 0 : i32
        %sign3A_521 = arith.cmpi sgt, %jit3A_511, %sign3A_520 : i32
        %sign3A_522 = arith.extui %sign3A_521 : i1 to i32
        %sign3A_523 = arith.constant 0 : i32
        %sign3A_524 = arith.cmpi slt, %jit3A_511, %sign3A_523 : i32
        %sign3A_525 = arith.extui %sign3A_524 : i1 to i32
        %sign3A_526 = arith.subi %sign3A_522, %sign3A_525 : i32
        %ne3A_527 = arith.cmpi ne, %sign3A_519, %sign3A_526 : i32
        %rem3A_528 = arith.remsi %scan3A_510, %jit3A_511 : i32
        %ne3A_529 = arith.constant 0 : i32
        %ne3A_530 = arith.cmpi ne, %rem3A_528, %ne3A_529 : i32
        %and3A_531 = arith.andi %ne3A_527, %ne3A_530 : i1
        %sub3A_532 = arith.constant 1 : i32
        %sub3A_533 = arith.subi %div3A_512, %sub3A_532 : i32
        %select_n3A_534 = arith.select %and3A_531, %sub3A_533, %div3A_512 : i32
        %rem3A_535 = arith.constant 8 : i32
        %rem3A_536 = arith.remsi %scan3A_510, %rem3A_535 : i32
        %mul3A_537 = arith.constant 128 : i32
        %mul3A_538 = arith.muli %select_n3A_534, %mul3A_537 : i32
        %mul3A_539 = arith.constant 16 : i32
        %mul3A_540 = arith.muli %mul3A_539, %rem3A_536 : i32
        %add3A_541 = arith.addi %mul3A_538, %mul3A_540 : i32
        %mul3A_542 = arith.constant 8 : i32
        %mul3A_543 = arith.muli %select_n3A_534, %mul3A_542 : i32
        %mul3A_544 = arith.constant 128 : i32
        %mul3A_545 = arith.muli %mul3A_543, %mul3A_544 : i32
        %mul3A_546 = arith.constant 16 : i32
        %mul3A_547 = arith.muli %mul3A_546, %rem3A_536 : i32
        %add3A_548 = arith.addi %mul3A_545, %mul3A_547 : i32
        %add3A_549 = vector.broadcast %add3A_541 : i32 to vector<16xi32>
        %add3A_550 = arith.addi %add3A_549, %iota3A : vector<16xi32>
        %add3A_551 = arith.constant 0 : i32
        %add3A_552 = vector.broadcast %add3A_551 : i32 to vector<16xi32>
        %add3A_553 = arith.addi %add3A_552, %rem3A_5 : vector<16xi32>
        %gather3A = tpu.vector_load_idx %arg8[%add3A_550, %add3A_553] : memref<512x32xf32, #tpu.memory_space<vmem>>[vector<16xi32>, vector<16xi32>], vector<16xf32>,
        %add3A_554 = arith.constant 0 : i32
        %add3A_555 = vector.broadcast %add3A_554 : i32 to vector<16xi32>
        %add3A_556 = arith.addi %shift_right_logical3A_97, %add3A_555 : vector<16xi32>
        %add3A_557 = vector.broadcast %add3A_548 : i32 to vector<16xi32>
        %add3A_558 = arith.addi %add3A_148, %add3A_557 : vector<16xi32>
        tpu.vector_store_idx %arg10[%add3A_556, %add3A_558], %gather3A : memref<4x4096xf32, #tpu.memory_space<vmem>>[vector<16xi32>, vector<16xi32>], vector<16xf32>,
        %add3A_559 = arith.constant 0 : i32
        %add3A_560 = vector.broadcast %add3A_559 : i32 to vector<16xi32>
        %add3A_561 = arith.addi %add3A_560, %rem3A_11 : vector<16xi32>
        %gather3A_562 = tpu.vector_load_idx %arg8[%add3A_550, %add3A_561] : memref<512x32xf32, #tpu.memory_space<vmem>>[vector<16xi32>, vector<16xi32>], vector<16xf32>,
        %add3A_563 = arith.constant 0 : i32
        %add3A_564 = vector.broadcast %add3A_563 : i32 to vector<16xi32>
        %add3A_565 = arith.addi %shift_right_logical3A_100, %add3A_564 : vector<16xi32>
        %add3A_566 = vector.broadcast %add3A_548 : i32 to vector<16xi32>
        %add3A_567 = arith.addi %add3A_155, %add3A_566 : vector<16xi32>
        tpu.vector_store_idx %arg10[%add3A_565, %add3A_567], %gather3A_562 : memref<4x4096xf32, #tpu.memory_space<vmem>>[vector<16xi32>, vector<16xi32>], vector<16xf32>,
        %add3A_568 = arith.constant 0 : i32
        %add3A_569 = vector.broadcast %add3A_568 : i32 to vector<16xi32>
        %add3A_570 = arith.addi %add3A_569, %rem3A_17 : vector<16xi32>
        %gather3A_571 = tpu.vector_load_idx %arg8[%add3A_550, %add3A_570] : memref<512x32xf32, #tpu.memory_space<vmem>>[vector<16xi32>, vector<16xi32>], vector<16xf32>,
        %add3A_572 = arith.constant 0 : i32
        %add3A_573 = vector.broadcast %add3A_572 : i32 to vector<16xi32>
        %add3A_574 = arith.addi %shift_right_logical3A_103, %add3A_573 : vector<16xi32>
        %add3A_575 = vector.broadcast %add3A_548 : i32 to vector<16xi32>
        %add3A_576 = arith.addi %add3A_162, %add3A_575 : vector<16xi32>
        tpu.vector_store_idx %arg10[%add3A_574, %add3A_576], %gather3A_571 : memref<4x4096xf32, #tpu.memory_space<vmem>>[vector<16xi32>, vector<16xi32>], vector<16xf32>,
        %add3A_577 = arith.constant 0 : i32
        %add3A_578 = vector.broadcast %add3A_577 : i32 to vector<16xi32>
        %add3A_579 = arith.addi %add3A_578, %rem3A_23 : vector<16xi32>
        %gather3A_580 = tpu.vector_load_idx %arg8[%add3A_550, %add3A_579] : memref<512x32xf32, #tpu.memory_space<vmem>>[vector<16xi32>, vector<16xi32>], vector<16xf32>,
        %add3A_581 = arith.constant 0 : i32
        %add3A_582 = vector.broadcast %add3A_581 : i32 to vector<16xi32>
        %add3A_583 = arith.addi %shift_right_logical3A_106, %add3A_582 : vector<16xi32>
        %add3A_584 = vector.broadcast %add3A_548 : i32 to vector<16xi32>
        %add3A_585 = arith.addi %add3A_169, %add3A_584 : vector<16xi32>
        tpu.vector_store_idx %arg10[%add3A_583, %add3A_585], %gather3A_580 : memref<4x4096xf32, #tpu.memory_space<vmem>>[vector<16xi32>, vector<16xi32>], vector<16xf32>,
        %add3A_586 = arith.constant 0 : i32
        %add3A_587 = vector.broadcast %add3A_586 : i32 to vector<16xi32>
        %add3A_588 = arith.addi %add3A_587, %rem3A_29 : vector<16xi32>
        %gather3A_589 = tpu.vector_load_idx %arg8[%add3A_550, %add3A_588] : memref<512x32xf32, #tpu.memory_space<vmem>>[vector<16xi32>, vector<16xi32>], vector<16xf32>,
        %add3A_590 = arith.constant 0 : i32
        %add3A_591 = vector.broadcast %add3A_590 : i32 to vector<16xi32>
        %add3A_592 = arith.addi %shift_right_logical3A_109, %add3A_591 : vector<16xi32>
        %add3A_593 = vector.broadcast %add3A_548 : i32 to vector<16xi32>
        %add3A_594 = arith.addi %add3A_176, %add3A_593 : vector<16xi32>
        tpu.vector_store_idx %arg10[%add3A_592, %add3A_594], %gather3A_589 : memref<4x4096xf32, #tpu.memory_space<vmem>>[vector<16xi32>, vector<16xi32>], vector<16xf32>,
        %add3A_595 = arith.constant 0 : i32
        %add3A_596 = vector.broadcast %add3A_595 : i32 to vector<16xi32>
        %add3A_597 = arith.addi %add3A_596, %rem3A_35 : vector<16xi32>
        %gather3A_598 = tpu.vector_load_idx %arg8[%add3A_550, %add3A_597] : memref<512x32xf32, #tpu.memory_space<vmem>>[vector<16xi32>, vector<16xi32>], vector<16xf32>,
        %add3A_599 = arith.constant 0 : i32
        %add3A_600 = vector.broadcast %add3A_599 : i32 to vector<16xi32>
        %add3A_601 = arith.addi %shift_right_logical3A_112, %add3A_600 : vector<16xi32>
        %add3A_602 = vector.broadcast %add3A_548 : i32 to vector<16xi32>
        %add3A_603 = arith.addi %add3A_183, %add3A_602 : vector<16xi32>
        tpu.vector_store_idx %arg10[%add3A_601, %add3A_603], %gather3A_598 : memref<4x4096xf32, #tpu.memory_space<vmem>>[vector<16xi32>, vector<16xi32>], vector<16xf32>,
        %add3A_604 = arith.constant 0 : i32
        %add3A_605 = vector.broadcast %add3A_604 : i32 to vector<16xi32>
        %add3A_606 = arith.addi %add3A_605, %rem3A_41 : vector<16xi32>
        %gather3A_607 = tpu.vector_load_idx %arg8[%add3A_550, %add3A_606] : memref<512x32xf32, #tpu.memory_space<vmem>>[vector<16xi32>, vector<16xi32>], vector<16xf32>,
        %add3A_608 = arith.constant 0 : i32
        %add3A_609 = vector.broadcast %add3A_608 : i32 to vector<16xi32>
        %add3A_610 = arith.addi %shift_right_logical3A_115, %add3A_609 : vector<16xi32>
        %add3A_611 = vector.broadcast %add3A_548 : i32 to vector<16xi32>
        %add3A_612 = arith.addi %add3A_190, %add3A_611 : vector<16xi32>
        tpu.vector_store_idx %arg10[%add3A_610, %add3A_612], %gather3A_607 : memref<4x4096xf32, #tpu.memory_space<vmem>>[vector<16xi32>, vector<16xi32>], vector<16xf32>,
        %add3A_613 = arith.constant 0 : i32
        %add3A_614 = vector.broadcast %add3A_613 : i32 to vector<16xi32>
        %add3A_615 = arith.addi %add3A_614, %rem3A_47 : vector<16xi32>
        %gather3A_616 = tpu.vector_load_idx %arg8[%add3A_550, %add3A_615] : memref<512x32xf32, #tpu.memory_space<vmem>>[vector<16xi32>, vector<16xi32>], vector<16xf32>,
        %add3A_617 = arith.constant 0 : i32
        %add3A_618 = vector.broadcast %add3A_617 : i32 to vector<16xi32>
        %add3A_619 = arith.addi %shift_right_logical3A_118, %add3A_618 : vector<16xi32>
        %add3A_620 = vector.broadcast %add3A_548 : i32 to vector<16xi32>
        %add3A_621 = arith.addi %add3A_197, %add3A_620 : vector<16xi32>
        tpu.vector_store_idx %arg10[%add3A_619, %add3A_621], %gather3A_616 : memref<4x4096xf32, #tpu.memory_space<vmem>>[vector<16xi32>, vector<16xi32>], vector<16xf32>,
        %add3A_622 = arith.constant 0 : i32
        %add3A_623 = vector.broadcast %add3A_622 : i32 to vector<16xi32>
        %add3A_624 = arith.addi %add3A_623, %rem3A_53 : vector<16xi32>
        %gather3A_625 = tpu.vector_load_idx %arg8[%add3A_550, %add3A_624] : memref<512x32xf32, #tpu.memory_space<vmem>>[vector<16xi32>, vector<16xi32>], vector<16xf32>,
        %add3A_626 = arith.constant 0 : i32
        %add3A_627 = vector.broadcast %add3A_626 : i32 to vector<16xi32>
        %add3A_628 = arith.addi %shift_right_logical3A_121, %add3A_627 : vector<16xi32>
        %add3A_629 = vector.broadcast %add3A_548 : i32 to vector<16xi32>
        %add3A_630 = arith.addi %add3A_204, %add3A_629 : vector<16xi32>
        tpu.vector_store_idx %arg10[%add3A_628, %add3A_630], %gather3A_625 : memref<4x4096xf32, #tpu.memory_space<vmem>>[vector<16xi32>, vector<16xi32>], vector<16xf32>,
        %add3A_631 = arith.constant 0 : i32
        %add3A_632 = vector.broadcast %add3A_631 : i32 to vector<16xi32>
        %add3A_633 = arith.addi %add3A_632, %rem3A_59 : vector<16xi32>
        %gather3A_634 = tpu.vector_load_idx %arg8[%add3A_550, %add3A_633] : memref<512x32xf32, #tpu.memory_space<vmem>>[vector<16xi32>, vector<16xi32>], vector<16xf32>,
        %add3A_635 = arith.constant 0 : i32
        %add3A_636 = vector.broadcast %add3A_635 : i32 to vector<16xi32>
        %add3A_637 = arith.addi %shift_right_logical3A_124, %add3A_636 : vector<16xi32>
        %add3A_638 = vector.broadcast %add3A_548 : i32 to vector<16xi32>
        %add3A_639 = arith.addi %add3A_211, %add3A_638 : vector<16xi32>
        tpu.vector_store_idx %arg10[%add3A_637, %add3A_639], %gather3A_634 : memref<4x4096xf32, #tpu.memory_space<vmem>>[vector<16xi32>, vector<16xi32>], vector<16xf32>,
        %add3A_640 = arith.constant 0 : i32
        %add3A_641 = vector.broadcast %add3A_640 : i32 to vector<16xi32>
        %add3A_642 = arith.addi %add3A_641, %rem3A_65 : vector<16xi32>
        %gather3A_643 = tpu.vector_load_idx %arg8[%add3A_550, %add3A_642] : memref<512x32xf32, #tpu.memory_space<vmem>>[vector<16xi32>, vector<16xi32>], vector<16xf32>,
        %add3A_644 = arith.constant 0 : i32
        %add3A_645 = vector.broadcast %add3A_644 : i32 to vector<16xi32>
        %add3A_646 = arith.addi %shift_right_logical3A_127, %add3A_645 : vector<16xi32>
        %add3A_647 = vector.broadcast %add3A_548 : i32 to vector<16xi32>
        %add3A_648 = arith.addi %add3A_218, %add3A_647 : vector<16xi32>
        tpu.vector_store_idx %arg10[%add3A_646, %add3A_648], %gather3A_643 : memref<4x4096xf32, #tpu.memory_space<vmem>>[vector<16xi32>, vector<16xi32>], vector<16xf32>,
        %add3A_649 = arith.constant 0 : i32
        %add3A_650 = vector.broadcast %add3A_649 : i32 to vector<16xi32>
        %add3A_651 = arith.addi %add3A_650, %rem3A_71 : vector<16xi32>
        %gather3A_652 = tpu.vector_load_idx %arg8[%add3A_550, %add3A_651] : memref<512x32xf32, #tpu.memory_space<vmem>>[vector<16xi32>, vector<16xi32>], vector<16xf32>,
        %add3A_653 = arith.constant 0 : i32
        %add3A_654 = vector.broadcast %add3A_653 : i32 to vector<16xi32>
        %add3A_655 = arith.addi %shift_right_logical3A_130, %add3A_654 : vector<16xi32>
        %add3A_656 = vector.broadcast %add3A_548 : i32 to vector<16xi32>
        %add3A_657 = arith.addi %add3A_225, %add3A_656 : vector<16xi32>
        tpu.vector_store_idx %arg10[%add3A_655, %add3A_657], %gather3A_652 : memref<4x4096xf32, #tpu.memory_space<vmem>>[vector<16xi32>, vector<16xi32>], vector<16xf32>,
        %add3A_658 = arith.constant 0 : i32
        %add3A_659 = vector.broadcast %add3A_658 : i32 to vector<16xi32>
        %add3A_660 = arith.addi %add3A_659, %rem3A_77 : vector<16xi32>
        %gather3A_661 = tpu.vector_load_idx %arg8[%add3A_550, %add3A_660] : memref<512x32xf32, #tpu.memory_space<vmem>>[vector<16xi32>, vector<16xi32>], vector<16xf32>,
        %add3A_662 = arith.constant 0 : i32
        %add3A_663 = vector.broadcast %add3A_662 : i32 to vector<16xi32>
        %add3A_664 = arith.addi %shift_right_logical3A_133, %add3A_663 : vector<16xi32>
        %add3A_665 = vector.broadcast %add3A_548 : i32 to vector<16xi32>
        %add3A_666 = arith.addi %add3A_232, %add3A_665 : vector<16xi32>
        tpu.vector_store_idx %arg10[%add3A_664, %add3A_666], %gather3A_661 : memref<4x4096xf32, #tpu.memory_space<vmem>>[vector<16xi32>, vector<16xi32>], vector<16xf32>,
        %add3A_667 = arith.constant 0 : i32
        %add3A_668 = vector.broadcast %add3A_667 : i32 to vector<16xi32>
        %add3A_669 = arith.addi %add3A_668, %rem3A_83 : vector<16xi32>
        %gather3A_670 = tpu.vector_load_idx %arg8[%add3A_550, %add3A_669] : memref<512x32xf32, #tpu.memory_space<vmem>>[vector<16xi32>, vector<16xi32>], vector<16xf32>,
        %add3A_671 = arith.constant 0 : i32
        %add3A_672 = vector.broadcast %add3A_671 : i32 to vector<16xi32>
        %add3A_673 = arith.addi %shift_right_logical3A_136, %add3A_672 : vector<16xi32>
        %add3A_674 = vector.broadcast %add3A_548 : i32 to vector<16xi32>
        %add3A_675 = arith.addi %add3A_239, %add3A_674 : vector<16xi32>
        tpu.vector_store_idx %arg10[%add3A_673, %add3A_675], %gather3A_670 : memref<4x4096xf32, #tpu.memory_space<vmem>>[vector<16xi32>, vector<16xi32>], vector<16xf32>,
        %add3A_676 = arith.constant 0 : i32
        %add3A_677 = vector.broadcast %add3A_676 : i32 to vector<16xi32>
        %add3A_678 = arith.addi %add3A_677, %rem3A_89 : vector<16xi32>
        %gather3A_679 = tpu.vector_load_idx %arg8[%add3A_550, %add3A_678] : memref<512x32xf32, #tpu.memory_space<vmem>>[vector<16xi32>, vector<16xi32>], vector<16xf32>,
        %add3A_680 = arith.constant 0 : i32
        %add3A_681 = vector.broadcast %add3A_680 : i32 to vector<16xi32>
        %add3A_682 = arith.addi %shift_right_logical3A_139, %add3A_681 : vector<16xi32>
        %add3A_683 = vector.broadcast %add3A_548 : i32 to vector<16xi32>
        %add3A_684 = arith.addi %add3A_246, %add3A_683 : vector<16xi32>
        tpu.vector_store_idx %arg10[%add3A_682, %add3A_684], %gather3A_679 : memref<4x4096xf32, #tpu.memory_space<vmem>>[vector<16xi32>, vector<16xi32>], vector<16xf32>,
        %add3A_685 = arith.constant 0 : i32
        %add3A_686 = vector.broadcast %add3A_685 : i32 to vector<16xi32>
        %add3A_687 = arith.addi %add3A_686, %rem3A_95 : vector<16xi32>
        %gather3A_688 = tpu.vector_load_idx %arg8[%add3A_550, %add3A_687] : memref<512x32xf32, #tpu.memory_space<vmem>>[vector<16xi32>, vector<16xi32>], vector<16xf32>,
        %add3A_689 = arith.constant 0 : i32
        %add3A_690 = vector.broadcast %add3A_689 : i32 to vector<16xi32>
        %add3A_691 = arith.addi %shift_right_logical3A_142, %add3A_690 : vector<16xi32>
        %add3A_692 = vector.broadcast %add3A_548 : i32 to vector<16xi32>
        %add3A_693 = arith.addi %add3A_253, %add3A_692 : vector<16xi32>
        tpu.vector_store_idx %arg10[%add3A_691, %add3A_693], %gather3A_688 : memref<4x4096xf32, #tpu.memory_space<vmem>>[vector<16xi32>, vector<16xi32>], vector<16xf32>,
        %add3A_694 = arith.constant 16 : i32
        %add3A_695 = vector.broadcast %add3A_694 : i32 to vector<16xi32>
        %add3A_696 = arith.addi %add3A_695, %rem3A_5 : vector<16xi32>
        %gather3A_697 = tpu.vector_load_idx %arg8[%add3A_550, %add3A_696] : memref<512x32xf32, #tpu.memory_space<vmem>>[vector<16xi32>, vector<16xi32>], vector<16xf32>,
        %add3A_698 = arith.constant 2 : i32
        %add3A_699 = vector.broadcast %add3A_698 : i32 to vector<16xi32>
        %add3A_700 = arith.addi %shift_right_logical3A_97, %add3A_699 : vector<16xi32>
        %add3A_701 = vector.broadcast %add3A_548 : i32 to vector<16xi32>
        %add3A_702 = arith.addi %add3A_148, %add3A_701 : vector<16xi32>
        tpu.vector_store_idx %arg10[%add3A_700, %add3A_702], %gather3A_697 : memref<4x4096xf32, #tpu.memory_space<vmem>>[vector<16xi32>, vector<16xi32>], vector<16xf32>,
        %add3A_703 = arith.constant 16 : i32
        %add3A_704 = vector.broadcast %add3A_703 : i32 to vector<16xi32>
        %add3A_705 = arith.addi %add3A_704, %rem3A_11 : vector<16xi32>
        %gather3A_706 = tpu.vector_load_idx %arg8[%add3A_550, %add3A_705] : memref<512x32xf32, #tpu.memory_space<vmem>>[vector<16xi32>, vector<16xi32>], vector<16xf32>,
        %add3A_707 = arith.constant 2 : i32
        %add3A_708 = vector.broadcast %add3A_707 : i32 to vector<16xi32>
        %add3A_709 = arith.addi %shift_right_logical3A_100, %add3A_708 : vector<16xi32>
        %add3A_710 = vector.broadcast %add3A_548 : i32 to vector<16xi32>
        %add3A_711 = arith.addi %add3A_155, %add3A_710 : vector<16xi32>
        tpu.vector_store_idx %arg10[%add3A_709, %add3A_711], %gather3A_706 : memref<4x4096xf32, #tpu.memory_space<vmem>>[vector<16xi32>, vector<16xi32>], vector<16xf32>,
        %add3A_712 = arith.constant 16 : i32
        %add3A_713 = vector.broadcast %add3A_712 : i32 to vector<16xi32>
        %add3A_714 = arith.addi %add3A_713, %rem3A_17 : vector<16xi32>
        %gather3A_715 = tpu.vector_load_idx %arg8[%add3A_550, %add3A_714] : memref<512x32xf32, #tpu.memory_space<vmem>>[vector<16xi32>, vector<16xi32>], vector<16xf32>,
        %add3A_716 = arith.constant 2 : i32
        %add3A_717 = vector.broadcast %add3A_716 : i32 to vector<16xi32>
        %add3A_718 = arith.addi %shift_right_logical3A_103, %add3A_717 : vector<16xi32>
        %add3A_719 = vector.broadcast %add3A_548 : i32 to vector<16xi32>
        %add3A_720 = arith.addi %add3A_162, %add3A_719 : vector<16xi32>
        tpu.vector_store_idx %arg10[%add3A_718, %add3A_720], %gather3A_715 : memref<4x4096xf32, #tpu.memory_space<vmem>>[vector<16xi32>, vector<16xi32>], vector<16xf32>,
        %add3A_721 = arith.constant 16 : i32
        %add3A_722 = vector.broadcast %add3A_721 : i32 to vector<16xi32>
        %add3A_723 = arith.addi %add3A_722, %rem3A_23 : vector<16xi32>
        %gather3A_724 = tpu.vector_load_idx %arg8[%add3A_550, %add3A_723] : memref<512x32xf32, #tpu.memory_space<vmem>>[vector<16xi32>, vector<16xi32>], vector<16xf32>,
        %add3A_725 = arith.constant 2 : i32
        %add3A_726 = vector.broadcast %add3A_725 : i32 to vector<16xi32>
        %add3A_727 = arith.addi %shift_right_logical3A_106, %add3A_726 : vector<16xi32>
        %add3A_728 = vector.broadcast %add3A_548 : i32 to vector<16xi32>
        %add3A_729 = arith.addi %add3A_169, %add3A_728 : vector<16xi32>
        tpu.vector_store_idx %arg10[%add3A_727, %add3A_729], %gather3A_724 : memref<4x4096xf32, #tpu.memory_space<vmem>>[vector<16xi32>, vector<16xi32>], vector<16xf32>,
        %add3A_730 = arith.constant 16 : i32
        %add3A_731 = vector.broadcast %add3A_730 : i32 to vector<16xi32>
        %add3A_732 = arith.addi %add3A_731, %rem3A_29 : vector<16xi32>
        %gather3A_733 = tpu.vector_load_idx %arg8[%add3A_550, %add3A_732] : memref<512x32xf32, #tpu.memory_space<vmem>>[vector<16xi32>, vector<16xi32>], vector<16xf32>,
        %add3A_734 = arith.constant 2 : i32
        %add3A_735 = vector.broadcast %add3A_734 : i32 to vector<16xi32>
        %add3A_736 = arith.addi %shift_right_logical3A_109, %add3A_735 : vector<16xi32>
        %add3A_737 = vector.broadcast %add3A_548 : i32 to vector<16xi32>
        %add3A_738 = arith.addi %add3A_176, %add3A_737 : vector<16xi32>
        tpu.vector_store_idx %arg10[%add3A_736, %add3A_738], %gather3A_733 : memref<4x4096xf32, #tpu.memory_space<vmem>>[vector<16xi32>, vector<16xi32>], vector<16xf32>,
        %add3A_739 = arith.constant 16 : i32
        %add3A_740 = vector.broadcast %add3A_739 : i32 to vector<16xi32>
        %add3A_741 = arith.addi %add3A_740, %rem3A_35 : vector<16xi32>
        %gather3A_742 = tpu.vector_load_idx %arg8[%add3A_550, %add3A_741] : memref<512x32xf32, #tpu.memory_space<vmem>>[vector<16xi32>, vector<16xi32>], vector<16xf32>,
        %add3A_743 = arith.constant 2 : i32
        %add3A_744 = vector.broadcast %add3A_743 : i32 to vector<16xi32>
        %add3A_745 = arith.addi %shift_right_logical3A_112, %add3A_744 : vector<16xi32>
        %add3A_746 = vector.broadcast %add3A_548 : i32 to vector<16xi32>
        %add3A_747 = arith.addi %add3A_183, %add3A_746 : vector<16xi32>
        tpu.vector_store_idx %arg10[%add3A_745, %add3A_747], %gather3A_742 : memref<4x4096xf32, #tpu.memory_space<vmem>>[vector<16xi32>, vector<16xi32>], vector<16xf32>,
        %add3A_748 = arith.constant 16 : i32
        %add3A_749 = vector.broadcast %add3A_748 : i32 to vector<16xi32>
        %add3A_750 = arith.addi %add3A_749, %rem3A_41 : vector<16xi32>
        %gather3A_751 = tpu.vector_load_idx %arg8[%add3A_550, %add3A_750] : memref<512x32xf32, #tpu.memory_space<vmem>>[vector<16xi32>, vector<16xi32>], vector<16xf32>,
        %add3A_752 = arith.constant 2 : i32
        %add3A_753 = vector.broadcast %add3A_752 : i32 to vector<16xi32>
        %add3A_754 = arith.addi %shift_right_logical3A_115, %add3A_753 : vector<16xi32>
        %add3A_755 = vector.broadcast %add3A_548 : i32 to vector<16xi32>
        %add3A_756 = arith.addi %add3A_190, %add3A_755 : vector<16xi32>
        tpu.vector_store_idx %arg10[%add3A_754, %add3A_756], %gather3A_751 : memref<4x4096xf32, #tpu.memory_space<vmem>>[vector<16xi32>, vector<16xi32>], vector<16xf32>,
        %add3A_757 = arith.constant 16 : i32
        %add3A_758 = vector.broadcast %add3A_757 : i32 to vector<16xi32>
        %add3A_759 = arith.addi %add3A_758, %rem3A_47 : vector<16xi32>
        %gather3A_760 = tpu.vector_load_idx %arg8[%add3A_550, %add3A_759] : memref<512x32xf32, #tpu.memory_space<vmem>>[vector<16xi32>, vector<16xi32>], vector<16xf32>,
        %add3A_761 = arith.constant 2 : i32
        %add3A_762 = vector.broadcast %add3A_761 : i32 to vector<16xi32>
        %add3A_763 = arith.addi %shift_right_logical3A_118, %add3A_762 : vector<16xi32>
        %add3A_764 = vector.broadcast %add3A_548 : i32 to vector<16xi32>
        %add3A_765 = arith.addi %add3A_197, %add3A_764 : vector<16xi32>
        tpu.vector_store_idx %arg10[%add3A_763, %add3A_765], %gather3A_760 : memref<4x4096xf32, #tpu.memory_space<vmem>>[vector<16xi32>, vector<16xi32>], vector<16xf32>,
        %add3A_766 = arith.constant 16 : i32
        %add3A_767 = vector.broadcast %add3A_766 : i32 to vector<16xi32>
        %add3A_768 = arith.addi %add3A_767, %rem3A_53 : vector<16xi32>
        %gather3A_769 = tpu.vector_load_idx %arg8[%add3A_550, %add3A_768] : memref<512x32xf32, #tpu.memory_space<vmem>>[vector<16xi32>, vector<16xi32>], vector<16xf32>,
        %add3A_770 = arith.constant 2 : i32
        %add3A_771 = vector.broadcast %add3A_770 : i32 to vector<16xi32>
        %add3A_772 = arith.addi %shift_right_logical3A_121, %add3A_771 : vector<16xi32>
        %add3A_773 = vector.broadcast %add3A_548 : i32 to vector<16xi32>
        %add3A_774 = arith.addi %add3A_204, %add3A_773 : vector<16xi32>
        tpu.vector_store_idx %arg10[%add3A_772, %add3A_774], %gather3A_769 : memref<4x4096xf32, #tpu.memory_space<vmem>>[vector<16xi32>, vector<16xi32>], vector<16xf32>,
        %add3A_775 = arith.constant 16 : i32
        %add3A_776 = vector.broadcast %add3A_775 : i32 to vector<16xi32>
        %add3A_777 = arith.addi %add3A_776, %rem3A_59 : vector<16xi32>
        %gather3A_778 = tpu.vector_load_idx %arg8[%add3A_550, %add3A_777] : memref<512x32xf32, #tpu.memory_space<vmem>>[vector<16xi32>, vector<16xi32>], vector<16xf32>,
        %add3A_779 = arith.constant 2 : i32
        %add3A_780 = vector.broadcast %add3A_779 : i32 to vector<16xi32>
        %add3A_781 = arith.addi %shift_right_logical3A_124, %add3A_780 : vector<16xi32>
        %add3A_782 = vector.broadcast %add3A_548 : i32 to vector<16xi32>
        %add3A_783 = arith.addi %add3A_211, %add3A_782 : vector<16xi32>
        tpu.vector_store_idx %arg10[%add3A_781, %add3A_783], %gather3A_778 : memref<4x4096xf32, #tpu.memory_space<vmem>>[vector<16xi32>, vector<16xi32>], vector<16xf32>,
        %add3A_784 = arith.constant 16 : i32
        %add3A_785 = vector.broadcast %add3A_784 : i32 to vector<16xi32>
        %add3A_786 = arith.addi %add3A_785, %rem3A_65 : vector<16xi32>
        %gather3A_787 = tpu.vector_load_idx %arg8[%add3A_550, %add3A_786] : memref<512x32xf32, #tpu.memory_space<vmem>>[vector<16xi32>, vector<16xi32>], vector<16xf32>,
        %add3A_788 = arith.constant 2 : i32
        %add3A_789 = vector.broadcast %add3A_788 : i32 to vector<16xi32>
        %add3A_790 = arith.addi %shift_right_logical3A_127, %add3A_789 : vector<16xi32>
        %add3A_791 = vector.broadcast %add3A_548 : i32 to vector<16xi32>
        %add3A_792 = arith.addi %add3A_218, %add3A_791 : vector<16xi32>
        tpu.vector_store_idx %arg10[%add3A_790, %add3A_792], %gather3A_787 : memref<4x4096xf32, #tpu.memory_space<vmem>>[vector<16xi32>, vector<16xi32>], vector<16xf32>,
        %add3A_793 = arith.constant 16 : i32
        %add3A_794 = vector.broadcast %add3A_793 : i32 to vector<16xi32>
        %add3A_795 = arith.addi %add3A_794, %rem3A_71 : vector<16xi32>
        %gather3A_796 = tpu.vector_load_idx %arg8[%add3A_550, %add3A_795] : memref<512x32xf32, #tpu.memory_space<vmem>>[vector<16xi32>, vector<16xi32>], vector<16xf32>,
        %add3A_797 = arith.constant 2 : i32
        %add3A_798 = vector.broadcast %add3A_797 : i32 to vector<16xi32>
        %add3A_799 = arith.addi %shift_right_logical3A_130, %add3A_798 : vector<16xi32>
        %add3A_800 = vector.broadcast %add3A_548 : i32 to vector<16xi32>
        %add3A_801 = arith.addi %add3A_225, %add3A_800 : vector<16xi32>
        tpu.vector_store_idx %arg10[%add3A_799, %add3A_801], %gather3A_796 : memref<4x4096xf32, #tpu.memory_space<vmem>>[vector<16xi32>, vector<16xi32>], vector<16xf32>,
        %add3A_802 = arith.constant 16 : i32
        %add3A_803 = vector.broadcast %add3A_802 : i32 to vector<16xi32>
        %add3A_804 = arith.addi %add3A_803, %rem3A_77 : vector<16xi32>
        %gather3A_805 = tpu.vector_load_idx %arg8[%add3A_550, %add3A_804] : memref<512x32xf32, #tpu.memory_space<vmem>>[vector<16xi32>, vector<16xi32>], vector<16xf32>,
        %add3A_806 = arith.constant 2 : i32
        %add3A_807 = vector.broadcast %add3A_806 : i32 to vector<16xi32>
        %add3A_808 = arith.addi %shift_right_logical3A_133, %add3A_807 : vector<16xi32>
        %add3A_809 = vector.broadcast %add3A_548 : i32 to vector<16xi32>
        %add3A_810 = arith.addi %add3A_232, %add3A_809 : vector<16xi32>
        tpu.vector_store_idx %arg10[%add3A_808, %add3A_810], %gather3A_805 : memref<4x4096xf32, #tpu.memory_space<vmem>>[vector<16xi32>, vector<16xi32>], vector<16xf32>,
        %add3A_811 = arith.constant 16 : i32
        %add3A_812 = vector.broadcast %add3A_811 : i32 to vector<16xi32>
        %add3A_813 = arith.addi %add3A_812, %rem3A_83 : vector<16xi32>
        %gather3A_814 = tpu.vector_load_idx %arg8[%add3A_550, %add3A_813] : memref<512x32xf32, #tpu.memory_space<vmem>>[vector<16xi32>, vector<16xi32>], vector<16xf32>,
        %add3A_815 = arith.constant 2 : i32
        %add3A_816 = vector.broadcast %add3A_815 : i32 to vector<16xi32>
        %add3A_817 = arith.addi %shift_right_logical3A_136, %add3A_816 : vector<16xi32>
        %add3A_818 = vector.broadcast %add3A_548 : i32 to vector<16xi32>
        %add3A_819 = arith.addi %add3A_239, %add3A_818 : vector<16xi32>
        tpu.vector_store_idx %arg10[%add3A_817, %add3A_819], %gather3A_814 : memref<4x4096xf32, #tpu.memory_space<vmem>>[vector<16xi32>, vector<16xi32>], vector<16xf32>,
        %add3A_820 = arith.constant 16 : i32
        %add3A_821 = vector.broadcast %add3A_820 : i32 to vector<16xi32>
        %add3A_822 = arith.addi %add3A_821, %rem3A_89 : vector<16xi32>
        %gather3A_823 = tpu.vector_load_idx %arg8[%add3A_550, %add3A_822] : memref<512x32xf32, #tpu.memory_space<vmem>>[vector<16xi32>, vector<16xi32>], vector<16xf32>,
        %add3A_824 = arith.constant 2 : i32
        %add3A_825 = vector.broadcast %add3A_824 : i32 to vector<16xi32>
        %add3A_826 = arith.addi %shift_right_logical3A_139, %add3A_825 : vector<16xi32>
        %add3A_827 = vector.broadcast %add3A_548 : i32 to vector<16xi32>
        %add3A_828 = arith.addi %add3A_246, %add3A_827 : vector<16xi32>
        tpu.vector_store_idx %arg10[%add3A_826, %add3A_828], %gather3A_823 : memref<4x4096xf32, #tpu.memory_space<vmem>>[vector<16xi32>, vector<16xi32>], vector<16xf32>,
        %add3A_829 = arith.constant 16 : i32
        %add3A_830 = vector.broadcast %add3A_829 : i32 to vector<16xi32>
        %add3A_831 = arith.addi %add3A_830, %rem3A_95 : vector<16xi32>
        %gather3A_832 = tpu.vector_load_idx %arg8[%add3A_550, %add3A_831] : memref<512x32xf32, #tpu.memory_space<vmem>>[vector<16xi32>, vector<16xi32>], vector<16xf32>,
        %add3A_833 = arith.constant 2 : i32
        %add3A_834 = vector.broadcast %add3A_833 : i32 to vector<16xi32>
        %add3A_835 = arith.addi %shift_right_logical3A_142, %add3A_834 : vector<16xi32>
        %add3A_836 = vector.broadcast %add3A_548 : i32 to vector<16xi32>
        %add3A_837 = arith.addi %add3A_253, %add3A_836 : vector<16xi32>
        tpu.vector_store_idx %arg10[%add3A_835, %add3A_837], %gather3A_832 : memref<4x4096xf32, #tpu.memory_space<vmem>>[vector<16xi32>, vector<16xi32>], vector<16xf32>,
      }
      %scan3A_465 = arith.constant 32 : i32
      %jit3A_466 = arith.constant 1 : i32
      %div3A_467 = arith.divsi %add3A_443, %jit3A_466 : i32
      %sign3A_468 = arith.constant 0 : i32
      %sign3A_469 = arith.cmpi sgt, %add3A_443, %sign3A_468 : i32
      %sign3A_470 = arith.extui %sign3A_469 : i1 to i32
      %sign3A_471 = arith.constant 0 : i32
      %sign3A_472 = arith.cmpi slt, %add3A_443, %sign3A_471 : i32
      %sign3A_473 = arith.extui %sign3A_472 : i1 to i32
      %sign3A_474 = arith.subi %sign3A_470, %sign3A_473 : i32
      %sign3A_475 = arith.constant 0 : i32
      %sign3A_476 = arith.cmpi sgt, %jit3A_466, %sign3A_475 : i32
      %sign3A_477 = arith.extui %sign3A_476 : i1 to i32
      %sign3A_478 = arith.constant 0 : i32
      %sign3A_479 = arith.cmpi slt, %jit3A_466, %sign3A_478 : i32
      %sign3A_480 = arith.extui %sign3A_479 : i1 to i32
      %sign3A_481 = arith.subi %sign3A_477, %sign3A_480 : i32
      %ne3A_482 = arith.cmpi ne, %sign3A_474, %sign3A_481 : i32
      %rem3A_483 = arith.remsi %add3A_443, %jit3A_466 : i32
      %ne3A_484 = arith.constant 0 : i32
      %ne3A_485 = arith.cmpi ne, %rem3A_483, %ne3A_484 : i32
      %and3A_486 = arith.andi %ne3A_482, %ne3A_485 : i1
      %sub3A_487 = arith.constant 1 : i32
      %sub3A_488 = arith.subi %div3A_467, %sub3A_487 : i32
      %select_n3A_489 = arith.select %and3A_486, %sub3A_488, %div3A_467 : i32
      %rem3A_490 = arith.constant 1 : i32
      %rem3A_491 = arith.remsi %add3A_443, %rem3A_490 : i32
      %mul3A_492 = arith.constant 4 : i32
      %mul3A_493 = arith.muli %mul3A_492, %rem3A_491 : i32
      %mul3A_494 = arith.constant 4 : i32
      %mul3A_495 = arith.muli %add3A, %mul3A_494 : i32
      %add3A_496 = arith.addi %mul3A_495, %mul3A_493 : i32
      %mul3A_497 = arith.constant 1024 : i32
      %mul3A_498 = arith.muli %mul3A_497, %add3A_496 : i32
      %dma_start3A_499 = arith.constant 0 : i32
      %dma_start3A_500 = tpu.memref_slice %arg4[%select_n3A_489, %dma_start3A_499, %mul3A_498] : memref<50x4x131072xf32, #tpu.memory_space<hbm>> -> memref<1x4x4096xf32, #tpu.memory_space<hbm>>
      %dma_start3A_501 = tpu.memref_squeeze %dma_start3A_500 : memref<1x4x4096xf32, #tpu.memory_space<hbm>> -> memref<4x4096xf32, #tpu.memory_space<hbm>>
      %dma_start3A_502 = arith.constant 0 : i32
      %dma_start3A_503 = tpu.memref_slice %arg4[%select_n3A_489, %dma_start3A_502, %mul3A_498] : memref<50x4x131072xf32, #tpu.memory_space<hbm>> -> memref<1x4x4096xf32, #tpu.memory_space<hbm>>
      %dma_start3A_504 = tpu.memref_squeeze %dma_start3A_503 : memref<1x4x4096xf32, #tpu.memory_space<hbm>> -> memref<4x4096xf32, #tpu.memory_space<hbm>>
      tpu.enqueue_dma source(%arg10 : memref<4x4096xf32, #tpu.memory_space<vmem>>) target(%dma_start3A_504 : memref<4x4096xf32, #tpu.memory_space<hbm>>) target_semaphore(%arg14 : memref<!tpu.dma_semaphore, #tpu.memory_space<semaphore_mem>>)
      %lt3A_505 = arith.constant 24 : i32
      %lt3A_506 = arith.cmpi slt, %scan3A_383, %lt3A_505 : i32
      %convert_element_type3A_507 = arith.extui %lt3A_506 : i1 to i32
      %cond3A_508 = arith.constant 0 : i32
      %cond3A_509 = arith.cmpi ne, %convert_element_type3A_507, %cond3A_508 : i32
      scf.if %cond3A_509 {
        %dma_wait3A_510 = arith.constant 0 : i32
        %dma_wait3A_511 = arith.constant 0 : i32
        %dma_wait3A_512 = tpu.memref_slice %arg3[%dma_wait3A_510, %dma_wait3A_511] : memref<50x16384xi32, #tpu.memory_space<hbm>> -> memref<1x512xi32, #tpu.memory_space<hbm>>
        %dma_wait3A_513 = tpu.memref_squeeze %dma_wait3A_512 : memref<1x512xi32, #tpu.memory_space<hbm>> -> memref<512xi32, #tpu.memory_space<hbm>>
        %dma_wait3A_514 = arith.constant 0 : i32
        %dma_wait3A_515 = tpu.memref_slice %arg3[%dma_wait3A_510, %dma_wait3A_514] : memref<50x16384xi32, #tpu.memory_space<hbm>> -> memref<1x512xi32, #tpu.memory_space<hbm>>
        %dma_wait3A_516 = tpu.memref_squeeze %dma_wait3A_515 : memref<1x512xi32, #tpu.memory_space<hbm>> -> memref<512xi32, #tpu.memory_space<hbm>>
        tpu.wait_dma2 semaphore(%arg16 : memref<!tpu.dma_semaphore, #tpu.memory_space<semaphore_mem>>) src(%dma_wait3A_516 : memref<512xi32, #tpu.memory_space<hbm>>) dst(%arg6 : memref<512xi32, #tpu.memory_space<vmem>>)
        %dma_start3A_517 = arith.constant 0 : i32
        %dma_start3A_518 = arith.constant 0 : i32
        %dma_start3A_519 = tpu.memref_slice %arg8[%dma_start3A_517, %dma_start3A_518] : memref<512x32xf32, #tpu.memory_space<vmem>> -> memref<128x32xf32, #tpu.memory_space<vmem>>
        %dma_start3A_520 = arith.constant 0 : i32
        %dma_start3A_521 = tpu.memref_slice %arg6[%dma_start3A_520] : memref<512xi32, #tpu.memory_space<vmem>> -> memref<128xi32, #tpu.memory_space<vmem>>
        %dma_start3A_522 = arith.constant 0 : i32
        %dma_start3A_523 = arith.constant 0 : i32
        %dma_start3A_524 = tpu.memref_slice %arg2[%dma_start3A_522, %dma_start3A_523] : memref<1000000x32xf32, #tpu.memory_space<hbm>> -> memref<1000000x32xf32, #tpu.memory_space<hbm>>
        tpu.enqueue_indirect_dma source(%dma_start3A_524 : memref<1000000x32xf32, #tpu.memory_space<hbm>>) target(%dma_start3A_519 : memref<128x32xf32, #tpu.memory_space<vmem>>) offsets(%dma_start3A_521 : memref<128xi32, #tpu.memory_space<vmem>>) semaphore(%arg12 : memref<!tpu.dma_semaphore, #tpu.memory_space<semaphore_mem>>)
        %dma_start3A_525 = arith.constant 128 : i32
        %dma_start3A_526 = arith.constant 0 : i32
        %dma_start3A_527 = tpu.memref_slice %arg8[%dma_start3A_525, %dma_start3A_526] : memref<512x32xf32, #tpu.memory_space<vmem>> -> memref<128x32xf32, #tpu.memory_space<vmem>>
        %dma_start3A_528 = arith.constant 128 : i32
        %dma_start3A_529 = tpu.memref_slice %arg6[%dma_start3A_528] : memref<512xi32, #tpu.memory_space<vmem>> -> memref<128xi32, #tpu.memory_space<vmem>>
        %dma_start3A_530 = arith.constant 0 : i32
        %dma_start3A_531 = arith.constant 0 : i32
        %dma_start3A_532 = tpu.memref_slice %arg2[%dma_start3A_530, %dma_start3A_531] : memref<1000000x32xf32, #tpu.memory_space<hbm>> -> memref<1000000x32xf32, #tpu.memory_space<hbm>>
        tpu.enqueue_indirect_dma source(%dma_start3A_532 : memref<1000000x32xf32, #tpu.memory_space<hbm>>) target(%dma_start3A_527 : memref<128x32xf32, #tpu.memory_space<vmem>>) offsets(%dma_start3A_529 : memref<128xi32, #tpu.memory_space<vmem>>) semaphore(%arg12 : memref<!tpu.dma_semaphore, #tpu.memory_space<semaphore_mem>>)
        %dma_start3A_533 = arith.constant 256 : i32
        %dma_start3A_534 = arith.constant 0 : i32
        %dma_start3A_535 = tpu.memref_slice %arg8[%dma_start3A_533, %dma_start3A_534] : memref<512x32xf32, #tpu.memory_space<vmem>> -> memref<128x32xf32, #tpu.memory_space<vmem>>
        %dma_start3A_536 = arith.constant 256 : i32
        %dma_start3A_537 = tpu.memref_slice %arg6[%dma_start3A_536] : memref<512xi32, #tpu.memory_space<vmem>> -> memref<128xi32, #tpu.memory_space<vmem>>
        %dma_start3A_538 = arith.constant 0 : i32
        %dma_start3A_539 = arith.constant 0 : i32
        %dma_start3A_540 = tpu.memref_slice %arg2[%dma_start3A_538, %dma_start3A_539] : memref<1000000x32xf32, #tpu.memory_space<hbm>> -> memref<1000000x32xf32, #tpu.memory_space<hbm>>
        tpu.enqueue_indirect_dma source(%dma_start3A_540 : memref<1000000x32xf32, #tpu.memory_space<hbm>>) target(%dma_start3A_535 : memref<128x32xf32, #tpu.memory_space<vmem>>) offsets(%dma_start3A_537 : memref<128xi32, #tpu.memory_space<vmem>>) semaphore(%arg12 : memref<!tpu.dma_semaphore, #tpu.memory_space<semaphore_mem>>)
        %dma_start3A_541 = arith.constant 384 : i32
        %dma_start3A_542 = arith.constant 0 : i32
        %dma_start3A_543 = tpu.memref_slice %arg8[%dma_start3A_541, %dma_start3A_542] : memref<512x32xf32, #tpu.memory_space<vmem>> -> memref<128x32xf32, #tpu.memory_space<vmem>>
        %dma_start3A_544 = arith.constant 384 : i32
        %dma_start3A_545 = tpu.memref_slice %arg6[%dma_start3A_544] : memref<512xi32, #tpu.memory_space<vmem>> -> memref<128xi32, #tpu.memory_space<vmem>>
        %dma_start3A_546 = arith.constant 0 : i32
        %dma_start3A_547 = arith.constant 0 : i32
        %dma_start3A_548 = tpu.memref_slice %arg2[%dma_start3A_546, %dma_start3A_547] : memref<1000000x32xf32, #tpu.memory_space<hbm>> -> memref<1000000x32xf32, #tpu.memory_space<hbm>>
        tpu.enqueue_indirect_dma source(%dma_start3A_548 : memref<1000000x32xf32, #tpu.memory_space<hbm>>) target(%dma_start3A_543 : memref<128x32xf32, #tpu.memory_space<vmem>>) offsets(%dma_start3A_545 : memref<128xi32, #tpu.memory_space<vmem>>) semaphore(%arg12 : memref<!tpu.dma_semaphore, #tpu.memory_space<semaphore_mem>>)
      } else {
      }
    }
    %scan3A_364 = arith.constant 25 : i32
    %dma_wait3A_365 = arith.constant 0 : i32
    %dma_wait3A_366 = arith.constant 0 : i32
    %dma_wait3A_367 = arith.constant 0 : i32
    %dma_wait3A_368 = tpu.memref_slice %arg4[%dma_wait3A_365, %dma_wait3A_366, %dma_wait3A_367] : memref<50x4x131072xf32, #tpu.memory_space<hbm>> -> memref<1x4x4096xf32, #tpu.memory_space<hbm>>
    %dma_wait3A_369 = tpu.memref_squeeze %dma_wait3A_368 : memref<1x4x4096xf32, #tpu.memory_space<hbm>> -> memref<4x4096xf32, #tpu.memory_space<hbm>>
    %dma_wait3A_370 = arith.constant 0 : i32
    %dma_wait3A_371 = arith.constant 0 : i32
    %dma_wait3A_372 = tpu.memref_slice %arg4[%dma_wait3A_365, %dma_wait3A_370, %dma_wait3A_371] : memref<50x4x131072xf32, #tpu.memory_space<hbm>> -> memref<1x4x4096xf32, #tpu.memory_space<hbm>>
    %dma_wait3A_373 = tpu.memref_squeeze %dma_wait3A_372 : memref<1x4x4096xf32, #tpu.memory_space<hbm>> -> memref<4x4096xf32, #tpu.memory_space<hbm>>
    tpu.wait_dma2 semaphore(%arg13 : memref<!tpu.dma_semaphore, #tpu.memory_space<semaphore_mem>>) src(%dma_wait3A_373 : memref<4x4096xf32, #tpu.memory_space<hbm>>) dst(%arg9 : memref<4x4096xf32, #tpu.memory_space<vmem>>)
    %dma_wait3A_374 = arith.constant 0 : i32
    %dma_wait3A_375 = arith.constant 0 : i32
    %dma_wait3A_376 = arith.constant 0 : i32
    %dma_wait3A_377 = tpu.memref_slice %arg4[%dma_wait3A_374, %dma_wait3A_375, %dma_wait3A_376] : memref<50x4x131072xf32, #tpu.memory_space<hbm>> -> memref<1x4x4096xf32, #tpu.memory_space<hbm>>
    %dma_wait3A_378 = tpu.memref_squeeze %dma_wait3A_377 : memref<1x4x4096xf32, #tpu.memory_space<hbm>> -> memref<4x4096xf32, #tpu.memory_space<hbm>>
    %dma_wait3A_379 = arith.constant 0 : i32
    %dma_wait3A_380 = arith.constant 0 : i32
    %dma_wait3A_381 = tpu.memref_slice %arg4[%dma_wait3A_374, %dma_wait3A_379, %dma_wait3A_380] : memref<50x4x131072xf32, #tpu.memory_space<hbm>> -> memref<1x4x4096xf32, #tpu.memory_space<hbm>>
    %dma_wait3A_382 = tpu.memref_squeeze %dma_wait3A_381 : memref<1x4x4096xf32, #tpu.memory_space<hbm>> -> memref<4x4096xf32, #tpu.memory_space<hbm>>
    tpu.wait_dma2 semaphore(%arg14 : memref<!tpu.dma_semaphore, #tpu.memory_space<semaphore_mem>>) src(%dma_wait3A_382 : memref<4x4096xf32, #tpu.memory_space<hbm>>) dst(%arg10 : memref<4x4096xf32, #tpu.memory_space<vmem>>)
    return
  }
}

</mosaic_0001>

<sc_bundles>
// kernel: kernel.3.cloned.1.call-start
scs
__scs_entry_jumppad:
0x0: {  	(pc) =	sbr.rel $0x88, $3  }
0x1: {  	(tag) =	ssettag $0x0;
	lr =	simm.s32 $0x1  }
0x2: {  	[smem:$0x3F9F] =	sst lr;
	_ =	strace $0xD0000000  }
0x3: {  	_ = 	snop  }
0x4: {  	_ = 	snop  }
0x5: {  	_ = 	snop  }
0x6: {  	_ = 	snop  }
0x7: {  	_ = 	snop  }
__scs_overlays_trampoline_lowered:
0x8: {  	[smem:$0x3FAE] =	sst s0  }
0x9: {  	[smem:$0x3FAF] =	sst s1  }
0xa: {  	[smem:$0x3FB0] =	sst s2  }
0xb: {  	[smem:$0x3FB1] =	sst s3  }
0xc: {  	[smem:$0x3FB2] =	sst s4  }
0xd: {  	[smem:$0x3FB3] =	sst s5  }
0xe: {  	[smem:$0x3FB4] =	sst s6  }
0xf: {  	[smem:$0x3FB5] =	sst s7  }
0x10: {  	[smem:$0x3FB6] =	sst s8  }
0x11: {  	[smem:$0x3FB7] =	sst s9;
	s0 =	simm.s32 @!p0 $0x0  }
0x12: {  	s1 =	sld [smem:$0x3F9D];
	s0 =	simm.s32 @p0 $0x1  }
0x13: {  	[smem:$0x3FB8] =	sst s0;
	s0 =	simm.s32 @!p1 $0x0  }
0x14: {  	s2 =	sld [smem:$0x3F9C];
	s0 =	simm.s32 @p1 $0x1  }
0x15: {  	[smem:$0x3FB9] =	sst s0;
	s0 =	simm.s32 @!p2 $0x0  }
0x16: {  	s3 =	sld [smem:$0x3FDB];
	s0 =	simm.s32 @p2 $0x1  }
0x17: {  	s4 =	simm.s32 $0x1BF5;
	[smem:$0x3FBB] =	sst s0  }
0x18: {  	s0 =	sld [smem:$0x3F9E];
	_ =	swait.ge [sflag:s4], $0x0  }
0x19: {  	s7 =	sld [smem:$0x3F9F]  }
0x1a: {  	s8 =	sadd.s32 $0xFFFFE003, lr  }
0x1b: {  	s9 =	sadd.s32 $0xFFFFFEF7, lr;
	s5 =	simm.s32 $0xFFFFFFFF;
	p2 =	slt.u32 s8, $0xFFFFF086  }
0x1c: {  	p1 =	slt.u32 s9, $0xF7A;
	s5 =	simm.s32 @!p2 $0x0  }
0x1d: {  	s5 =	simm.s32 @p1 $0x1;
	p0 =	seq.s32 s7, s2  }
0x1e: {  	s7 =	smul.u32 @!p0 $0xF7A, s2;
	p2 =	seq.s32 @!p0 s5, $0x0  }
0x1f: {  	s9 =	smul.u32 $0xF7A, s1;
	s8 =	simm.s32 @!p0 $0x1BF5;
	p2 =	por !p2, p0  }
0x20: {  	[sflag:s8] =	ssyncset.s32 @!p0 $0xFFFFF086;
	s6 =	sadd.s32 @!p0 s3, s7;
	s7 =	simm.s32 @!p0 $0x108  }
0x21: {  	s3 =	sadd.s32 s3, s9;
	s6 =	sadd.s32 @!p0 $0x88, s6;
	s7 =	simm.s32 @p2 $0x1082  }
0x22: {  	[simem:s7], [sflag:s8] =	dma.local @!p0 [hbm:s6], $0xF7A  }
0x23: {  	s9 =	sor.u32 $0xD0000000, s2;
	s6 =	simm.s32 $0x108;
	_ =	swait.ge @!p0 [sflag:s8], $0x0  }
0x24: {  	s3 =	sadd.s32 $0x88, s3;
	s6 =	simm.s32 @!p1 $0x1082;
	[sflag:s4] =	ssyncset.s32 $0xFFFFF086  }
0x25: {  	[simem:s6], [sflag:s4] =	dma.local [hbm:s3], $0xF7A  }
0x26: {  	[smem:$0x3F9F] =	sst s1;
	(tag) =	ssettag s2;
	_ =	strace s9  }
0x27: {  	s1 =	sld [smem:$0x3FAF]  }
0x28: {  	s2 =	sld [smem:$0x3FB0]  }
0x29: {  	s4 =	sld [smem:$0x3FB2]  }
0x2a: {  	p0 =	seq.s32 s5, $0x0;
	s5 =	sld [smem:$0x3FB3]  }
0x2b: {  	s6 =	sld [smem:$0x3FB4]  }
0x2c: {  	s7 =	sld [smem:$0x3FB5]  }
0x2d: {  	s3 =	simm.s32 $0x108;
	s8 =	sld [smem:$0x3FB6]  }
0x2e: {  	s3 =	simm.s32 @!p0 $0x1082;
	s9 =	sld [smem:$0x3FB7]  }
0x2f: {  	lr =	sadd.s32 s0, s3;
	s0 =	sld [smem:$0x3FAE]  }
0x30: {  	s3 =	sld [smem:$0x3FB1]  }
0x31: {  	[smem:$0x3FBA] =	sst s10  }
0x32: {  	s10 =	sld [smem:$0x3FB8];
	_ =	sdelay $0x3  }
0x33: {  	p0 =	seq.s32 s10, $0x1;
	s10 =	sld [smem:$0x3FBA];
	_ =	sdelay $0x3  }
0x34: {  	[smem:$0x3FBA] =	sst s10  }
0x35: {  	s10 =	sld [smem:$0x3FB9];
	_ =	sdelay $0x3  }
0x36: {  	p1 =	seq.s32 s10, $0x1;
	s10 =	sld [smem:$0x3FBA];
	_ =	sdelay $0x3  }
0x37: {  	[smem:$0x3FBA] =	sst s10  }
0x38: {  	s10 =	sld [smem:$0x3FBB]  }
0x39: {  	_ = 	snop;
	(pc) =	sbr.ind lr, $3  }
0x3a: {  	_ = 	snop  }
0x3b: {  	_ = 	snop  }
0x3c: {  	p2 =	seq.s32 s10, $0x1;
	s10 =	sld [smem:$0x3FBA]  }
0x3d: {  	_ =	shalt  }
0x3e: {  	_ =	shalt  }
0x3f: {  	_ =	shalt  }
0x40: {  	_ =	shalt  }
0x41: {  	_ =	shalt  }
0x42: {  	_ =	shalt  }
0x43: {  	_ =	shalt  }
0x44: {  	_ =	shalt  }
0x45: {  	_ =	shalt  }
0x46: {  	_ =	shalt  }
0x47: {  	_ =	shalt  }
0x48: {  	_ =	shalt  }
0x49: {  	_ =	shalt  }
0x4a: {  	_ =	shalt  }
0x4b: {  	_ =	shalt  }
0x4c: {  	_ =	shalt  }
0x4d: {  	_ =	shalt  }
0x4e: {  	_ =	shalt  }
0x4f: {  	_ =	shalt  }
0x50: {  	_ =	shalt  }
0x51: {  	_ =	shalt  }
0x52: {  	_ =	shalt  }
0x53: {  	_ =	shalt  }
0x54: {  	_ =	shalt  }
0x55: {  	_ =	shalt  }
0x56: {  	_ =	shalt  }
0x57: {  	_ =	shalt  }
0x58: {  	_ =	shalt  }
0x59: {  	_ =	shalt  }
0x5a: {  	_ =	shalt  }
0x5b: {  	_ =	shalt  }
0x5c: {  	_ =	shalt  }
0x5d: {  	_ =	shalt  }
0x5e: {  	_ =	shalt  }
0x5f: {  	_ =	shalt  }
0x60: {  	_ =	shalt  }
0x61: {  	_ =	shalt  }
0x62: {  	_ =	shalt  }
0x63: {  	_ =	shalt  }
0x64: {  	_ =	shalt  }
0x65: {  	_ =	shalt  }
0x66: {  	_ =	shalt  }
0x67: {  	_ =	shalt  }
0x68: {  	_ =	shalt  }
0x69: {  	_ =	shalt  }
0x6a: {  	_ =	shalt  }
0x6b: {  	_ =	shalt  }
0x6c: {  	_ =	shalt  }
0x6d: {  	_ =	shalt  }
0x6e: {  	_ =	shalt  }
0x6f: {  	_ =	shalt  }
0x70: {  	_ =	shalt  }
0x71: {  	_ =	shalt  }
0x72: {  	_ =	shalt  }
0x73: {  	_ =	shalt  }
0x74: {  	_ =	shalt  }
0x75: {  	_ =	shalt  }
0x76: {  	_ =	shalt  }
0x77: {  	_ =	shalt  }
0x78: {  	_ =	shalt  }
0x79: {  	_ =	shalt  }
0x7a: {  	_ =	shalt  }
0x7b: {  	_ =	shalt  }
0x7c: {  	_ =	shalt  }
0x7d: {  	_ =	shalt  }
0x7e: {  	_ =	shalt  }
0x7f: {  	_ =	shalt  }
0x80: {  	_ =	shalt  }
0x81: {  	_ =	shalt  }
0x82: {  	_ =	shalt  }
0x83: {  	_ =	shalt  }
0x84: {  	_ =	shalt  }
0x85: {  	_ =	shalt  }
0x86: {  	_ =	shalt  }
0x87: {  	_ =	shalt  }
.Lfunc_end0:
.L_simem_size_0:
called_computation_lowered:
.L_overlay_start_0:
0x88: {  	s2 =	sld [smem:$0x3FD9]  }
0x89: {  	s3 =	sld [smem:$0x3FFE];
	_ =	sdelay $0x1  }
0x8a: {  	s1 =	srdreg.scid  }
0x8b: {  	s0 =	sand.u32 $0x1, s1  }
0x8c: {  	s17 =	sshll.u32 s0, $0xA;
	s2 =	sadd.s32 s3, s2  }
0x8d: {  	s2 =	sadd.s32 s2, s17  }
0x8e: {  	[smem:$0x3FC6] =	sst s2  }
0x8f: {  	_ = 	snop  }
0x90: {  	s2 =	sld [smem:$0x3FD0];
	(tm) =	ssettm $0x1  }
0x91: {  	s18 =	sld [smem:$0x3FFB];
	_ =	sdelay $0x3  }
0x92: {  	_ =	strace s18  }
0x93: {  	s3 =	sld [smem:$0x3FFC];
	_ =	sdelay $0x3  }
0x94: {  	_ =	strace s3  }
0x95: {  	s3 =	sld [smem:$0x3FFD];
	_ =	sdelay $0x3  }
0x96: {  	_ =	strace s3  }
0x97: {  	_ =	strace $0x8FFFFFFF  }
0x98: {  	s19 =	sld [smem:$0x3FDB];
	_ =	sdelay $0x1  }
0x99: {  	s4 =	simm.s32 $_scs_section_size  }
0x9a: {  	s5 =	simm.s32 $_size__tile_overlayer_lowered;
	s6 =	simm.s32 $_tile_overlayer_lowered  }
0x9b: {  	s22 =	simm.s32 $0x1BFF;
	s21 =	sshll.u32 s6, $0x1;
	s3 =	sadd.s32 s4, s19  }
0x9c: {  	s7 =	simm.s32 $0x0;
	s20 =	sshll.u32 s5, $0x1;
	s5 =	sadd.s32 s21, s3  }
0x9d: {  	[timem:s7], [sflag:s22] =	dma.local [hbm:s5], s20  }
0x9e: {  	_ =	swait.ge [sflag:s22], s20  }
0x9f: {  	s4 =	ssub.s32 $0x0, s20;
	[sflag:s22] =	ssyncset.done $0x0  }
0xa0: {  	[sflag:s22] =	ssyncadd.s32 s4;
	_ =	sdelay $0x1  }
0xa1: {  	s23 =	simm.s32 $0x1B8B  }
0xa2: {  	_ =	swait.ge [sflag:s23], $0x1  }
0xa3: {  	[sflag:s23] =	ssyncset.done $0x0  }
0xa4: {  	s25 =	simm.s32 $0x1B8E;
	s24 =	sld [smem:$0x3FFE];
	[sflag:s23] =	ssyncadd.s32 $0xFFFFFFFF  }
0xa5: {  	s26 =	simm.s32 $execute0_lowered;
	[smem:$0x3FD2] =	sst s25  }
0xa6: {  	s5 =	sshll.u32 s26, $0x1;
	_ =	strace $0x80000046;
	[dreg:$0x1] =	wrdreg $0xFFFFFFFF  }
0xa7: {  	s28 =	simm.s32 $_size_execute0_lowered;
	s3 =	sadd.s32 s3, s5;
	[dreg:$0x0] =	wrdreg $0x0  }
0xa8: {  	s5 =	sshll.u32 s28, $0x1;
	[dreg:$0x2] =	wrdreg s3  }
0xa9: {  	[dreg:$0x3] =	wrdreg s5  }
0xaa: {  	[dreg:$0x4] =	wrdreg $0xC0  }
0xab: {  	_ =	task [dreg:s7], $0x5FFFF  }
0xac: {  	[dreg:$0x1] =	wrdreg $0xFFFFFFFF  }
0xad: {  	[dreg:$0x0] =	wrdreg $0x60  }
0xae: {  	[dreg:$0x2] =	wrdreg s24  }
0xaf: {  	[dreg:$0x3] =	wrdreg s2  }
0xb0: {  	[dreg:$0x4] =	wrdreg $0x9  }
0xb1: {  	_ =	task.clear_ibuf [dreg:s7], $0x5FFFF;
	_ =	strace $0x90000046  }
0xb2: {  	s29 =	simm.s32 $0x9;
	_ =	strace $0x80000048  }
0xb3: {  	_ =	swait.ge [sflag:s29], $0x1  }
0xb4: {  	[sflag:s29] =	ssyncadd.s32 $0xFFFFFFFF  }
0xb5: {  	_ =	strace $0x90000048  }
0xb6: {  	_ =	sfence  }
0xb7: {  	s30 =	sld [smem:$0x0];
	_ =	sdelay $0x2  }
0xb8: {  	s31 =	sshll.u32 s1, $0xD;
	s1 =	sshrl.u32 s1, $0x2  }
0xb9: {  	s3 =	sand.u32 $0x4000, s31;
	s1 =	sadd.s32 s1, s30  }
0xba: {  	s0 =	sor.u32 s3, s0;
	s1 =	sshll.u32 s1, $0x11  }
0xbb: {  	s0 =	sor.u32 s1, s0  }
0xbc: {  	s0 =	sadd.s32 $0x8F2B, s0  }
0xbd: {  	[sflag:s0] =	ssyncadd.remote.s32 $0x1  }
0xbe: {  	_ =	sfence.sel $0xFFFF  }
0xbf: {  	[dreg:$0x0] =	wrdreg $0xFFFFFFFF;
	(pc) =	sbr.abs _section_cstart, $3  }
0xc0: {  	[dreg:$0x1] =	wrdreg $0xFFFFFFFF  }
0xc1: {  	_ =	task.clear_ibuf [dreg:s7], $0x2FFFF;
	_ =	strace $0x9FFFFFFF  }
0xc2: {  	(tm) =	ssettm $0x7FFFFFFF  }
0xc3: {  	_ =	shalt  }
tec
execute0_lowered:
.L_overlay_start_1:
0x0: {  	(tag) =	ssettag $0x1  }
0x1: {  	v0 =	vimm.s32 $0x138F;
	vm15 =	vcmask $0x300  }
0x2: {  	vm14 =	vcmask $0x704;
	v0 =	vsel vm15, $0x0, v0  }
0x3: {  	vm13 =	vcmask $0xB08;
	vm12 =	vcmask $0xF0C;
	v0 =	vsel vm14, $0x81, v0  }
0x4: {  	vm11 =	vcmask $0x1310;
	vm10 =	vcmask $0x1714;
	v0 =	vsel vm13, $0x102, v0  }
0x5: {  	vm9 =	vcmask $0x1B18;
	vm8 =	vcmask $0x1F1C;
	v0 =	vsel vm12, $0x183, v0  }
0x6: {  	vm7 =	vcmask $0x2320;
	vm5 =	vcmask $0x2724;
	v0 =	vsel vm11, $0x204, v0  }
0x7: {  	vm4 =	vcmask $0x2B28;
	v1 =	vimm.s32 $0xF;
	v0 =	vsel vm10, $0x285, v0  }
0x8: {  	vm3 =	vcmask $0x2F2C;
	vm1 =	vcmask $0x3330;
	v0 =	vsel vm9, $0x306, v0  }
0x9: {  	vm2 =	vcmask $0x3734;
	v2 =	vimm.s32 $0xFEDCBA9;
	v0 =	vsel vm8, $0x387, v0  }
0xa: {  	v3 =	vimm.s32 $0x87654321;
	v1 =	vsel vm15, $0x80, v1;
	v0 =	vsel vm7, $0x1008, v0  }
0xb: {  	v5 =	vimm.s32 $0x8F;
	v1 =	vsel vm14, $0x101, v1;
	v0 =	vsel vm5, $0x1089, v0  }
0xc: {  	vm6 =	vcmask $0x3B38;
	v1 =	vsel vm13, $0x182, v1;
	v0 =	vsel vm4, $0x110A, v0  }
0xd: {  	v2 =	vunpack.c.l.s4.s8 v2;
	v1 =	vsel vm12, $0x203, v1;
	v0 =	vsel vm3, $0x118B, v0  }
0xe: {  	v3 =	vunpack.c.l.s4.s8 v3;
	v1 =	vsel vm11, $0x284, v1;
	v0 =	vsel vm1, $0x120C, v0  }
0xf: {  	v1 =	vsel vm10, $0x305, v1;
	v4 =	vsel vm2, $0x128D, v0;
	v0 =	vunpack.c.0.s8.s32 v2  }
0x10: {  	v2 =	vsel vm9, $0x386, v1;
	v1 =	vunpack.c.0.s8.s32 v3;
	v3 =	vsel vm15, $0x100, v5  }
0x11: {  	v6 =	vimm.s32 $0xA9876543;
	v2 =	vsel vm8, $0x1007, v2;
	v3 =	vsel vm14, $0x181, v3  }
0x12: {  	v25 =	vsel vm6, $0x130E, v4;
	v4 =	vimm.s32 $0x10FEDCBA;
	v3 =	vsel vm13, $0x202, v3  }
0x13: {  	v2 =	vsel vm7, $0x1088, v2;
	v5 =	vcombine.low v1, v0;
	v3 =	vsel vm12, $0x283, v3  }
0x14: {  	v4 =	vunpack.c.l.s4.s8 v4;
	v2 =	vsel vm5, $0x1109, v2;
	v3 =	vsel vm11, $0x304, v3  }
0x15: {  	v2 =	vsel vm4, $0x118A, v2;
	v8 =	vand.u32 $0xF, v5;
	v3 =	vsel vm10, $0x385, v3  }
0x16: {  	v5 =	vimm.s32 $0x98765432;
	v19 =	vunpack.c.0.s8.s32 v4;
	v3 =	vsel vm9, $0x1006, v3  }
0x17: {  	v4 =	vimm.s32 $0x10F;
	v2 =	vsel vm3, $0x120B, v2;
	v3 =	vsel vm8, $0x1087, v3  }
0x18: {  	v5 =	vunpack.c.l.s4.s8 v5;
	v2 =	vsel vm1, $0x128C, v2;
	v3 =	vsel vm7, $0x1108, v3  }
0x19: {  	v4 =	vsel vm15, $0x180, v4;
	v2 =	vsel vm2, $0x130D, v2;
	v3 =	vsel vm5, $0x1189, v3  }
0x1a: {  	v38 =	vsel vm6, $0x138E, v2;
	v2 =	vsel vm4, $0x120A, v3;
	v3 =	vsel vm14, $0x201, v4  }
0x1b: {  	v6 =	vunpack.c.l.s4.s8 v6;
	v3 =	vsel vm13, $0x282, v3  }
0x1c: {  	v20 =	vunpack.c.0.s8.s32 v5;
	v5 =	vimm.s32 $0x210FEDCB;
	v3 =	vsel vm12, $0x303, v3  }
0x1d: {  	v10 =	vimm.s32 $0xCBA98765;
	v5 =	vunpack.c.l.s4.s8 v5;
	v3 =	vsel vm11, $0x384, v3  }
0x1e: {  	v11 =	vimm.s32 $0x28F;
	v22 =	vunpack.c.0.s8.s32 v6;
	v3 =	vsel vm10, $0x1005, v3  }
0x1f: {  	v21 =	vunpack.c.0.s8.s32 v5;
	v2 =	vsel vm3, $0x128B, v2;
	v3 =	vsel vm9, $0x1086, v3  }
0x20: {  	v5 =	vimm.s32 $0x18F;
	v2 =	vsel vm1, $0x130C, v2;
	v3 =	vsel vm8, $0x1107, v3  }
0x21: {  	v7 =	vsel vm15, $0x200, v5;
	v2 =	vsel vm2, $0x138D, v2;
	v3 =	vsel vm7, $0x1188, v3  }
0x22: {  	v36 =	vsel vm6, $0xE, v2;
	v2 =	vsel vm5, $0x1209, v3;
	v3 =	vsel vm14, $0x281, v7  }
0x23: {  	v12 =	vimm.s32 $0x30F;
	v15 =	vimm.s32 $0x38F;
	v3 =	vsel vm13, $0x302, v3  }
0x24: {  	v6 =	vcombine.low v22, v21;
	v7 =	vimm.s32 $0x3210FEDC;
	v3 =	vsel vm12, $0x383, v3  }
0x25: {  	v16 =	vimm.s32 $0x76543210;
	v7 =	vunpack.c.l.s4.s8 v7;
	v3 =	vsel vm11, $0x1004, v3  }
0x26: {  	v9 =	vand.u32 $0xF, v6;
	v2 =	vsel vm4, $0x128A, v2;
	v3 =	vsel vm10, $0x1085, v3  }
0x27: {  	v23 =	vunpack.c.0.s8.s32 v7;
	v7 =	vimm.s32 $0x20F;
	v3 =	vsel vm9, $0x1106, v3  }
0x28: {  	v2 =	vsel vm3, $0x130B, v2;
	v7 =	vsel vm15, $0x280, v7;
	v3 =	vsel vm8, $0x1187, v3  }
0x29: {  	v2 =	vsel vm1, $0x138C, v2;
	v7 =	vsel vm14, $0x301, v7;
	v3 =	vsel vm7, $0x1208, v3  }
0x2a: {  	v2 =	vsel vm2, $0xD, v2;
	v6 =	vsel vm13, $0x382, v7;
	v3 =	vsel vm5, $0x1289, v3  }
0x2b: {  	v62 =	vsel vm6, $0x8E, v2;
	v2 =	vsel vm4, $0x130A, v3;
	v3 =	vsel vm12, $0x1003, v6  }
0x2c: {  	v10 =	vunpack.c.l.s4.s8 v10;
	v12 =	vsel vm15, $0x380, v12;
	v3 =	vsel vm11, $0x1084, v3  }
0x2d: {  	v16 =	vunpack.c.l.s4.s8 v16;
	v5 =	vimm.s32 $0x43210FED;
	v3 =	vsel vm10, $0x1105, v3  }
0x2e: {  	v12 =	vsel vm14, $0x1001, v12;
	v5 =	vunpack.c.l.s4.s8 v5;
	v3 =	vsel vm9, $0x1186, v3  }
0x2f: {  	v27 =	vunpack.c.0.s8.s32 v10;
	v4 =	vcombine.low v20, v19;
	v3 =	vsel vm8, $0x1207, v3  }
0x30: {  	v33 =	vunpack.c.0.s8.s32 v5;
	v5 =	vsel vm15, $0x300, v11;
	v3 =	vsel vm7, $0x1288, v3  }
0x31: {  	v5 =	vsel vm14, $0x381, v5;
	v2 =	vsel vm3, $0x138B, v2;
	v3 =	vsel vm5, $0x1309, v3  }
0x32: {  	v5 =	vsel vm13, $0x1002, v5;
	v2 =	vsel vm1, $0xC, v2;
	v3 =	vsel vm4, $0x138A, v3  }
0x33: {  	v11 =	vsel vm12, $0x1083, v5;
	v2 =	vsel vm2, $0x8D, v2;
	v3 =	vsel vm3, $0xB, v3  }
0x34: {  	v5 =	vsel vm6, $0x10E, v2;
	v2 =	vsel vm1, $0x8C, v3;
	v3 =	vsel vm11, $0x1104, v11  }
0x35: {  	v43 =	vand.u32 $0xF, v4;
	v4 =	vmovc v8;
	v8 =	vimm.s32 $0xBA987654;
	v3 =	vsel vm10, $0x1185, v3  }
0x36: {  	v8 =	vunpack.c.l.s4.s8 v8;
	v2 =	vsel vm2, $0x10D, v2;
	v3 =	vsel vm9, $0x1206, v3  }
0x37: {  	v59 =	vsel vm6, $0x18E, v2;
	v2 =	vimm.s32 $0x543210FE;
	v3 =	vsel vm8, $0x1287, v3  }
0x38: {  	v16 =	vunpack.c.0.s8.s32 v16;
	v2 =	vunpack.c.l.s4.s8 v2;
	v3 =	vsel vm7, $0x1308, v3  }
0x39: {  	v24 =	vunpack.c.0.s8.s32 v8;
	v7 =	vimm.s32 $0xDCBA9876;
	v3 =	vsel vm5, $0x1389, v3  }
0x3a: {  	v32 =	vunpack.c.0.s8.s32 v2;
	v2 =	vsel vm4, $0xA, v3;
	v3 =	vsel vm13, $0x1082, v12  }
0x3b: {  	v0 =	vcombine.low v0, v1;
	v7 =	vunpack.c.l.s4.s8 v7;
	v3 =	vsel vm12, $0x1103, v3  }
0x3c: {  	v10 =	vcombine.low v27, v33;
	v8 =	vcombine.low v24, v23;
	v3 =	vsel vm11, $0x1184, v3  }
0x3d: {  	v31 =	vunpack.c.0.s8.s32 v7;
	v7 =	vimm.s32 $0xEDCBA987;
	v3 =	vsel vm10, $0x1205, v3  }
0x3e: {  	v26 =	vand.u32 $0xF, v10;
	v7 =	vunpack.c.l.s4.s8 v7;
	v3 =	vsel vm9, $0x1286, v3  }
0x3f: {  	v44 =	vand.u32 $0xF, v8;
	v2 =	vsel vm3, $0x8B, v2;
	v3 =	vsel vm8, $0x1307, v3  }
0x40: {  	v30 =	vunpack.c.0.s8.s32 v7;
	v2 =	vsel vm1, $0x10C, v2;
	v3 =	vsel vm7, $0x1388, v3  }
0x41: {  	v12 =	vimm.s32 $0x6543210F;
	v2 =	vsel vm2, $0x18D, v2;
	v3 =	vsel vm5, $0x9, v3  }
0x42: {  	v35 =	vsel vm6, $0x20E, v2;
	v2 =	vsel vm4, $0x8A, v3;
	v3 =	vsel vm15, $0x1000, v15  }
0x43: {  	v11 =	vmovc v5;
	v5 =	vand.u32 $0xF, v0;
	v12 =	vunpack.c.l.s4.s8 v12;
	v3 =	vsel vm14, $0x1081, v3  }
0x44: {  	v15 =	vimm.s32 $0xFEDCBA98;
	v2 =	vsel vm3, $0x10B, v2;
	v3 =	vsel vm13, $0x1102, v3  }
0x45: {  	v17 =	vunpack.c.l.s4.s8 v15;
	v2 =	vsel vm1, $0x18C, v2;
	v3 =	vsel vm12, $0x1183, v3  }
0x46: {  	v14 =	vcombine.low v31, v32;
	v2 =	vsel vm2, $0x20D, v2;
	v3 =	vsel vm11, $0x1204, v3  }
0x47: {  	v50 =	vsel vm6, $0x28E, v2;
	v2 =	vunpack.c.0.s8.s32 v17;
	v3 =	vsel vm10, $0x1285, v3  }
0x48: {  	v29 =	vunpack.c.0.s8.s32 v12;
	v17 =	vimm.s32 $0x100F;
	v3 =	vsel vm9, $0x1306, v3  }
0x49: {  	v17 =	vsel vm15, $0x1080, v17;
	v2 =	vand.u32 $0xF, v2;
	v3 =	vsel vm8, $0x1387, v3  }
0x4a: {  	v10 =	vcombine.low v2, v16;
	v2 =	vsel vm7, $0x8, v3;
	v3 =	vsel vm14, $0x1101, v17  }
0x4b: {  	v7 =	vand.u32 $0xF, v14;
	v17 =	vimm.s32 $0x108F;
	v3 =	vsel vm13, $0x1182, v3  }
0x4c: {  	v2 =	vsel vm5, $0x89, v2;
	v17 =	vsel vm15, $0x1100, v17;
	v3 =	vsel vm12, $0x1203, v3  }
0x4d: {  	v2 =	vsel vm4, $0x10A, v2;
	v17 =	vsel vm14, $0x1181, v17;
	v3 =	vsel vm11, $0x1284, v3  }
0x4e: {  	v2 =	vsel vm3, $0x18B, v2;
	v17 =	vsel vm13, $0x1202, v17;
	v3 =	vsel vm10, $0x1305, v3  }
0x4f: {  	v2 =	vsel vm1, $0x20C, v2;
	v17 =	vsel vm12, $0x1283, v17;
	v3 =	vsel vm9, $0x1386, v3  }
0x50: {  	v2 =	vsel vm2, $0x28D, v2;
	v1 =	vsel vm8, $0x7, v3;
	v3 =	vsel vm11, $0x1304, v17  }
0x51: {  	v17 =	vsel vm6, $0x30E, v2;
	v1 =	vsel vm7, $0x88, v1;
	v2 =	vsel vm10, $0x1385, v3  }
0x52: {  	v14 =	vcombine.low v30, v29;
	v0 =	vsel vm5, $0x109, v1;
	v1 =	vsel vm9, $0x6, v2  }
0x53: {  	v3 =	vcombine.low v19, v20;
	v2 =	vimm.s32 $0x110F;
	v1 =	vsel vm8, $0x87, v1  }
0x54: {  	v0 =	vsel vm4, $0x18A, v0;
	v2 =	vsel vm15, $0x1180, v2;
	v1 =	vsel vm7, $0x108, v1  }
0x55: {  	v0 =	vsel vm3, $0x20B, v0;
	v2 =	vsel vm14, $0x1201, v2;
	v1 =	vsel vm5, $0x189, v1  }
0x56: {  	v0 =	vsel vm1, $0x28C, v0;
	v2 =	vsel vm13, $0x1282, v2;
	v1 =	vsel vm4, $0x20A, v1  }
0x57: {  	v0 =	vsel vm2, $0x30D, v0;
	v2 =	vsel vm12, $0x1303, v2;
	v1 =	vsel vm3, $0x28B, v1  }
0x58: {  	v39 =	vsel vm6, $0x38E, v0;
	v0 =	vsel vm1, $0x30C, v1;
	v1 =	vsel vm11, $0x1384, v2  }
0x59: {  	v19 =	vmovc v5;
	v5 =	vand.u32 $0xF, v3;
	v3 =	vimm.s32 $0x118F;
	v1 =	vsel vm10, $0x5, v1  }
0x5a: {  	v2 =	vcombine.low v21, v22;
	v0 =	vsel vm2, $0x38D, v0;
	v1 =	vsel vm9, $0x86, v1  }
0x5b: {  	v13 =	vsel vm6, $0x100E, v0;
	v0 =	vsel vm8, $0x107, v1;
	v1 =	vsel vm15, $0x1200, v3  }
0x5c: {  	v8 =	vand.u32 $0xF, v2;
	v2 =	vimm.s32 $0x120F;
	v1 =	vsel vm14, $0x1281, v1  }
0x5d: {  	v2 =	vsel vm15, $0x1280, v2;
	v0 =	vsel vm7, $0x188, v0;
	v1 =	vsel vm13, $0x1302, v1  }
0x5e: {  	v3 =	vcombine.low v23, v24;
	v0 =	vsel vm5, $0x209, v0;
	v1 =	vsel vm12, $0x1383, v1  }
0x5f: {  	v2 =	vsel vm14, $0x1301, v2;
	v0 =	vsel vm4, $0x28A, v0;
	v1 =	vsel vm11, $0x4, v1  }
0x60: {  	v2 =	vsel vm13, $0x1382, v2;
	v0 =	vsel vm3, $0x30B, v0;
	v1 =	vsel vm10, $0x85, v1  }
0x61: {  	v2 =	vsel vm12, $0x3, v2;
	v0 =	vsel vm1, $0x38C, v0;
	v1 =	vsel vm9, $0x106, v1  }
0x62: {  	v2 =	vsel vm11, $0x84, v2;
	v0 =	vsel vm2, $0x100D, v0;
	v1 =	vsel vm8, $0x187, v1  }
0x63: {  	v24 =	vmovc v8;
	v8 =	vsel vm6, $0x108E, v0;
	v0 =	vsel vm7, $0x208, v1;
	v1 =	vsel vm10, $0x105, v2  }
0x64: {  	v3 =	vand.u32 $0xF, v3;
	v0 =	vsel vm5, $0x289, v0;
	v1 =	vsel vm9, $0x186, v1  }
0x65: {  	v2 =	vimm.s32 $0x128F;
	v0 =	vsel vm4, $0x30A, v0;
	v1 =	vsel vm8, $0x207, v1  }
0x66: {  	v2 =	vsel vm15, $0x1300, v2;
	v0 =	vsel vm3, $0x38B, v0;
	v1 =	vsel vm7, $0x288, v1  }
0x67: {  	v2 =	vsel vm14, $0x1381, v2;
	v0 =	vsel vm1, $0x100C, v0;
	v1 =	vsel vm5, $0x309, v1  }
0x68: {  	v2 =	vsel vm13, $0x2, v2;
	v0 =	vsel vm2, $0x108D, v0;
	v1 =	vsel vm4, $0x38A, v1  }
0x69: {  	v18 =	vsel vm6, $0x110E, v0;
	v0 =	vsel vm3, $0x100B, v1;
	v1 =	vsel vm12, $0x83, v2  }
0x6a: {  	v2 =	vcombine.low v33, v27;
	v27 =	vmovc v3;
	v3 =	vcombine.low v32, v31;
	v0 =	vsel vm1, $0x108C, v0  }
0x6b: {  	v63 =	vand.u32 $0xF, v14;
	v1 =	vsel vm11, $0x104, v1;
	v0 =	vsel vm2, $0x110D, v0  }
0x6c: {  	v1 =	vsel vm10, $0x185, v1;
	v32 =	vand.u32 $0xF, v2;
	v40 =	vand.u32 $0xF, v3  }
0x6d: {  	v33 =	vsel vm6, $0x118E, v0;
	v0 =	vsel vm9, $0x206, v1;
	v1 =	vimm.s32 $0x130F  }
0x6e: {  	v2 =	vimm.s32 $0x338F;
	v0 =	vsel vm8, $0x287, v0;
	v1 =	vsel vm15, $0x1380, v1  }
0x6f: {  	v2 =	vsel vm15, $0x2000, v2;
	v0 =	vsel vm7, $0x308, v0;
	v1 =	vsel vm14, $0x1, v1  }
0x70: {  	v2 =	vsel vm14, $0x2081, v2;
	v0 =	vsel vm5, $0x389, v0;
	v1 =	vsel vm13, $0x82, v1  }
0x71: {  	v2 =	vsel vm13, $0x2102, v2;
	v0 =	vsel vm4, $0x100A, v0;
	v1 =	vsel vm12, $0x103, v1  }
0x72: {  	v2 =	vsel vm12, $0x2183, v2;
	v0 =	vsel vm3, $0x108B, v0;
	v1 =	vsel vm11, $0x184, v1  }
0x73: {  	v2 =	vsel vm11, $0x2204, v2;
	v0 =	vsel vm1, $0x110C, v0;
	v1 =	vsel vm10, $0x205, v1  }
0x74: {  	v2 =	vsel vm10, $0x2285, v2;
	v0 =	vsel vm2, $0x118D, v0;
	v1 =	vsel vm9, $0x286, v1  }
0x75: {  	v37 =	vsel vm6, $0x120E, v0;
	v0 =	vsel vm8, $0x307, v1;
	v1 =	vsel vm9, $0x2306, v2  }
0x76: {  	v3 =	vcombine.low v29, v30;
	v0 =	vsel vm7, $0x388, v0;
	v1 =	vsel vm8, $0x2387, v1  }
0x77: {  	v2 =	vimm.s32 $0x200F;
	v0 =	vsel vm5, $0x1009, v0;
	v1 =	vsel vm7, $0x3008, v1  }
0x78: {  	v2 =	vsel vm15, $0x2080, v2;
	v0 =	vsel vm4, $0x108A, v0;
	v1 =	vsel vm5, $0x3089, v1  }
0x79: {  	v2 =	vsel vm14, $0x2101, v2;
	v0 =	vsel vm3, $0x110B, v0;
	v1 =	vsel vm4, $0x310A, v1  }
0x7a: {  	v2 =	vsel vm13, $0x2182, v2;
	v0 =	vsel vm1, $0x118C, v0;
	v1 =	vsel vm3, $0x318B, v1  }
0x7b: {  	v2 =	vsel vm12, $0x2203, v2;
	v0 =	vsel vm2, $0x120D, v0;
	v1 =	vsel vm1, $0x320C, v1  }
0x7c: {  	v53 =	vsel vm6, $0x128E, v0;
	v0 =	vsel vm2, $0x328D, v1;
	v1 =	vsel vm11, $0x2284, v2  }
0x7d: {  	v52 =	vand.u32 $0xF, v3;
	v54 =	vsel vm6, $0x330E, v0;
	v0 =	vsel vm10, $0x2305, v1  }
0x7e: {  	v2 =	vimm.s32 $0x101F1E1D;
	v1 =	vimm.s32 $0x1C1B1A19;
	v0 =	vsel vm9, $0x2386, v0  }
0x7f: {  	v15 =	vunpack.c.0.s8.s32 v2;
	v2 =	vimm.s32 $0x208F;
	v0 =	vsel vm8, $0x3007, v0  }
0x80: {  	v3 =	vunpack.c.0.s8.s32 v1;
	v1 =	vimm.s32 $0x14131211;
	v0 =	vsel vm7, $0x3088, v0  }
0x81: {  	v14 =	vunpack.c.0.s8.s32 v1;
	v1 =	vsel vm15, $0x2100, v2;
	v0 =	vsel vm5, $0x3109, v0  }
0x82: {  	v1 =	vsel vm14, $0x2181, v1;
	v0 =	vsel vm4, $0x318A, v0  }
0x83: {  	v1 =	vsel vm13, $0x2202, v1;
	v0 =	vsel vm3, $0x320B, v0  }
0x84: {  	v1 =	vsel vm12, $0x2283, v1;
	v0 =	vsel vm1, $0x328C, v0  }
0x85: {  	v1 =	vsel vm11, $0x2304, v1;
	v0 =	vsel vm2, $0x330D, v0  }
0x86: {  	v41 =	vsel vm6, $0x338E, v0;
	v0 =	vsel vm10, $0x2385, v1  }
0x87: {  	v0 =	vsel vm9, $0x3006, v0  }
0x88: {  	v0 =	vsel vm8, $0x3087, v0  }
0x89: {  	v0 =	vsel vm7, $0x3108, v0  }
0x8a: {  	v0 =	vsel vm5, $0x3189, v0  }
0x8b: {  	v0 =	vsel vm4, $0x320A, v0  }
0x8c: {  	v0 =	vsel vm3, $0x328B, v0  }
0x8d: {  	v0 =	vsel vm1, $0x330C, v0  }
0x8e: {  	v0 =	vsel vm2, $0x338D, v0  }
0x8f: {  	v60 =	vsel vm6, $0x200E, v0;
	v0 =	vimm.s32 $0x1E1D1C1B  }
0x90: {  	v2 =	vimm.s32 $0x18171615;
	v0 =	vunpack.c.0.s8.s32 v0  }
0x91: {  	v16 =	vunpack.c.0.s8.s32 v2;
	v2 =	vimm.s32 $0x210F  }
0x92: {  	v2 =	vsel vm15, $0x2180, v2;
	[tilespmem:$0x1FC00] =	vst v0;
	v0 =	vimm.s32 $0x1211101F  }
0x93: {  	v1 =	vsel vm14, $0x2201, v2;
	v0 =	vunpack.c.0.s8.s32 v0  }
0x94: {  	v1 =	vsel vm13, $0x2282, v1  }
0x95: {  	v1 =	vsel vm12, $0x2303, v1;
	[tilespmem:$0x1FC10] =	vst v0;
	v0 =	vimm.s32 $0x16151413  }
0x96: {  	v1 =	vsel vm11, $0x2384, v1;
	v0 =	vunpack.c.0.s8.s32 v0  }
0x97: {  	v1 =	vsel vm10, $0x3005, v1  }
0x98: {  	v1 =	vsel vm9, $0x3086, v1;
	[tilespmem:$0x1FC20] =	vst v0;
	v0 =	vimm.s32 $0x1A191817  }
0x99: {  	v1 =	vsel vm8, $0x3107, v1;
	v0 =	vunpack.c.0.s8.s32 v0  }
0x9a: {  	v1 =	vsel vm7, $0x3188, v1  }
0x9b: {  	v1 =	vsel vm5, $0x3209, v1;
	[tilespmem:$0x1FC30] =	vst v0;
	v0 =	vimm.s32 $0x1F1E1D1C  }
0x9c: {  	v1 =	vsel vm4, $0x328A, v1;
	v0 =	vunpack.c.0.s8.s32 v0  }
0x9d: {  	v1 =	vsel vm3, $0x330B, v1  }
0x9e: {  	v1 =	vsel vm1, $0x338C, v1;
	[tilespmem:$0x1FC40] =	vst v0;
	v0 =	vimm.s32 $0x13121110  }
0x9f: {  	v1 =	vsel vm2, $0x200D, v1;
	v0 =	vunpack.c.0.s8.s32 v0  }
0xa0: {  	v55 =	vsel vm6, $0x208E, v1;
	v1 =	vimm.s32 $0x17161514  }
0xa1: {  	[tilespmem:$0x1FC50] =	vst v0;
	v0 =	vunpack.c.0.s8.s32 v1;
	_ =	sdelay $0x1  }
0xa2: {  	[tilespmem:$0x1FC60] =	vst v0;
	v0 =	vimm.s32 $0x1B1A1918  }
0xa3: {  	v2 =	vimm.s32 $0x1D1C1B1A;
	v0 =	vunpack.c.0.s8.s32 v0  }
0xa4: {  	v21 =	vunpack.c.0.s8.s32 v2;
	v2 =	vimm.s32 $0x11101F1E  }
0xa5: {  	v22 =	vunpack.c.0.s8.s32 v2;
	v2 =	vimm.s32 $0x15141312;
	[tilespmem:$0x1FC70] =	vst v0;
	v0 =	vimm.s32 $0x218F  }
0xa6: {  	v23 =	vunpack.c.0.s8.s32 v2;
	v2 =	vimm.s32 $0x19181716;
	v0 =	vsel vm15, $0x2200, v0  }
0xa7: {  	v6 =	vunpack.c.0.s8.s32 v2;
	v2 =	vimm.s32 $0x228F;
	v0 =	vsel vm14, $0x2281, v0  }
0xa8: {  	v2 =	vsel vm15, $0x2300, v2;
	v1 =	vimm.s32 $0x220F;
	v0 =	vsel vm13, $0x2302, v0  }
0xa9: {  	v2 =	vsel vm14, $0x2381, v2;
	v1 =	vsel vm15, $0x2280, v1;
	v0 =	vsel vm12, $0x2383, v0  }
0xaa: {  	v2 =	vsel vm13, $0x3002, v2;
	v1 =	vsel vm14, $0x2301, v1;
	v0 =	vsel vm11, $0x3004, v0  }
0xab: {  	v2 =	vsel vm12, $0x3083, v2;
	v1 =	vsel vm13, $0x2382, v1;
	v0 =	vsel vm10, $0x3085, v0  }
0xac: {  	v2 =	vsel vm11, $0x3104, v2;
	v1 =	vsel vm12, $0x3003, v1;
	v0 =	vsel vm9, $0x3106, v0  }
0xad: {  	v2 =	vsel vm10, $0x3185, v2;
	v1 =	vsel vm11, $0x3084, v1;
	v0 =	vsel vm8, $0x3187, v0  }
0xae: {  	v2 =	vsel vm9, $0x3206, v2;
	v1 =	vsel vm10, $0x3105, v1;
	v0 =	vsel vm7, $0x3208, v0  }
0xaf: {  	v2 =	vsel vm8, $0x3287, v2;
	v1 =	vsel vm9, $0x3186, v1;
	v0 =	vsel vm5, $0x3289, v0  }
0xb0: {  	v2 =	vsel vm7, $0x3308, v2;
	v1 =	vsel vm8, $0x3207, v1;
	v0 =	vsel vm4, $0x330A, v0  }
0xb1: {  	v2 =	vsel vm5, $0x3389, v2;
	v1 =	vsel vm7, $0x3288, v1;
	v0 =	vsel vm3, $0x338B, v0  }
0xb2: {  	v2 =	vsel vm4, $0x200A, v2;
	v1 =	vsel vm5, $0x3309, v1;
	v0 =	vsel vm1, $0x200C, v0  }
0xb3: {  	v2 =	vsel vm3, $0x208B, v2;
	v1 =	vsel vm4, $0x338A, v1;
	v0 =	vsel vm2, $0x208D, v0  }
0xb4: {  	v2 =	vsel vm1, $0x210C, v2;
	v1 =	vsel vm3, $0x200B, v1;
	v0 =	vsel vm6, $0x210E, v0  }
0xb5: {  	v1 =	vsel vm1, $0x208C, v1;
	[tilespmem:$0x1FC80] =	vst v0;
	v0 =	vsel vm2, $0x218D, v2  }
0xb6: {  	v1 =	vsel vm2, $0x210D, v1;
	v58 =	vsel vm6, $0x220E, v0;
	v0 =	vimm.s32 $0x230F  }
0xb7: {  	v57 =	vsel vm6, $0x218E, v1;
	v1 =	vimm.s32 $0x238F;
	v0 =	vsel vm15, $0x2380, v0  }
0xb8: {  	v1 =	vsel vm15, $0x3000, v1;
	v0 =	vsel vm14, $0x3001, v0  }
0xb9: {  	v1 =	vsel vm14, $0x3081, v1;
	v2 =	vimm.s32 $0x300F;
	v0 =	vsel vm13, $0x3082, v0  }
0xba: {  	v1 =	vsel vm13, $0x3102, v1;
	v2 =	vsel vm15, $0x3080, v2;
	v0 =	vsel vm12, $0x3103, v0  }
0xbb: {  	v1 =	vsel vm12, $0x3183, v1;
	v2 =	vsel vm14, $0x3101, v2;
	v0 =	vsel vm11, $0x3184, v0  }
0xbc: {  	v1 =	vsel vm11, $0x3204, v1;
	v2 =	vsel vm13, $0x3182, v2;
	v0 =	vsel vm10, $0x3205, v0  }
0xbd: {  	v1 =	vsel vm10, $0x3285, v1;
	v2 =	vsel vm12, $0x3203, v2;
	v0 =	vsel vm9, $0x3286, v0  }
0xbe: {  	v1 =	vsel vm9, $0x3306, v1;
	v2 =	vsel vm11, $0x3284, v2;
	v0 =	vsel vm8, $0x3307, v0  }
0xbf: {  	v1 =	vsel vm8, $0x3387, v1;
	v2 =	vsel vm10, $0x3305, v2;
	v0 =	vsel vm7, $0x3388, v0  }
0xc0: {  	v1 =	vsel vm7, $0x2008, v1;
	v2 =	vsel vm9, $0x3386, v2;
	v0 =	vsel vm5, $0x2009, v0  }
0xc1: {  	v1 =	vsel vm5, $0x2089, v1;
	v2 =	vsel vm8, $0x2007, v2;
	v0 =	vsel vm4, $0x208A, v0  }
0xc2: {  	v1 =	vsel vm4, $0x210A, v1;
	v2 =	vsel vm7, $0x2088, v2;
	v0 =	vsel vm3, $0x210B, v0  }
0xc3: {  	v1 =	vsel vm3, $0x218B, v1;
	v2 =	vsel vm5, $0x2109, v2;
	v0 =	vsel vm1, $0x218C, v0  }
0xc4: {  	v1 =	vsel vm1, $0x220C, v1;
	v2 =	vsel vm4, $0x218A, v2;
	v0 =	vsel vm2, $0x220D, v0  }
0xc5: {  	v1 =	vsel vm2, $0x228D, v1;
	v2 =	vsel vm3, $0x220B, v2;
	v0 =	vsel vm6, $0x228E, v0  }
0xc6: {  	v2 =	vsel vm1, $0x228C, v2;
	[tilespmem:$0x1FC90] =	vst v0;
	v0 =	vsel vm6, $0x230E, v1  }
0xc7: {  	[tilespmem:$0x1FCA0] =	vst v0;
	v0 =	vsel vm2, $0x230D, v2  }
0xc8: {  	v0 =	vsel vm6, $0x238E, v0  }
0xc9: {  	[tilespmem:$0x1FCB0] =	vst v0;
	v0 =	vimm.s32 $0x308F  }
0xca: {  	v1 =	vimm.s32 $0x310F;
	v0 =	vsel vm15, $0x3100, v0  }
0xcb: {  	v1 =	vsel vm15, $0x3180, v1;
	v0 =	vsel vm14, $0x3181, v0  }
0xcc: {  	v2 =	vimm.s32 $0x318F;
	v1 =	vsel vm14, $0x3201, v1;
	v0 =	vsel vm13, $0x3202, v0  }
0xcd: {  	v2 =	vsel vm15, $0x3200, v2;
	v1 =	vsel vm13, $0x3282, v1;
	v0 =	vsel vm12, $0x3283, v0  }
0xce: {  	v2 =	vsel vm14, $0x3281, v2;
	v1 =	vsel vm12, $0x3303, v1;
	v0 =	vsel vm11, $0x3304, v0  }
0xcf: {  	v2 =	vsel vm13, $0x3302, v2;
	v1 =	vsel vm11, $0x3384, v1;
	v0 =	vsel vm10, $0x3385, v0  }
0xd0: {  	v2 =	vsel vm12, $0x3383, v2;
	v1 =	vsel vm10, $0x2005, v1;
	v0 =	vsel vm9, $0x2006, v0  }
0xd1: {  	v2 =	vsel vm11, $0x2004, v2;
	v1 =	vsel vm9, $0x2086, v1;
	v0 =	vsel vm8, $0x2087, v0  }
0xd2: {  	v2 =	vsel vm10, $0x2085, v2;
	v1 =	vsel vm8, $0x2107, v1;
	v0 =	vsel vm7, $0x2108, v0  }
0xd3: {  	v2 =	vsel vm9, $0x2106, v2;
	v1 =	vsel vm7, $0x2188, v1;
	v0 =	vsel vm5, $0x2189, v0  }
0xd4: {  	v2 =	vsel vm8, $0x2187, v2;
	v1 =	vsel vm5, $0x2209, v1;
	v0 =	vsel vm4, $0x220A, v0  }
0xd5: {  	v2 =	vsel vm7, $0x2208, v2;
	v1 =	vsel vm4, $0x228A, v1;
	v0 =	vsel vm3, $0x228B, v0  }
0xd6: {  	v2 =	vsel vm5, $0x2289, v2;
	v1 =	vsel vm3, $0x230B, v1;
	v0 =	vsel vm1, $0x230C, v0  }
0xd7: {  	v2 =	vsel vm4, $0x230A, v2;
	v1 =	vsel vm1, $0x238C, v1;
	v0 =	vsel vm2, $0x238D, v0  }
0xd8: {  	v2 =	vsel vm3, $0x238B, v2;
	v1 =	vsel vm2, $0x300D, v1;
	v0 =	vsel vm6, $0x300E, v0  }
0xd9: {  	v2 =	vsel vm1, $0x300C, v2;
	[tilespmem:$0x1FCC0] =	vst v0;
	v0 =	vsel vm6, $0x308E, v1  }
0xda: {  	[tilespmem:$0x1FCD0] =	vst v0;
	v0 =	vsel vm2, $0x308D, v2  }
0xdb: {  	s0 =	rddreg [dreg:$0x0];
	s2 =	simm.s32 $0x0;
	v0 =	vsel vm6, $0x310E, v0  }
0xdc: {  	[smem:$0x7FF] =	sst s2;
	[tilespmem:$0x1FCE0] =	vst v0  }
0xdd: {  	s1 =	rddreg [dreg:$0x1];
	_ =	strace $0x80000047;
	[tilespmem:$0x1FD20] =	vst v3  }
0xde: {  	[tilespmem:$0x1FD30] =	vst v15  }
0xdf: {  	[tilespmem:$0x1FD40] =	vst v14  }
0xe0: {  	[tilespmem:$0x1FD50] =	vst v16  }
0xe1: {  	[tilespmem:$0x1FD60] =	vst v21  }
0xe2: {  	[tilespmem:$0x1FD70] =	vst v22  }
0xe3: {  	[tilespmem:$0x1FD80] =	vst v23  }
0xe4: {  	[tilespmem:$0x1FD90] =	vst v6  }
0xe5: {  	[tilespmem:$0x1FDE0] =	vst v25  }
0xe6: {  	[tilespmem:$0x1FDF0] =	vst v43  }
0xe7: {  	[tilespmem:$0x1FE00] =	vst v9  }
0xe8: {  	[tilespmem:$0x1FE10] =	vst v26  }
0xe9: {  	[tilespmem:$0x1FE20] =	vst v57  }
0xea: {  	[tilespmem:$0x1FE30] =	vst v58  }
0xeb: {  	[tilespmem:$0x1FE50] =	vst v7  }
0xec: {  	[tilespmem:$0x1FE70] =	vst v60  }
0xed: {  	[tilespmem:$0x1FE80] =	vst v33  }
0xee: {  	[tilespmem:$0x1FE90] =	vst v37  }
0xef: {  	[tilespmem:$0x1FEA0] =	vst v41  }
0xf0: {  	[tilespmem:$0x1FEB0] =	vst v17  }
0xf1: {  	[tilespmem:$0x1FEC0] =	vst v62  }
0xf2: {  	[tilespmem:$0x1FED0] =	vst v35  }
0xf3: {  	[tilespmem:$0x1FEE0] =	vst v13  }
0xf4: {  	[tilespmem:$0x1FEF0] =	vst v32  }
0xf5: {  	v0 =	vimm.s32 $0x320F;
	[tilespmem:$0x1FF00] =	vst v40  }
0xf6: {  	v1 =	vimm.s32 $0x328F;
	v0 =	vsel vm15, $0x3280, v0;
	[tilespmem:$0x1FF10] =	vst v52  }
0xf7: {  	v34 =	vlaneseq.u32;
	v1 =	vsel vm15, $0x3300, v1;
	[tilespmem:$0x1FF20] =	vst v53;
	v0 =	vsel vm14, $0x3301, v0  }
0xf8: {  	v2 =	vimm.s32 $0x330F;
	v1 =	vsel vm14, $0x3381, v1;
	[tilespmem:$0x1FF30] =	vst v54;
	v0 =	vsel vm13, $0x3382, v0  }
0xf9: {  	v2 =	vsel vm15, $0x3380, v2;
	v1 =	vsel vm13, $0x2002, v1;
	[tilespmem:$0x1FF40] =	vst v19;
	v0 =	vsel vm12, $0x2003, v0  }
0xfa: {  	v2 =	vsel vm14, $0x2001, v2;
	v1 =	vsel vm12, $0x2083, v1;
	[tilespmem:$0x1FF50] =	vst v39;
	v0 =	vsel vm11, $0x2084, v0  }
0xfb: {  	v2 =	vsel vm13, $0x2082, v2;
	[tilespmem:$0x1FF60] =	vst v44;
	v1 =	vsel vm11, $0x2104, v1;
	v0 =	vsel vm10, $0x2105, v0  }
0xfc: {  	[tilespmem:$0x1FF70] =	vst v11;
	v2 =	vsel vm12, $0x2103, v2;
	v1 =	vsel vm10, $0x2185, v1;
	v0 =	vsel vm9, $0x2186, v0  }
0xfd: {  	[tilespmem:$0x1FF80] =	vst v63;
	v2 =	vsel vm11, $0x2184, v2;
	v1 =	vsel vm9, $0x2206, v1;
	v0 =	vsel vm8, $0x2207, v0  }
0xfe: {  	[tilespmem:$0x1FF90] =	vst v50;
	v2 =	vsel vm10, $0x2205, v2;
	v1 =	vsel vm8, $0x2287, v1;
	v0 =	vsel vm7, $0x2288, v0  }
0xff: {  	[tilespmem:$0x1FFA0] =	vst v24;
	v2 =	vsel vm9, $0x2286, v2;
	v1 =	vsel vm7, $0x2308, v1;
	v0 =	vsel vm5, $0x2309, v0  }
0x100: {  	[tilespmem:$0x1FFB0] =	vst v4;
	v2 =	vsel vm8, $0x2307, v2;
	v1 =	vsel vm5, $0x2389, v1;
	v0 =	vsel vm4, $0x238A, v0  }
0x101: {  	s24 =	srdreg.scid;
	s3 =	stileid.u32;
	s13 =	simm.s32 $0x200;
	[tilespmem:$0x1FFC0] =	vst v38;
	v2 =	vsel vm7, $0x2388, v2;
	v1 =	vsel vm4, $0x300A, v1;
	v0 =	vsel vm3, $0x300B, v0  }
0x102: {  	s15 =	simm.s32 $0x80;
	s16 =	simm.s32 $0x400;
	s23 =	simm.s32 $0x4400;
	[tilespmem:$0x1FFD0] =	vst v27;
	v2 =	vsel vm5, $0x3009, v2;
	v1 =	vsel vm3, $0x308B, v1;
	v0 =	vsel vm1, $0x308C, v0  }
0x103: {  	s22 =	simm.s32 $0x6;
	s28 =	simm.s32 $0x6400;
	s29 =	simm.s32 $0x380;
	[tilespmem:$0x1FFE0] =	vst v36;
	v2 =	vsel vm4, $0x308A, v2;
	v1 =	vsel vm1, $0x310C, v1;
	v0 =	vsel vm2, $0x310D, v0  }
0x104: {  	s30 =	simm.s32 $0x7400;
	s31 =	simm.s32 $0x1;
	s17 =	simm.s32 $0x20000;
	[tilespmem:$0x1FFF0] =	vst v59;
	v2 =	vsel vm3, $0x310B, v2;
	v1 =	vsel vm2, $0x318D, v1;
	v0 =	vsel vm6, $0x318E, v0  }
0x105: {  	vm0 =	vcmask $0x1F10;
	s18 =	simm.s32 $0xC400;
	s19 =	simm.s32 $0x3;
	s7 =	simm.s32 $0x0;
	v2 =	vsel vm1, $0x318C, v2;
	[tilespmem:$0x1FCF0] =	vst v0;
	v0 =	vsel vm6, $0x320E, v1  }
0x106: {  	s2 =	sand.u32 $0x1, s24;
	s3 =	sshll.u32 s3, $0x1;
	s4 =	sadd.s32 $0xF42A00, s0;
	v1 =	vmul.u32 $0x20, v34;
	[tilespmem:$0x1FD00] =	vst v0;
	v0 =	vsel vm2, $0x320D, v2;
	v2 =	vsel vm0, v16, v14  }
0x107: {  	s5 =	sadd.s32 $0x600, s0;
	s6 =	ssub.s32 $0x2, s2;
	s2 =	sor.u32 s2, s3;
	[tilespmem:$0x1FDB0] =	vst v2  }
0x108: {  	s11 =	sadd.s32 $0x10000, s1;
	s25 =	sshrl.u32 s6, $0x1;
	s3 =	sshll.u32 s2, $0x6;
	v0 =	vsel vm6, $0x328E, v0;
	[tilespmem:$0x1FE40] =	vst v1  }
.Ltmp0:
0x109: {  	s0 =	ssub.s32 s6, s25;
	s6 =	sshll.u32 s2, $0x9;
	[tilespmem:$0x1FD10] =	vst v0;
	v0 =	vsel vm0, v15, v3;
	(pc) =	sbr.rel .LBB2_1-.Ltmp0, $4  }
0x10a: {  	s26 =	sadd.s32 s5, s3;
	s25 =	simm.s32 $0x5400;
	s3 =	simm.s32 $0x1000;
	v3 =	vsel vm0, v22, v21;
	v15 =	vsel vm0, v6, v23;
	[tilespmem:$0x1FDA0] =	vst v0  }
0x10b: {  	s2 =	sadd.s32 $0x800, s26;
	s9 =	sor.u32 $0x8000, s6;
	[dreg:$0x3] =	wrdreg s26;
	[tilespmem:$0x1FDC0] =	vst v3;
	v20 =	vcombine.low v15, v3  }
0x10c: {  	s10 =	sor.u32 $0xC000, s6;
	s0 =	smax.u32 s0, $0x1;
	[dreg:$0x4] =	wrdreg s2;
	[tilespmem:$0x1FDD0] =	vst v15  }
0x10d: {  	[dreg:$0x5] =	wrdreg s0;
	s26 =	simm.s32 $0x300;
	s0 =	simm.s32 $0x8400;
	v14 =	vor.u32 $0x10, v34;
	v23 =	vcombine.low v2, v0;
	[tilespmem:$0x1FE60] =	vst v20  }
.LBB2_11:
0x10e: {  	_ =	swait.ge [sflag:s19], $0x4000  }
0x10f: {  	[sflag:s19] =	ssyncset.done $0x0  }
0x110: {  	s2 =	simm.s32 $0x4;
	[sflag:s19] =	ssyncadd.s32 $0xFFFFC000  }
0x111: {  	_ =	swait.ge [sflag:s2], $0x4000  }
0x112: {  	s7 =	rddreg [dreg:$0x6]  }
0x113: {  	s1 =	rddreg [dreg:$0x5];
	s7 =	sadd.s32 $0x1, s7  }
0x114: {  	v25 =	vld [tilespmem:$0x1FDE0];
	p0 =	sne.s32 s7, s1  }
.Ltmp1:
0x115: {  	v43 =	vld [tilespmem:$0x1FDF0];
	(pc) =	sbr.rel @!p0 .LBB2_12-.Ltmp1, $4  }
0x116: {  	v9 =	vld [tilespmem:$0x1FE00]  }
0x117: {  	v26 =	vld [tilespmem:$0x1FE10]  }
0x118: {  	[sflag:s2] =	ssyncset.done $0x0;
	v7 =	vld [tilespmem:$0x1FE50]  }
0x119: {  	v34 =	vlaneseq.u32;
	v18 =	vmovc v16;
	v55 =	vmov v29;
	v23 =	vmov v15;
	v1 =	vld [tilespmem:$0x1FE40];
	[sflag:s2] =	ssyncadd.s32 $0xFFFFC000  }
.LBB2_1:
0x11a: {  	[dreg:$0x6] =	wrdreg s7  }
0x11b: {  	s1 =	simm.s32 $0x0;
	s2 =	rddreg [dreg:$0x3]  }
0x11c: {  	[tilespmem:s1], [sflag:$0x5] =	stream.linear.gather [hbm4b:s2+s1], $0x200, $0x38;
	[tilespmem:$0x10400] =	vst v63  }
0x11d: {  	s24 =	rddreg [dreg:$0x4];
	s7 =	simm.s32 $0x5  }
0x11e: {  	[tilespmem:s13], [sflag:$0x6] =	stream.linear.gather [hbm4b:s24+s1], $0x200, $0x38;
	[tilespmem:$0x10400] =	vst v63  }
0x11f: {  	_ =	swait.ge [sflag:s7], $0x200  }
0x120: {  	[sflag:s7] =	ssyncset.done $0x0  }
0x121: {  	[sflag:s7] =	ssyncadd.s32 $0xFFFFFE00  }
0x122: {  	[tilespmem:s16], [sflag:$0x1] =	stream.indirect.gather [hbm4b:s4+s15], $0x20, s1, s15, $0xb8;
	[tilespmem:$0x10400] =	vst v63  }
0x123: {  	s8 =	simm.s32 $0x1400  }
0x124: {  	[tilespmem:s8], [sflag:$0x1] =	stream.indirect.gather [hbm4b:s4+s15], $0x20, s15, s15, $0xb8;
	[tilespmem:$0x10400] =	vst v63  }
0x125: {  	s12 =	simm.s32 $0x100;
	s14 =	simm.s32 $0x2400  }
0x126: {  	[tilespmem:s14], [sflag:$0x1] =	stream.indirect.gather [hbm4b:s4+s15], $0x20, s12, s15, $0xb8;
	[tilespmem:$0x10400] =	vst v63  }
0x127: {  	s20 =	simm.s32 $0x180;
	s21 =	simm.s32 $0x3400  }
0x128: {  	[tilespmem:s21], [sflag:$0x1] =	stream.indirect.gather [hbm4b:s4+s15], $0x20, s20, s15, $0xb8;
	[tilespmem:$0x10400] =	vst v63  }
0x129: {  	_ =	swait.ge [sflag:s22], $0x200  }
0x12a: {  	[sflag:s22] =	ssyncset.done $0x0  }
0x12b: {  	[sflag:s22] =	ssyncadd.s32 $0xFFFFFE00  }
0x12c: {  	[tilespmem:s23], [sflag:$0x2] =	stream.indirect.gather [hbm4b:s4+s15], $0x20, s13, s15, $0xb8;
	[tilespmem:$0x10400] =	vst v63  }
0x12d: {  	s24 =	simm.s32 $0x280  }
0x12e: {  	[tilespmem:s25], [sflag:$0x2] =	stream.indirect.gather [hbm4b:s4+s15], $0x20, s24, s15, $0xb8;
	[tilespmem:$0x10400] =	vst v63  }
0x12f: {  	_ = 	snop  }
0x130: {  	[tilespmem:s28], [sflag:$0x2] =	stream.indirect.gather [hbm4b:s4+s15], $0x20, s26, s15, $0xb8;
	[tilespmem:$0x10400] =	vst v63  }
0x131: {  	s8 =	simm.s32 $0x0  }
0x132: {  	[tilespmem:s30], [sflag:$0x2] =	stream.indirect.gather [hbm4b:s4+s15], $0x20, s29, s15, $0xb8;
	[tilespmem:$0x10400] =	vst v63  }
.LBB2_2:
0x133: {  	p0 =	seq.s32 s8, $0x18  }
0x134: {  	p1 =	seq.s32 @!p0 s8, $0x0  }
0x135: {  	p1 =	por p0, !p1  }
.Ltmp2:
0x136: {  	s12 =	sshll.u32 @!p0 s8, $0xF;
	(pc) =	sbr.rel @!p1 .LBB2_3-.Ltmp2, $4  }
0x137: {  	_ =	swait.ge [sflag:s31], $0x4000;
	s2 =	sadd.s32 @!p0 s9, s12  }
0x138: {  	[sflag:s31] =	ssyncset.done $0x0;
	s2 =	sshrl.u32 @!p0 s2, $0x3  }
0x139: {  	s7 =	simm.s32 @!p0 $0x0;
	[sflag:s31] =	ssyncadd.s32 $0xFFFFC000;
	s2 =	sadd.s32 @!p0 s5, s2  }
0x13a: {  	v56 =	vld [tilespmem:$0x1FC80];
	[tilespmem:s7], [sflag:$0x5] =	stream.linear.gather @!p0 [hbm4b:s2+s7], $0x200, $0x38  }
.Ltmp3:
0x13b: {  	(pc) =	sbr.rel .LBB2_5-.Ltmp3, $4  }
0x13c: {  	_ = 	snop  }
0x13d: {  	_ =	swait.ge [sflag:s19], $0x4000  }
0x13e: {  	[sflag:s19] =	ssyncset.done $0x0  }
0x13f: {  	p1 =	por $0x0, $0x0;
	[sflag:s19] =	ssyncadd.s32 $0xFFFFC000  }
.LBB2_3:
0x140: {  	p1 =	por @!p0 $0x1, $0x1  }
.LBB2_5:
0x141: {  	s2 =	simm.s32 $0x0  }
0x142: {  	s7 =	simm.s32 $0x0;
	s2 =	sand.u32 $0x70, s2  }
0x143: {  	s7 =	sor.u32 s2, s7  }
0x144: {  	v0 =	vmov s7  }
0x145: {  	v0 =	vshll.u32 v0, $0x5  }
0x146: {  	v1 =	vor.u32 v1, v0  }
0x147: {  	v0 =	vor.u32 v34, v1;
	_ =	sdelay $0x2  }
0x148: {  	s24 =	simm.s32 $0x0  }
0x149: {  	s7 =	sor.u32 s2, s24  }
0x14a: {  	v2 =	vor.u32 s7, v25;
	v0 =	vld.idx.msk [tilespmem:v0+s16+$0x0], $0xffff  }
0x14b: {  	v3 =	vor.u32 v4, v1;
	_ =	sdelay $0x3  }
0x14c: {  	[tilespmem:v2+s0+$0x0] =	vst.idx.msk $0xffff, v0  }
0x14d: {  	v2 =	vor.u32 s7, v38;
	v0 =	vld.idx.msk [tilespmem:v3+s16+$0x0], $0xffff  }
0x14e: {  	v3 =	vor.u32 v43, v1;
	_ =	sdelay $0x3  }
0x14f: {  	[tilespmem:v2+s0+$0x0] =	vst.idx.msk $0xffff, v0  }
0x150: {  	v2 =	vor.u32 s7, v36;
	v0 =	vld.idx.msk [tilespmem:v3+s16+$0x0], $0xffff  }
0x151: {  	v3 =	vor.u32 v9, v1;
	_ =	sdelay $0x3  }
0x152: {  	[tilespmem:v2+s0+$0x0] =	vst.idx.msk $0xffff, v0  }
0x153: {  	v2 =	vor.u32 s7, v62;
	v0 =	vld.idx.msk [tilespmem:v3+s16+$0x0], $0xffff  }
0x154: {  	v3 =	vor.u32 v44, v1;
	_ =	sdelay $0x3  }
0x155: {  	[tilespmem:v2+s0+$0x0] =	vst.idx.msk $0xffff, v0  }
0x156: {  	v2 =	vor.u32 s7, v11;
	v0 =	vld.idx.msk [tilespmem:v3+s16+$0x0], $0xffff  }
0x157: {  	v3 =	vor.u32 v26, v1;
	_ =	sdelay $0x3  }
0x158: {  	[tilespmem:v2+s0+$0x0] =	vst.idx.msk $0xffff, v0  }
0x159: {  	v2 =	vor.u32 s7, v59;
	v0 =	vld.idx.msk [tilespmem:v3+s16+$0x0], $0xffff  }
0x15a: {  	v3 =	vor.u32 v7, v1;
	_ =	sdelay $0x3  }
0x15b: {  	[tilespmem:v2+s0+$0x0] =	vst.idx.msk $0xffff, v0  }
0x15c: {  	v2 =	vor.u32 s7, v35;
	v0 =	vld.idx.msk [tilespmem:v3+s16+$0x0], $0xffff  }
0x15d: {  	v3 =	vor.u32 v63, v1;
	_ =	sdelay $0x3  }
0x15e: {  	[tilespmem:v2+s0+$0x0] =	vst.idx.msk $0xffff, v0  }
0x15f: {  	v2 =	vor.u32 s7, v50;
	v0 =	vld.idx.msk [tilespmem:v3+s16+$0x0], $0xffff  }
0x160: {  	v3 =	vor.u32 v10, v1;
	_ =	sdelay $0x3  }
0x161: {  	[tilespmem:v2+s0+$0x0] =	vst.idx.msk $0xffff, v0  }
0x162: {  	v2 =	vor.u32 s7, v17;
	v0 =	vld.idx.msk [tilespmem:v3+s16+$0x0], $0xffff  }
0x163: {  	v3 =	vor.u32 v19, v1;
	_ =	sdelay $0x3  }
0x164: {  	[tilespmem:v2+s0+$0x0] =	vst.idx.msk $0xffff, v0  }
0x165: {  	v2 =	vor.u32 s7, v39;
	v0 =	vld.idx.msk [tilespmem:v3+s16+$0x0], $0xffff  }
0x166: {  	v3 =	vor.u32 v5, v1;
	_ =	sdelay $0x3  }
0x167: {  	[tilespmem:v2+s0+$0x0] =	vst.idx.msk $0xffff, v0  }
0x168: {  	v2 =	vor.u32 s7, v13;
	v0 =	vld.idx.msk [tilespmem:v3+s16+$0x0], $0xffff  }
0x169: {  	v3 =	vor.u32 v24, v1;
	_ =	sdelay $0x3  }
0x16a: {  	[tilespmem:v2+s0+$0x0] =	vst.idx.msk $0xffff, v0  }
0x16b: {  	v2 =	vor.u32 s7, v8;
	v0 =	vld.idx.msk [tilespmem:v3+s16+$0x0], $0xffff  }
0x16c: {  	v3 =	vor.u32 v27, v1;
	_ =	sdelay $0x3  }
0x16d: {  	[tilespmem:v2+s0+$0x0] =	vst.idx.msk $0xffff, v0  }
0x16e: {  	v2 =	vor.u32 s7, v18;
	v0 =	vld.idx.msk [tilespmem:v3+s16+$0x0], $0xffff  }
0x16f: {  	v3 =	vor.u32 v32, v1;
	_ =	sdelay $0x3  }
0x170: {  	[tilespmem:v2+s0+$0x0] =	vst.idx.msk $0xffff, v0  }
0x171: {  	v2 =	vor.u32 s7, v33;
	v0 =	vld.idx.msk [tilespmem:v3+s16+$0x0], $0xffff  }
0x172: {  	v3 =	vor.u32 v40, v1;
	_ =	sdelay $0x3  }
0x173: {  	[tilespmem:v2+s0+$0x0] =	vst.idx.msk $0xffff, v0  }
0x174: {  	v2 =	vor.u32 s7, v37;
	v0 =	vld.idx.msk [tilespmem:v3+s16+$0x0], $0xffff  }
0x175: {  	v3 =	vor.u32 v52, v1;
	_ =	sdelay $0x3  }
0x176: {  	[tilespmem:v2+s0+$0x0] =	vst.idx.msk $0xffff, v0  }
0x177: {  	v2 =	vor.u32 s7, v53;
	v0 =	vld.idx.msk [tilespmem:v3+s16+$0x0], $0xffff  }
0x178: {  	v3 =	vor.u32 v14, v1;
	_ =	sdelay $0x3  }
0x179: {  	[tilespmem:v2+s0+$0x0] =	vst.idx.msk $0xffff, v0  }
0x17a: {  	v2 =	vor.u32 s7, v54;
	v0 =	vld.idx.msk [tilespmem:v3+s16+$0x0], $0xffff  }
0x17b: {  	v3 =	vor.u32 v23, v1  }
0x17c: {  	v48 =	vld [tilespmem:$0x1FC00]  }
0x17d: {  	v6 =	vld [tilespmem:$0x1FC10]  }
0x17e: {  	v28 =	vld [tilespmem:$0x1FC20]  }
0x17f: {  	v49 =	vld [tilespmem:$0x1FC30];
	[tilespmem:v2+s0+$0x0] =	vst.idx.msk $0xffff, v0  }
0x180: {  	v2 =	vor.u32 s7, v41;
	v0 =	vld.idx.msk [tilespmem:v3+s16+$0x0], $0xffff  }
0x181: {  	v3 =	vor.u32 v20, v1  }
0x182: {  	v51 =	vld [tilespmem:$0x1FC40]  }
0x183: {  	v61 =	vld [tilespmem:$0x1FC50]  }
0x184: {  	v45 =	vld [tilespmem:$0x1FC60];
	v15 =	vsel vm0, v6, v48;
	v16 =	vsel vm0, v49, v28  }
0x185: {  	v46 =	vld [tilespmem:$0x1FC70];
	v12 =	vcombine.low v16, v15;
	[tilespmem:v2+s0+$0x0] =	vst.idx.msk $0xffff, v0  }
0x186: {  	v2 =	vor.u32 s7, v60;
	v0 =	vld.idx.msk [tilespmem:v3+s16+$0x0], $0xffff  }
0x187: {  	v3 =	vor.u32 v12, v1;
	_ =	sdelay $0x1  }
0x188: {  	[tilespmem:$0x1FBD0] =	vst v15  }
0x189: {  	v15 =	vsel vm0, v46, v45;
	[tilespmem:$0x1FBB0] =	vst v12;
	v12 =	vsel vm0, v61, v51  }
0x18a: {  	v58 =	vmovc v4;
	v20 =	vmov v10;
	v10 =	vmov v9;
	v9 =	vld [tilespmem:$0x1FD40];
	v4 =	vcombine.low v15, v12;
	[tilespmem:v2+s0+$0x0] =	vst.idx.msk $0xffff, v0  }
0x18b: {  	v0 =	vld.idx.msk [tilespmem:v3+s16+$0x0], $0xffff  }
0x18c: {  	v31 =	vmov v4;
	v3 =	vor.u32 v4, v1;
	v4 =	vld [tilespmem:$0x1FD30];
	_ =	sdelay $0x4  }
0x18d: {  	v47 =	vsel vm0, v9, v4;
	v4 =	vld [tilespmem:$0x1FD20]  }
0x18e: {  	v9 =	vld [tilespmem:$0x1FD50]  }
0x18f: {  	v2 =	vor.u32 s7, v55;
	_ =	sdelay $0x3  }
0x190: {  	v57 =	vmov v5;
	v5 =	vmov v25;
	v25 =	vsel vm0, v4, v9  }
0x191: {  	v30 =	vmov v14;
	v14 =	vld [tilespmem:$0x1FD80];
	[tilespmem:v2+s0+$0x0] =	vst.idx.msk $0xffff, v0;
	v4 =	vcombine.low v25, v47  }
0x192: {  	v22 =	vmov v41;
	v2 =	vor.u32 s7, v56;
	v0 =	vld.idx.msk [tilespmem:v3+s16+$0x0], $0xffff  }
0x193: {  	v41 =	vmovc v15;
	v15 =	vmovc v8;
	v8 =	vmov v43;
	v43 =	vmov v4;
	v3 =	vor.u32 v4, v1;
	v4 =	vld [tilespmem:$0x1FD70];
	_ =	sdelay $0x3  }
0x194: {  	[tilespmem:v2+s0+$0x0] =	vst.idx.msk $0xffff, v0;
	v2 =	vld [tilespmem:$0x1FE20]  }
0x195: {  	v42 =	vsel vm0, v14, v4;
	v4 =	vld [tilespmem:$0x1FD60]  }
0x196: {  	v14 =	vld [tilespmem:$0x1FD90];
	_ =	sdelay $0x2  }
0x197: {  	v34 =	vmov v2;
	v2 =	vor.u32 s7, v2;
	v0 =	vld.idx.msk [tilespmem:v3+s16+$0x0], $0xffff;
	_ =	sdelay $0x1  }
0x198: {  	v4 =	vsel vm0, v4, v14  }
0x199: {  	[tilespmem:$0x1FBC0] =	vst v16;
	v16 =	vmov v7;
	v7 =	vcombine.low v4, v42;
	_ =	sdelay $0x1  }
0x19a: {  	[tilespmem:v2+s0+$0x0] =	vst.idx.msk $0xffff, v0;
	v2 =	vld [tilespmem:$0x1FE30];
	v3 =	vor.u32 v7, v1;
	_ =	sdelay $0x1  }
0x19b: {  	v29 =	vmovc v18;
	v18 =	vmov v44;
	v44 =	vmov v7;
	v7 =	vsel vm0, v28, v6  }
0x19c: {  	v6 =	vsel vm0, v48, v49  }
0x19d: {  	[tilespmem:$0x1FBE0] =	vst v6;
	v6 =	vcombine.low v6, v7  }
0x19e: {  	[tilespmem:$0x1FBF0] =	vst v7;
	v7 =	vmov v2;
	v2 =	vor.u32 s7, v2;
	v0 =	vld.idx.msk [tilespmem:v3+s16+$0x0], $0xffff  }
0x19f: {  	v9 =	vmov v59;
	v59 =	vld [tilespmem:$0x1FC90];
	v3 =	vor.u32 v6, v1;
	_ =	sdelay $0x3  }
0x1a0: {  	[tilespmem:v2+s0+$0x0] =	vst.idx.msk $0xffff, v0  }
0x1a1: {  	v2 =	vor.u32 s7, v59;
	v0 =	vld.idx.msk [tilespmem:v3+s16+$0x0], $0xffff;
	_ =	sdelay $0x2  }
0x1a2: {  	v49 =	vsel vm0, v51, v46;
	v21 =	vmov v6;
	v6 =	vsel vm0, v45, v61  }
0x1a3: {  	v60 =	vld [tilespmem:$0x1FCA0];
	v6 =	vcombine.low v49, v6  }
0x1a4: {  	[tilespmem:v2+s0+$0x0] =	vst.idx.msk $0xffff, v0;
	v0 =	vld [tilespmem:$0x1FDA0]  }
0x1a5: {  	v3 =	vor.u32 v6, v1;
	v2 =	vld [tilespmem:$0x1FDB0];
	_ =	sdelay $0x4  }
0x1a6: {  	v45 =	vmov v6;
	v6 =	vcombine.low v0, v2;
	v0 =	vld.idx.msk [tilespmem:v3+s16+$0x0], $0xffff;
	v2 =	vor.u32 s7, v60;
	_ =	sdelay $0x3  }
0x1a7: {  	v61 =	vld [tilespmem:$0x1FCB0]  }
0x1a8: {  	[tilespmem:v2+s0+$0x0] =	vst.idx.msk $0xffff, v0;
	v0 =	vld [tilespmem:$0x1FDC0]  }
0x1a9: {  	v3 =	vor.u32 v6, v1;
	v2 =	vld [tilespmem:$0x1FDD0];
	_ =	sdelay $0x4  }
0x1aa: {  	v46 =	vmov v6;
	v6 =	vcombine.low v0, v2;
	v0 =	vld.idx.msk [tilespmem:v3+s16+$0x0], $0xffff;
	v2 =	vor.u32 s7, v61;
	_ =	sdelay $0x4  }
0x1ab: {  	[tilespmem:v2+s0+$0x0] =	vst.idx.msk $0xffff, v0;
	v0 =	vld [tilespmem:$0x1FBC0]  }
0x1ac: {  	v2 =	vld [tilespmem:$0x1FBD0]  }
0x1ad: {  	v48 =	vmov v6;
	v3 =	vor.u32 v6, v1;
	v6 =	vld [tilespmem:$0x1FCC0];
	_ =	sdelay $0x3  }
0x1ae: {  	v14 =	vmov v26;
	v26 =	vcombine.low v2, v0  }
0x1af: {  	v0 =	vld.idx.msk [tilespmem:v3+s16+$0x0], $0xffff;
	v2 =	vor.u32 s7, v6  }
0x1b0: {  	v49 =	vmov v26;
	v3 =	vor.u32 v26, v1;
	v26 =	vld [tilespmem:$0x1FCD0];
	_ =	sdelay $0x3  }
0x1b1: {  	v41 =	vcombine.low v12, v41;
	[tilespmem:v2+s0+$0x0] =	vst.idx.msk $0xffff, v0  }
0x1b2: {  	v0 =	vld.idx.msk [tilespmem:v3+s16+$0x0], $0xffff;
	v2 =	vor.u32 s7, v26  }
0x1b3: {  	v25 =	vcombine.low v47, v25;
	v47 =	vld [tilespmem:$0x1FCE0];
	v3 =	vor.u32 v41, v1;
	_ =	sdelay $0x3  }
0x1b4: {  	[tilespmem:v2+s0+$0x0] =	vst.idx.msk $0xffff, v0  }
0x1b5: {  	v28 =	vmov v41;
	v2 =	vor.u32 s7, v47;
	v41 =	vld.idx.msk [tilespmem:v3+s16+$0x0], $0xffff  }
0x1b6: {  	v0 =	vmov v25;
	v3 =	vor.u32 v25, v1;
	v25 =	vld [tilespmem:$0x1FCF0];
	_ =	sdelay $0x3  }
0x1b7: {  	v4 =	vcombine.low v42, v4;
	[tilespmem:v2+s0+$0x0] =	vst.idx.msk $0xffff, v41  }
0x1b8: {  	v2 =	vld.idx.msk [tilespmem:v3+s16+$0x0], $0xffff;
	v3 =	vor.u32 s7, v25  }
0x1b9: {  	v42 =	vor.u32 v4, v1;
	_ =	sdelay $0x2  }
0x1ba: {  	v12 =	vmov v4;
	v4 =	vld [tilespmem:$0x1FBE0]  }
0x1bb: {  	v51 =	vld [tilespmem:$0x1FBF0];
	[tilespmem:v3+s0+$0x0] =	vst.idx.msk $0xffff, v2  }
0x1bc: {  	v2 =	vld.idx.msk [tilespmem:v42+s16+$0x0], $0xffff  }
0x1bd: {  	v42 =	vld [tilespmem:$0x1FD00];
	_ =	sdelay $0x2  }
0x1be: {  	v4 =	vcombine.low v51, v4  }
0x1bf: {  	s21 =	simm.s32 $0x0  }
0x1c0: {  	s20 =	simm.s32 $0x2;
	s14 =	simm.s32 $0x10;
	s2 =	sshll.u32 s8, $0x11;
	v51 =	vmov v4;
	v1 =	vor.u32 v4, v1;
	v41 =	vld [tilespmem:$0x1FD10];
	v3 =	vor.u32 s7, v42  }
.LBB2_6:
0x1c1: {  	_ =	sdelay $0x3  }
0x1c2: {  	[tilespmem:v3+s0+$0x0] =	vst.idx.msk $0xffff, v2  }
0x1c3: {  	v3 =	vld.idx.msk [tilespmem:v1+s16+$0x0], $0xffff  }
0x1c4: {  	v1 =	vld [tilespmem:$0x1FE40]  }
0x1c5: {  	s1 =	sshll.u32 s21, $0x7;
	s24 =	sand.u32 $0x70, s14  }
0x1c6: {  	s1 =	sor.u32 s24, s1  }
0x1c7: {  	v4 =	vmov s1  }
0x1c8: {  	v2 =	vshll.u32 v4, $0x5  }
0x1c9: {  	v4 =	vlaneseq.u32;
	v1 =	vor.u32 v1, v2;
	v2 =	vor.u32 s7, v41  }
0x1ca: {  	v4 =	vor.u32 v4, v1;
	_ =	sdelay $0x2  }
0x1cb: {  	s21 =	sshll.u32 s21, $0xA  }
0x1cc: {  	s7 =	sor.u32 s24, s21;
	[tilespmem:v2+s0+$0x0] =	vst.idx.msk $0xffff, v3  }
0x1cd: {  	v3 =	vor.u32 s7, v5;
	v2 =	vld.idx.msk [tilespmem:v4+s16+$0x0], $0xffff  }
0x1ce: {  	v4 =	vor.u32 v58, v1;
	_ =	sdelay $0x3  }
0x1cf: {  	[tilespmem:v3+s0+$0x0] =	vst.idx.msk $0xffff, v2  }
0x1d0: {  	v3 =	vor.u32 s7, v38;
	v2 =	vld.idx.msk [tilespmem:v4+s16+$0x0], $0xffff  }
0x1d1: {  	v4 =	vor.u32 v8, v1;
	_ =	sdelay $0x3  }
0x1d2: {  	[tilespmem:v3+s0+$0x0] =	vst.idx.msk $0xffff, v2  }
0x1d3: {  	v3 =	vor.u32 s7, v36;
	v2 =	vld.idx.msk [tilespmem:v4+s16+$0x0], $0xffff  }
0x1d4: {  	v4 =	vor.u32 v10, v1;
	_ =	sdelay $0x3  }
0x1d5: {  	[tilespmem:v3+s0+$0x0] =	vst.idx.msk $0xffff, v2  }
0x1d6: {  	v3 =	vor.u32 s7, v62;
	v2 =	vld.idx.msk [tilespmem:v4+s16+$0x0], $0xffff  }
0x1d7: {  	v4 =	vor.u32 v18, v1;
	_ =	sdelay $0x3  }
0x1d8: {  	[tilespmem:v3+s0+$0x0] =	vst.idx.msk $0xffff, v2  }
0x1d9: {  	v3 =	vor.u32 s7, v11;
	v2 =	vld.idx.msk [tilespmem:v4+s16+$0x0], $0xffff  }
0x1da: {  	v4 =	vor.u32 v14, v1;
	_ =	sdelay $0x3  }
0x1db: {  	[tilespmem:v3+s0+$0x0] =	vst.idx.msk $0xffff, v2  }
0x1dc: {  	v3 =	vor.u32 s7, v9;
	v2 =	vld.idx.msk [tilespmem:v4+s16+$0x0], $0xffff  }
0x1dd: {  	v4 =	vor.u32 v16, v1;
	_ =	sdelay $0x3  }
0x1de: {  	[tilespmem:v3+s0+$0x0] =	vst.idx.msk $0xffff, v2  }
0x1df: {  	v3 =	vor.u32 s7, v35;
	v2 =	vld.idx.msk [tilespmem:v4+s16+$0x0], $0xffff  }
0x1e0: {  	v4 =	vor.u32 v63, v1;
	_ =	sdelay $0x3  }
0x1e1: {  	[tilespmem:v3+s0+$0x0] =	vst.idx.msk $0xffff, v2  }
0x1e2: {  	v3 =	vor.u32 s7, v50;
	v2 =	vld.idx.msk [tilespmem:v4+s16+$0x0], $0xffff  }
0x1e3: {  	v4 =	vor.u32 v20, v1;
	_ =	sdelay $0x3  }
0x1e4: {  	[tilespmem:v3+s0+$0x0] =	vst.idx.msk $0xffff, v2  }
0x1e5: {  	v3 =	vor.u32 s7, v17;
	v2 =	vld.idx.msk [tilespmem:v4+s16+$0x0], $0xffff  }
0x1e6: {  	v4 =	vor.u32 v19, v1;
	_ =	sdelay $0x3  }
0x1e7: {  	[tilespmem:v3+s0+$0x0] =	vst.idx.msk $0xffff, v2  }
0x1e8: {  	v3 =	vor.u32 s7, v39;
	v2 =	vld.idx.msk [tilespmem:v4+s16+$0x0], $0xffff  }
0x1e9: {  	v4 =	vor.u32 v57, v1;
	_ =	sdelay $0x3  }
0x1ea: {  	[tilespmem:v3+s0+$0x0] =	vst.idx.msk $0xffff, v2  }
0x1eb: {  	v3 =	vor.u32 s7, v13;
	v2 =	vld.idx.msk [tilespmem:v4+s16+$0x0], $0xffff  }
0x1ec: {  	v4 =	vor.u32 v24, v1;
	_ =	sdelay $0x3  }
0x1ed: {  	[tilespmem:v3+s0+$0x0] =	vst.idx.msk $0xffff, v2  }
0x1ee: {  	v3 =	vor.u32 s7, v15;
	v2 =	vld.idx.msk [tilespmem:v4+s16+$0x0], $0xffff  }
0x1ef: {  	v4 =	vor.u32 v27, v1;
	_ =	sdelay $0x3  }
0x1f0: {  	[tilespmem:v3+s0+$0x0] =	vst.idx.msk $0xffff, v2  }
0x1f1: {  	v3 =	vor.u32 s7, v29;
	v2 =	vld.idx.msk [tilespmem:v4+s16+$0x0], $0xffff  }
0x1f2: {  	v4 =	vor.u32 v32, v1;
	_ =	sdelay $0x3  }
0x1f3: {  	[tilespmem:v3+s0+$0x0] =	vst.idx.msk $0xffff, v2  }
0x1f4: {  	v3 =	vor.u32 s7, v33;
	v2 =	vld.idx.msk [tilespmem:v4+s16+$0x0], $0xffff  }
0x1f5: {  	v4 =	vor.u32 v40, v1;
	_ =	sdelay $0x3  }
0x1f6: {  	[tilespmem:v3+s0+$0x0] =	vst.idx.msk $0xffff, v2  }
0x1f7: {  	v3 =	vor.u32 s7, v37;
	v2 =	vld.idx.msk [tilespmem:v4+s16+$0x0], $0xffff  }
0x1f8: {  	v4 =	vor.u32 v52, v1;
	_ =	sdelay $0x3  }
0x1f9: {  	[tilespmem:v3+s0+$0x0] =	vst.idx.msk $0xffff, v2  }
0x1fa: {  	v3 =	vor.u32 s7, v53;
	v2 =	vld.idx.msk [tilespmem:v4+s16+$0x0], $0xffff  }
0x1fb: {  	v4 =	vor.u32 v30, v1;
	_ =	sdelay $0x3  }
0x1fc: {  	[tilespmem:v3+s0+$0x0] =	vst.idx.msk $0xffff, v2  }
0x1fd: {  	v3 =	vor.u32 s7, v54;
	v2 =	vld.idx.msk [tilespmem:v4+s16+$0x0], $0xffff  }
0x1fe: {  	v4 =	vor.u32 v23, v1;
	_ =	sdelay $0x3  }
0x1ff: {  	[tilespmem:v3+s0+$0x0] =	vst.idx.msk $0xffff, v2  }
0x200: {  	v2 =	vld.idx.msk [tilespmem:v4+s16+$0x0], $0xffff  }
0x201: {  	v4 =	vld [tilespmem:$0x1FE60];
	_ =	sdelay $0x3  }
0x202: {  	v3 =	vor.u32 s7, v22  }
0x203: {  	v4 =	vor.u32 v4, v1;
	_ =	sdelay $0x3  }
0x204: {  	[tilespmem:v3+s0+$0x0] =	vst.idx.msk $0xffff, v2;
	v3 =	vld [tilespmem:$0x1FE70]  }
0x205: {  	v2 =	vld.idx.msk [tilespmem:v4+s16+$0x0], $0xffff  }
0x206: {  	v4 =	vld [tilespmem:$0x1FBB0];
	_ =	sdelay $0x3  }
0x207: {  	v3 =	vor.u32 s7, v3  }
0x208: {  	v4 =	vor.u32 v4, v1;
	_ =	sdelay $0x3  }
0x209: {  	[tilespmem:v3+s0+$0x0] =	vst.idx.msk $0xffff, v2  }
0x20a: {  	v3 =	vor.u32 s7, v55;
	v2 =	vld.idx.msk [tilespmem:v4+s16+$0x0], $0xffff  }
0x20b: {  	v4 =	vor.u32 v31, v1;
	_ =	sdelay $0x3  }
0x20c: {  	[tilespmem:v3+s0+$0x0] =	vst.idx.msk $0xffff, v2  }
0x20d: {  	v3 =	vor.u32 s7, v56;
	v2 =	vld.idx.msk [tilespmem:v4+s16+$0x0], $0xffff  }
0x20e: {  	v4 =	vor.u32 v43, v1;
	_ =	sdelay $0x3  }
0x20f: {  	[tilespmem:v3+s0+$0x0] =	vst.idx.msk $0xffff, v2  }
0x210: {  	v3 =	vor.u32 s7, v34;
	v2 =	vld.idx.msk [tilespmem:v4+s16+$0x0], $0xffff  }
0x211: {  	v4 =	vor.u32 v44, v1;
	_ =	sdelay $0x3  }
0x212: {  	[tilespmem:v3+s0+$0x0] =	vst.idx.msk $0xffff, v2  }
0x213: {  	v3 =	vor.u32 s7, v7;
	v2 =	vld.idx.msk [tilespmem:v4+s16+$0x0], $0xffff  }
0x214: {  	v4 =	vor.u32 v21, v1;
	_ =	sdelay $0x3  }
0x215: {  	[tilespmem:v3+s0+$0x0] =	vst.idx.msk $0xffff, v2  }
0x216: {  	v3 =	vor.u32 s7, v59;
	v2 =	vld.idx.msk [tilespmem:v4+s16+$0x0], $0xffff  }
0x217: {  	v4 =	vor.u32 v45, v1;
	_ =	sdelay $0x3  }
0x218: {  	[tilespmem:v3+s0+$0x0] =	vst.idx.msk $0xffff, v2  }
0x219: {  	v3 =	vor.u32 s7, v60;
	v2 =	vld.idx.msk [tilespmem:v4+s16+$0x0], $0xffff  }
0x21a: {  	v4 =	vor.u32 v46, v1;
	_ =	sdelay $0x3  }
0x21b: {  	[tilespmem:v3+s0+$0x0] =	vst.idx.msk $0xffff, v2  }
0x21c: {  	v3 =	vor.u32 s7, v61;
	v2 =	vld.idx.msk [tilespmem:v4+s16+$0x0], $0xffff  }
0x21d: {  	v4 =	vor.u32 v48, v1;
	_ =	sdelay $0x3  }
0x21e: {  	[tilespmem:v3+s0+$0x0] =	vst.idx.msk $0xffff, v2  }
0x21f: {  	v3 =	vor.u32 s7, v6;
	v2 =	vld.idx.msk [tilespmem:v4+s16+$0x0], $0xffff  }
0x220: {  	v4 =	vor.u32 v49, v1;
	_ =	sdelay $0x3  }
0x221: {  	[tilespmem:v3+s0+$0x0] =	vst.idx.msk $0xffff, v2  }
0x222: {  	v3 =	vor.u32 s7, v26;
	v2 =	vld.idx.msk [tilespmem:v4+s16+$0x0], $0xffff  }
0x223: {  	v4 =	vor.u32 v28, v1;
	_ =	sdelay $0x3  }
0x224: {  	[tilespmem:v3+s0+$0x0] =	vst.idx.msk $0xffff, v2  }
0x225: {  	v3 =	vor.u32 s7, v47;
	v2 =	vld.idx.msk [tilespmem:v4+s16+$0x0], $0xffff  }
0x226: {  	v4 =	vor.u32 v0, v1;
	_ =	sdelay $0x3  }
0x227: {  	[tilespmem:v3+s0+$0x0] =	vst.idx.msk $0xffff, v2  }
0x228: {  	v3 =	vor.u32 s7, v25;
	v2 =	vld.idx.msk [tilespmem:v4+s16+$0x0], $0xffff  }
0x229: {  	p2 =	sne.s32 s20, $0x1F;
	v4 =	vor.u32 v12, v1  }
.Ltmp4:
0x22a: {  	_ = 	snop;
	(pc) =	sbr.rel @p2 .LBB2_6-.Ltmp4, $3  }
0x22b: {  	_ =	sdelay $0x1  }
0x22c: {  	[tilespmem:v3+s0+$0x0] =	vst.idx.msk $0xffff, v2  }
0x22d: {  	s14 =	sadd.s32 $0x10, s14;
	s21 =	sshrl.u32 s20, $0x3;
	s20 =	sadd.s32 $0x1, s20;
	v1 =	vor.u32 v51, v1;
	v3 =	vor.u32 s7, v42;
	v2 =	vld.idx.msk [tilespmem:v4+s16+$0x0], $0xffff  }
0x22e: {  	_ =	sdelay $0x3  }
0x22f: {  	[tilespmem:v3+s0+$0x0] =	vst.idx.msk $0xffff, v2;
	v3 =	vld [tilespmem:$0x1FE40]  }
0x230: {  	s1 =	sshll.u32 s21, $0x7;
	s14 =	sand.u32 $0x70, s14  }
0x231: {  	s1 =	sor.u32 s14, s1  }
0x232: {  	v4 =	vmov s1  }
0x233: {  	v2 =	vshll.u32 v4, $0x5  }
0x234: {  	v4 =	vlaneseq.u32;
	v1 =	vld.idx.msk [tilespmem:v1+s16+$0x0], $0xffff;
	v2 =	vor.u32 v3, v2;
	v3 =	vor.u32 s7, v41  }
0x235: {  	v4 =	vor.u32 v4, v2;
	_ =	sdelay $0x3  }
0x236: {  	[tilespmem:v3+s0+$0x0] =	vst.idx.msk $0xffff, v1  }
0x237: {  	v1 =	vld.idx.msk [tilespmem:v4+s16+$0x0], $0xffff;
	_ =	sdelay $0x3  }
0x238: {  	s24 =	sshll.u32 s21, $0xA  }
0x239: {  	s1 =	sor.u32 s14, s24;
	[tilespmem:$0x1F990] =	vst v1  }
0x23a: {  	v3 =	vor.u32 s1, v5;
	v1 =	vld [tilespmem:$0x1F990]  }
0x23b: {  	v4 =	vor.u32 v58, v2;
	_ =	sdelay $0x3  }
0x23c: {  	[tilespmem:v3+s0+$0x0] =	vst.idx.msk $0xffff, v1  }
0x23d: {  	v3 =	vor.u32 s1, v38;
	v1 =	vld.idx.msk [tilespmem:v4+s16+$0x0], $0xffff  }
0x23e: {  	v4 =	vor.u32 v8, v2;
	_ =	sdelay $0x3  }
0x23f: {  	[tilespmem:v3+s0+$0x0] =	vst.idx.msk $0xffff, v1  }
0x240: {  	v3 =	vor.u32 s1, v36;
	v1 =	vld.idx.msk [tilespmem:v4+s16+$0x0], $0xffff  }
0x241: {  	v4 =	vor.u32 v10, v2;
	_ =	sdelay $0x3  }
0x242: {  	[tilespmem:v3+s0+$0x0] =	vst.idx.msk $0xffff, v1  }
0x243: {  	v1 =	vld.idx.msk [tilespmem:v4+s16+$0x0], $0xffff;
	_ =	sdelay $0x4  }
0x244: {  	[tilespmem:$0x1F9A0] =	vst v1  }
0x245: {  	v3 =	vor.u32 s1, v62;
	v1 =	vld [tilespmem:$0x1F9A0]  }
0x246: {  	v4 =	vor.u32 v18, v2;
	_ =	sdelay $0x3  }
0x247: {  	[tilespmem:v3+s0+$0x0] =	vst.idx.msk $0xffff, v1  }
0x248: {  	v3 =	vor.u32 s1, v11;
	v1 =	vld.idx.msk [tilespmem:v4+s16+$0x0], $0xffff  }
0x249: {  	v4 =	vor.u32 v14, v2;
	_ =	sdelay $0x3  }
0x24a: {  	[tilespmem:v3+s0+$0x0] =	vst.idx.msk $0xffff, v1  }
0x24b: {  	v3 =	vor.u32 s1, v9;
	v1 =	vld.idx.msk [tilespmem:v4+s16+$0x0], $0xffff  }
0x24c: {  	v4 =	vor.u32 v16, v2;
	_ =	sdelay $0x3  }
0x24d: {  	[tilespmem:v3+s0+$0x0] =	vst.idx.msk $0xffff, v1  }
0x24e: {  	v1 =	vld.idx.msk [tilespmem:v4+s16+$0x0], $0xffff;
	_ =	sdelay $0x4  }
0x24f: {  	[tilespmem:$0x1F9B0] =	vst v1  }
0x250: {  	v3 =	vor.u32 s1, v35;
	v1 =	vld [tilespmem:$0x1F9B0]  }
0x251: {  	v4 =	vor.u32 v63, v2;
	_ =	sdelay $0x3  }
0x252: {  	[tilespmem:v3+s0+$0x0] =	vst.idx.msk $0xffff, v1  }
0x253: {  	v3 =	vor.u32 s1, v50;
	v1 =	vld.idx.msk [tilespmem:v4+s16+$0x0], $0xffff  }
0x254: {  	v4 =	vor.u32 v20, v2;
	_ =	sdelay $0x3  }
0x255: {  	[tilespmem:v3+s0+$0x0] =	vst.idx.msk $0xffff, v1  }
0x256: {  	v1 =	vld.idx.msk [tilespmem:v4+s16+$0x0], $0xffff;
	_ =	sdelay $0x4  }
0x257: {  	[tilespmem:$0x1F9C0] =	vst v1  }
0x258: {  	v3 =	vor.u32 s1, v17;
	v1 =	vld [tilespmem:$0x1F9C0]  }
0x259: {  	v4 =	vor.u32 v19, v2;
	_ =	sdelay $0x3  }
0x25a: {  	[tilespmem:v3+s0+$0x0] =	vst.idx.msk $0xffff, v1  }
0x25b: {  	v3 =	vor.u32 s1, v39;
	v1 =	vld.idx.msk [tilespmem:v4+s16+$0x0], $0xffff  }
0x25c: {  	v4 =	vor.u32 v57, v2;
	_ =	sdelay $0x3  }
0x25d: {  	[tilespmem:v3+s0+$0x0] =	vst.idx.msk $0xffff, v1  }
0x25e: {  	v1 =	vld.idx.msk [tilespmem:v4+s16+$0x0], $0xffff;
	_ =	sdelay $0x4  }
0x25f: {  	[tilespmem:$0x1F9D0] =	vst v1  }
0x260: {  	v3 =	vor.u32 s1, v13;
	v1 =	vld [tilespmem:$0x1F9D0]  }
0x261: {  	v4 =	vor.u32 v24, v2;
	_ =	sdelay $0x3  }
0x262: {  	[tilespmem:v3+s0+$0x0] =	vst.idx.msk $0xffff, v1  }
0x263: {  	v1 =	vld.idx.msk [tilespmem:v4+s16+$0x0], $0xffff;
	_ =	sdelay $0x4  }
0x264: {  	[tilespmem:$0x1F9E0] =	vst v1  }
0x265: {  	v3 =	vor.u32 s1, v15;
	v1 =	vld [tilespmem:$0x1F9E0]  }
0x266: {  	v4 =	vor.u32 v27, v2;
	_ =	sdelay $0x3  }
0x267: {  	[tilespmem:v3+s0+$0x0] =	vst.idx.msk $0xffff, v1  }
0x268: {  	v1 =	vld.idx.msk [tilespmem:v4+s16+$0x0], $0xffff;
	_ =	sdelay $0x4  }
0x269: {  	[tilespmem:$0x1F9F0] =	vst v1  }
0x26a: {  	v3 =	vor.u32 s1, v29;
	v1 =	vld [tilespmem:$0x1F9F0]  }
0x26b: {  	v4 =	vor.u32 v32, v2;
	_ =	sdelay $0x3  }
0x26c: {  	[tilespmem:v3+s0+$0x0] =	vst.idx.msk $0xffff, v1  }
0x26d: {  	v1 =	vld.idx.msk [tilespmem:v4+s16+$0x0], $0xffff;
	_ =	sdelay $0x4  }
0x26e: {  	[tilespmem:$0x1FA00] =	vst v1  }
0x26f: {  	v3 =	vor.u32 s1, v33;
	v1 =	vld [tilespmem:$0x1FA00]  }
0x270: {  	v4 =	vor.u32 v40, v2;
	_ =	sdelay $0x3  }
0x271: {  	[tilespmem:v3+s0+$0x0] =	vst.idx.msk $0xffff, v1  }
0x272: {  	v1 =	vld.idx.msk [tilespmem:v4+s16+$0x0], $0xffff;
	_ =	sdelay $0x4  }
0x273: {  	[tilespmem:$0x1FA10] =	vst v1  }
0x274: {  	v3 =	vor.u32 s1, v37;
	v1 =	vld [tilespmem:$0x1FA10]  }
0x275: {  	v4 =	vor.u32 v52, v2;
	_ =	sdelay $0x3  }
0x276: {  	[tilespmem:v3+s0+$0x0] =	vst.idx.msk $0xffff, v1  }
0x277: {  	v3 =	vor.u32 s1, v53;
	v1 =	vld.idx.msk [tilespmem:v4+s16+$0x0], $0xffff  }
0x278: {  	v4 =	vor.u32 v30, v2;
	_ =	sdelay $0x3  }
0x279: {  	[tilespmem:v3+s0+$0x0] =	vst.idx.msk $0xffff, v1  }
0x27a: {  	v3 =	vor.u32 s1, v54;
	v1 =	vld.idx.msk [tilespmem:v4+s16+$0x0], $0xffff  }
0x27b: {  	v4 =	vor.u32 v23, v2;
	_ =	sdelay $0x3  }
0x27c: {  	[tilespmem:v3+s0+$0x0] =	vst.idx.msk $0xffff, v1  }
0x27d: {  	v1 =	vld.idx.msk [tilespmem:v4+s16+$0x0], $0xffff;
	_ =	sdelay $0x4  }
0x27e: {  	[tilespmem:$0x1FA20] =	vst v1;
	v1 =	vld [tilespmem:$0x1FE60];
	_ =	sdelay $0x4  }
0x27f: {  	v3 =	vor.u32 s1, v22;
	v4 =	vor.u32 v1, v2;
	v1 =	vld [tilespmem:$0x1FA20];
	_ =	sdelay $0x4  }
0x280: {  	[tilespmem:v3+s0+$0x0] =	vst.idx.msk $0xffff, v1  }
0x281: {  	v1 =	vld.idx.msk [tilespmem:v4+s16+$0x0], $0xffff;
	_ =	sdelay $0x4  }
0x282: {  	[tilespmem:$0x1FA30] =	vst v1;
	v1 =	vld [tilespmem:$0x1FE70];
	_ =	sdelay $0x4  }
0x283: {  	v3 =	vor.u32 s1, v1;
	v1 =	vld [tilespmem:$0x1FBB0];
	_ =	sdelay $0x4  }
0x284: {  	v4 =	vor.u32 v1, v2;
	v1 =	vld [tilespmem:$0x1FA30];
	_ =	sdelay $0x4  }
0x285: {  	[tilespmem:v3+s0+$0x0] =	vst.idx.msk $0xffff, v1  }
0x286: {  	v1 =	vld.idx.msk [tilespmem:v4+s16+$0x0], $0xffff;
	_ =	sdelay $0x4  }
0x287: {  	[tilespmem:$0x1FA40] =	vst v1  }
0x288: {  	v3 =	vor.u32 s1, v55;
	v1 =	vld [tilespmem:$0x1FA40]  }
0x289: {  	v4 =	vor.u32 v31, v2;
	_ =	sdelay $0x3  }
0x28a: {  	[tilespmem:v3+s0+$0x0] =	vst.idx.msk $0xffff, v1  }
0x28b: {  	v1 =	vld.idx.msk [tilespmem:v4+s16+$0x0], $0xffff;
	_ =	sdelay $0x4  }
0x28c: {  	[tilespmem:$0x1FA50] =	vst v1  }
0x28d: {  	v3 =	vor.u32 s1, v56;
	v1 =	vld [tilespmem:$0x1FA50]  }
0x28e: {  	v4 =	vor.u32 v43, v2;
	_ =	sdelay $0x3  }
0x28f: {  	[tilespmem:v3+s0+$0x0] =	vst.idx.msk $0xffff, v1  }
0x290: {  	v1 =	vld.idx.msk [tilespmem:v4+s16+$0x0], $0xffff;
	_ =	sdelay $0x4  }
0x291: {  	[tilespmem:$0x1FA60] =	vst v1  }
0x292: {  	v3 =	vor.u32 s1, v34;
	v1 =	vld [tilespmem:$0x1FA60]  }
0x293: {  	v4 =	vor.u32 v44, v2;
	_ =	sdelay $0x3  }
0x294: {  	[tilespmem:v3+s0+$0x0] =	vst.idx.msk $0xffff, v1  }
0x295: {  	v1 =	vld.idx.msk [tilespmem:v4+s16+$0x0], $0xffff;
	_ =	sdelay $0x4  }
0x296: {  	[tilespmem:$0x1FA70] =	vst v1  }
0x297: {  	v3 =	vor.u32 s1, v7;
	v1 =	vld [tilespmem:$0x1FA70]  }
0x298: {  	v4 =	vor.u32 v21, v2;
	_ =	sdelay $0x3  }
0x299: {  	[tilespmem:v3+s0+$0x0] =	vst.idx.msk $0xffff, v1  }
0x29a: {  	v1 =	vld.idx.msk [tilespmem:v4+s16+$0x0], $0xffff;
	_ =	sdelay $0x4  }
0x29b: {  	[tilespmem:$0x1FA80] =	vst v1  }
0x29c: {  	v3 =	vor.u32 s1, v59;
	v1 =	vld [tilespmem:$0x1FA80]  }
0x29d: {  	v4 =	vor.u32 v45, v2;
	_ =	sdelay $0x3  }
0x29e: {  	[tilespmem:v3+s0+$0x0] =	vst.idx.msk $0xffff, v1  }
0x29f: {  	v1 =	vld.idx.msk [tilespmem:v4+s16+$0x0], $0xffff;
	_ =	sdelay $0x4  }
0x2a0: {  	[tilespmem:$0x1FA90] =	vst v1  }
0x2a1: {  	v3 =	vor.u32 s1, v60;
	v1 =	vld [tilespmem:$0x1FA90]  }
0x2a2: {  	v4 =	vor.u32 v46, v2;
	_ =	sdelay $0x3  }
0x2a3: {  	[tilespmem:v3+s0+$0x0] =	vst.idx.msk $0xffff, v1  }
0x2a4: {  	v1 =	vld.idx.msk [tilespmem:v4+s16+$0x0], $0xffff;
	_ =	sdelay $0x4  }
0x2a5: {  	[tilespmem:$0x1FAA0] =	vst v1  }
0x2a6: {  	v3 =	vor.u32 s1, v61;
	v1 =	vld [tilespmem:$0x1FAA0]  }
0x2a7: {  	v4 =	vor.u32 v48, v2;
	_ =	sdelay $0x3  }
0x2a8: {  	[tilespmem:v3+s0+$0x0] =	vst.idx.msk $0xffff, v1  }
0x2a9: {  	v1 =	vld.idx.msk [tilespmem:v4+s16+$0x0], $0xffff;
	_ =	sdelay $0x4  }
0x2aa: {  	[tilespmem:$0x1FAB0] =	vst v1  }
0x2ab: {  	v3 =	vor.u32 s1, v6;
	v1 =	vld [tilespmem:$0x1FAB0]  }
0x2ac: {  	v4 =	vor.u32 v49, v2;
	_ =	sdelay $0x3  }
0x2ad: {  	[tilespmem:v3+s0+$0x0] =	vst.idx.msk $0xffff, v1  }
0x2ae: {  	v1 =	vld.idx.msk [tilespmem:v4+s16+$0x0], $0xffff;
	_ =	sdelay $0x4  }
0x2af: {  	[tilespmem:$0x1FAC0] =	vst v1  }
0x2b0: {  	v3 =	vor.u32 s1, v26;
	v1 =	vld [tilespmem:$0x1FAC0]  }
0x2b1: {  	v4 =	vor.u32 v28, v2;
	_ =	sdelay $0x3  }
0x2b2: {  	[tilespmem:v3+s0+$0x0] =	vst.idx.msk $0xffff, v1  }
0x2b3: {  	v1 =	vld.idx.msk [tilespmem:v4+s16+$0x0], $0xffff;
	_ =	sdelay $0x4  }
0x2b4: {  	[tilespmem:$0x1FAD0] =	vst v1  }
0x2b5: {  	v3 =	vor.u32 s1, v47;
	v1 =	vld [tilespmem:$0x1FAD0]  }
0x2b6: {  	v4 =	vor.u32 v0, v2;
	_ =	sdelay $0x3  }
0x2b7: {  	[tilespmem:v3+s0+$0x0] =	vst.idx.msk $0xffff, v1  }
0x2b8: {  	v1 =	vld.idx.msk [tilespmem:v4+s16+$0x0], $0xffff;
	_ =	sdelay $0x4  }
0x2b9: {  	[tilespmem:$0x1FAE0] =	vst v1  }
0x2ba: {  	v3 =	vor.u32 s1, v25;
	v1 =	vld [tilespmem:$0x1FAE0]  }
0x2bb: {  	v4 =	vor.u32 v12, v2;
	_ =	sdelay $0x2  }
0x2bc: {  	[tilespmem:$0x1FAF0] =	vst v31  }
0x2bd: {  	[tilespmem:v3+s0+$0x0] =	vst.idx.msk $0xffff, v1  }
0x2be: {  	[tilespmem:$0x1FB00] =	vst v43;
	v3 =	vor.u32 s1, v42;
	v1 =	vld.idx.msk [tilespmem:v4+s16+$0x0], $0xffff  }
0x2bf: {  	[tilespmem:$0x1FB10] =	vst v44;
	v2 =	vor.u32 v51, v2  }
0x2c0: {  	[tilespmem:$0x1FB20] =	vst v21  }
0x2c1: {  	[tilespmem:$0x1FB30] =	vst v45  }
0x2c2: {  	[tilespmem:$0x1FB40] =	vst v46  }
0x2c3: {  	[tilespmem:v3+s0+$0x0] =	vst.idx.msk $0xffff, v1  }
0x2c4: {  	[tilespmem:$0x1FB50] =	vst v48;
	v1 =	vld.idx.msk [tilespmem:v2+s16+$0x0], $0xffff;
	v2 =	vor.u32 s1, v41  }
0x2c5: {  	[tilespmem:$0x1FB60] =	vst v49  }
0x2c6: {  	[tilespmem:$0x1FB70] =	vst v28  }
0x2c7: {  	[tilespmem:$0x1FB80] =	vst v0  }
0x2c8: {  	[tilespmem:$0x1FB90] =	vst v12;
	s14 =	rddreg [dreg:$0x1];
	s7 =	sor.u32 s6, s2  }
0x2c9: {  	s1 =	sadd.s32 s14, s7;
	[tilespmem:v2+s0+$0x0] =	vst.idx.msk $0xffff, v1  }
0x2ca: {  	[hbm4b:s1+s3] =	stream.strided.scatter [tilespmem:s0], [sflag:$0x3], $0x4000, s17, s3, $0x38;
	[tilespmem:$0x10400] =	vst v63  }
0x2cb: {  	[tilespmem:$0x1FBA0] =	vst v51;
	s1 =	simm.s32 @p0 $0x2  }
0x2cc: {  	_ =	swait.ge @p0 [sflag:s1], $0x4000  }
0x2cd: {  	[sflag:s1] =	ssyncset.done @p0 $0x0  }
0x2ce: {  	[sflag:s1] =	ssyncadd.s32 @p0 $0xFFFFC000;
	s1 =	simm.s32 @!p0 $0x5  }
0x2cf: {  	_ =	swait.ge @!p0 [sflag:s1], $0x200  }
0x2d0: {  	s2 =	simm.s32 @!p0 $0x0;
	[sflag:s1] =	ssyncset.done @!p0 $0x0  }
0x2d1: {  	s14 =	simm.s32 @!p0 $0x400;
	[sflag:s1] =	ssyncadd.s32 @!p0 $0xFFFFFE00;
	s1 =	simm.s32 @!p0 $0x80  }
0x2d2: {  	[tilespmem:s14], [sflag:$0x1] =	stream.indirect.gather @!p0 [hbm4b:s4+s1], $0x20, s2, s1, $0xb8;
	[tilespmem:$0x10400] =	vst v63  }
0x2d3: {  	s14 =	simm.s32 @!p0 $0x1400  }
0x2d4: {  	[tilespmem:s14], [sflag:$0x1] =	stream.indirect.gather @!p0 [hbm4b:s4+s1], $0x20, s1, s1, $0xb8;
	[tilespmem:$0x10400] =	vst v63  }
0x2d5: {  	s20 =	simm.s32 @!p0 $0x2400;
	s14 =	simm.s32 @!p0 $0x100  }
0x2d6: {  	[tilespmem:s20], [sflag:$0x1] =	stream.indirect.gather @!p0 [hbm4b:s4+s1], $0x20, s14, s1, $0xb8;
	[tilespmem:$0x10400] =	vst v63  }
0x2d7: {  	s14 =	simm.s32 @!p0 $0x180;
	s20 =	simm.s32 @!p0 $0x3400  }
0x2d8: {  	[tilespmem:s20], [sflag:$0x1] =	stream.indirect.gather @!p0 [hbm4b:s4+s1], $0x20, s14, s1, $0xb8;
	[tilespmem:$0x10400] =	vst v63  }
0x2d9: {  	s20 =	simm.s32 $0x0  }
0x2da: {  	s1 =	sand.u32 $0x70, s20;
	s20 =	simm.s32 @!p0 $0x2  }
0x2db: {  	_ =	swait.ge @!p0 [sflag:s20], $0x4000  }
0x2dc: {  	v2 =	vld [tilespmem:$0x1FE40]  }
0x2dd: {  	s21 =	simm.s32 $0x0  }
0x2de: {  	s14 =	sor.u32 s1, s21  }
0x2df: {  	s12 =	sadd.s32 @!p0 s10, s12;
	v1 =	vmov s14  }
0x2e0: {  	s12 =	sshrl.u32 @!p0 s12, $0x3;
	[sflag:s20] =	ssyncset.done @!p0 $0x0;
	v1 =	vshll.u32 v1, $0x5  }
0x2e1: {  	s12 =	sadd.s32 @!p0 s5, s12;
	s14 =	simm.s32 @!p0 $0x200;
	[sflag:s20] =	ssyncadd.s32 @!p0 $0xFFFFC000;
	v1 =	vor.u32 v2, v1;
	v2 =	vlaneseq.u32  }
0x2e2: {  	[tilespmem:s14], [sflag:$0x6] =	stream.linear.gather @!p0 [hbm4b:s12+s2], $0x200, $0x38;
	v2 =	vor.u32 v2, v1;
	[tilespmem:$0x10400] =	vst v63  }
0x2e3: {  	s2 =	simm.s32 @!p1 $0x4  }
0x2e4: {  	_ =	swait.ge @!p1 [sflag:s2], $0x4000  }
0x2e5: {  	s24 =	simm.s32 $0x0;
	[sflag:s2] =	ssyncset.done @!p1 $0x0  }
0x2e6: {  	v4 =	vld [tilespmem:$0x1FFB0];
	[sflag:s2] =	ssyncadd.s32 @!p1 $0xFFFFC000;
	s2 =	sor.u32 s1, s24  }
0x2e7: {  	v3 =	vor.u32 s2, v5;
	v2 =	vld.idx.msk [tilespmem:v2+s23+$0x0], $0xffff;
	_ =	sdelay $0x4  }
0x2e8: {  	v4 =	vor.u32 v4, v1;
	[tilespmem:v3+s18+$0x0] =	vst.idx.msk $0xffff, v2;
	v3 =	vld [tilespmem:$0x1FFC0];
	_ =	sdelay $0x4  }
0x2e9: {  	v2 =	vld.idx.msk [tilespmem:v4+s23+$0x0], $0xffff;
	v3 =	vor.u32 s2, v3;
	_ =	sdelay $0x4  }
0x2ea: {  	v4 =	vor.u32 v8, v1;
	[tilespmem:v3+s18+$0x0] =	vst.idx.msk $0xffff, v2;
	v3 =	vld [tilespmem:$0x1FFE0];
	_ =	sdelay $0x4  }
0x2eb: {  	v2 =	vld.idx.msk [tilespmem:v4+s23+$0x0], $0xffff;
	v3 =	vor.u32 s2, v3;
	_ =	sdelay $0x3  }
0x2ec: {  	v4 =	vor.u32 v10, v1  }
0x2ed: {  	[tilespmem:v3+s18+$0x0] =	vst.idx.msk $0xffff, v2;
	v3 =	vld [tilespmem:$0x1FEC0];
	_ =	sdelay $0x3  }
0x2ee: {  	v2 =	vld.idx.msk [tilespmem:v4+s23+$0x0], $0xffff  }
0x2ef: {  	v4 =	vld [tilespmem:$0x1FF60];
	v3 =	vor.u32 s2, v3;
	_ =	sdelay $0x4  }
0x2f0: {  	v4 =	vor.u32 v4, v1;
	[tilespmem:v3+s18+$0x0] =	vst.idx.msk $0xffff, v2;
	v3 =	vld [tilespmem:$0x1FF70];
	_ =	sdelay $0x4  }
0x2f1: {  	v2 =	vld.idx.msk [tilespmem:v4+s23+$0x0], $0xffff;
	v3 =	vor.u32 s2, v3;
	_ =	sdelay $0x4  }
0x2f2: {  	v4 =	vor.u32 v14, v1;
	[tilespmem:v3+s18+$0x0] =	vst.idx.msk $0xffff, v2;
	v3 =	vld [tilespmem:$0x1FFF0];
	_ =	sdelay $0x4  }
0x2f3: {  	v2 =	vld.idx.msk [tilespmem:v4+s23+$0x0], $0xffff;
	v3 =	vor.u32 s2, v3;
	_ =	sdelay $0x3  }
0x2f4: {  	v4 =	vor.u32 v16, v1  }
0x2f5: {  	[tilespmem:v3+s18+$0x0] =	vst.idx.msk $0xffff, v2;
	v3 =	vld [tilespmem:$0x1FED0];
	_ =	sdelay $0x3  }
0x2f6: {  	v2 =	vld.idx.msk [tilespmem:v4+s23+$0x0], $0xffff  }
0x2f7: {  	v4 =	vld [tilespmem:$0x1FF80];
	v3 =	vor.u32 s2, v3;
	_ =	sdelay $0x4  }
0x2f8: {  	v4 =	vor.u32 v4, v1;
	[tilespmem:v3+s18+$0x0] =	vst.idx.msk $0xffff, v2;
	v3 =	vld [tilespmem:$0x1FF90];
	_ =	sdelay $0x4  }
0x2f9: {  	v2 =	vld.idx.msk [tilespmem:v4+s23+$0x0], $0xffff;
	v3 =	vor.u32 s2, v3;
	_ =	sdelay $0x3  }
0x2fa: {  	v4 =	vor.u32 v20, v1  }
0x2fb: {  	[tilespmem:v3+s18+$0x0] =	vst.idx.msk $0xffff, v2;
	v3 =	vld [tilespmem:$0x1FEB0];
	_ =	sdelay $0x3  }
0x2fc: {  	v2 =	vld.idx.msk [tilespmem:v4+s23+$0x0], $0xffff  }
0x2fd: {  	v4 =	vld [tilespmem:$0x1FF40];
	v3 =	vor.u32 s2, v3;
	_ =	sdelay $0x4  }
0x2fe: {  	v4 =	vor.u32 v4, v1;
	[tilespmem:v3+s18+$0x0] =	vst.idx.msk $0xffff, v2;
	v3 =	vld [tilespmem:$0x1FF50];
	_ =	sdelay $0x4  }
0x2ff: {  	v2 =	vld.idx.msk [tilespmem:v4+s23+$0x0], $0xffff;
	v3 =	vor.u32 s2, v3  }
0x300: {  	v4 =	vor.u32 v57, v1;
	_ =	sdelay $0x3  }
0x301: {  	[tilespmem:v3+s18+$0x0] =	vst.idx.msk $0xffff, v2;
	v3 =	vld [tilespmem:$0x1FEE0]  }
0x302: {  	v2 =	vld.idx.msk [tilespmem:v4+s23+$0x0], $0xffff  }
0x303: {  	v4 =	vld [tilespmem:$0x1FFA0];
	_ =	sdelay $0x3  }
0x304: {  	v3 =	vor.u32 s2, v3  }
0x305: {  	v4 =	vor.u32 v4, v1;
	_ =	sdelay $0x3  }
0x306: {  	[tilespmem:v3+s18+$0x0] =	vst.idx.msk $0xffff, v2  }
0x307: {  	v2 =	vld.idx.msk [tilespmem:v4+s23+$0x0], $0xffff  }
0x308: {  	v4 =	vld [tilespmem:$0x1FFD0];
	_ =	sdelay $0x3  }
0x309: {  	v3 =	vor.u32 s2, v15  }
0x30a: {  	v4 =	vor.u32 v4, v1;
	_ =	sdelay $0x3  }
0x30b: {  	[tilespmem:v3+s18+$0x0] =	vst.idx.msk $0xffff, v2  }
0x30c: {  	v2 =	vld.idx.msk [tilespmem:v4+s23+$0x0], $0xffff  }
0x30d: {  	v4 =	vld [tilespmem:$0x1FEF0];
	_ =	sdelay $0x1  }
0x30e: {  	v3 =	vor.u32 s2, v29;
	_ =	sdelay $0x2  }
0x30f: {  	v4 =	vor.u32 v4, v1;
	_ =	sdelay $0x1  }
0x310: {  	[tilespmem:v3+s18+$0x0] =	vst.idx.msk $0xffff, v2;
	v3 =	vld [tilespmem:$0x1FE80];
	_ =	sdelay $0x2  }
0x311: {  	v2 =	vld.idx.msk [tilespmem:v4+s23+$0x0], $0xffff  }
0x312: {  	v4 =	vld [tilespmem:$0x1FF00]  }
0x313: {  	v3 =	vor.u32 s2, v3;
	_ =	sdelay $0x3  }
0x314: {  	v4 =	vor.u32 v4, v1  }
0x315: {  	[tilespmem:v3+s18+$0x0] =	vst.idx.msk $0xffff, v2;
	v3 =	vld [tilespmem:$0x1FE90];
	_ =	sdelay $0x3  }
0x316: {  	v2 =	vld.idx.msk [tilespmem:v4+s23+$0x0], $0xffff  }
0x317: {  	v3 =	vor.u32 s2, v3;
	v4 =	vld [tilespmem:$0x1FF10];
	_ =	sdelay $0x4  }
0x318: {  	v4 =	vor.u32 v4, v1;
	[tilespmem:v3+s18+$0x0] =	vst.idx.msk $0xffff, v2;
	v3 =	vld [tilespmem:$0x1FF20];
	_ =	sdelay $0x4  }
0x319: {  	v2 =	vld.idx.msk [tilespmem:v4+s23+$0x0], $0xffff;
	v3 =	vor.u32 s2, v3;
	_ =	sdelay $0x4  }
0x31a: {  	v4 =	vor.u32 v30, v1;
	[tilespmem:v3+s18+$0x0] =	vst.idx.msk $0xffff, v2;
	v3 =	vld [tilespmem:$0x1FF30];
	_ =	sdelay $0x4  }
0x31b: {  	v2 =	vld.idx.msk [tilespmem:v4+s23+$0x0], $0xffff;
	v3 =	vor.u32 s2, v3  }
0x31c: {  	v4 =	vor.u32 v23, v1;
	_ =	sdelay $0x3  }
0x31d: {  	[tilespmem:v3+s18+$0x0] =	vst.idx.msk $0xffff, v2;
	v3 =	vld [tilespmem:$0x1FEA0]  }
0x31e: {  	v2 =	vld.idx.msk [tilespmem:v4+s23+$0x0], $0xffff  }
0x31f: {  	v4 =	vld [tilespmem:$0x1FE60];
	_ =	sdelay $0x3  }
0x320: {  	v3 =	vor.u32 s2, v3  }
0x321: {  	v4 =	vor.u32 v4, v1;
	_ =	sdelay $0x3  }
0x322: {  	[tilespmem:v3+s18+$0x0] =	vst.idx.msk $0xffff, v2;
	v3 =	vld [tilespmem:$0x1FE70]  }
0x323: {  	v2 =	vld.idx.msk [tilespmem:v4+s23+$0x0], $0xffff  }
0x324: {  	v4 =	vld [tilespmem:$0x1FBB0];
	_ =	sdelay $0x3  }
0x325: {  	v3 =	vor.u32 s2, v3  }
0x326: {  	v4 =	vor.u32 v4, v1;
	_ =	sdelay $0x3  }
0x327: {  	[tilespmem:v3+s18+$0x0] =	vst.idx.msk $0xffff, v2  }
0x328: {  	v2 =	vld.idx.msk [tilespmem:v4+s23+$0x0], $0xffff  }
0x329: {  	v4 =	vld [tilespmem:$0x1FAF0];
	_ =	sdelay $0x3  }
0x32a: {  	v3 =	vor.u32 s2, v55  }
0x32b: {  	v4 =	vor.u32 v4, v1;
	_ =	sdelay $0x3  }
0x32c: {  	[tilespmem:v3+s18+$0x0] =	vst.idx.msk $0xffff, v2  }
0x32d: {  	v2 =	vld.idx.msk [tilespmem:v4+s23+$0x0], $0xffff  }
0x32e: {  	v4 =	vld [tilespmem:$0x1FB00];
	_ =	sdelay $0x3  }
0x32f: {  	v3 =	vor.u32 s2, v56  }
0x330: {  	v4 =	vor.u32 v4, v1;
	_ =	sdelay $0x3  }
0x331: {  	[tilespmem:v3+s18+$0x0] =	vst.idx.msk $0xffff, v2;
	v3 =	vld [tilespmem:$0x1FE20]  }
0x332: {  	v2 =	vld.idx.msk [tilespmem:v4+s23+$0x0], $0xffff  }
0x333: {  	v4 =	vld [tilespmem:$0x1FB10];
	_ =	sdelay $0x3  }
0x334: {  	v3 =	vor.u32 s2, v3  }
0x335: {  	v4 =	vor.u32 v4, v1;
	_ =	sdelay $0x3  }
0x336: {  	[tilespmem:v3+s18+$0x0] =	vst.idx.msk $0xffff, v2;
	v3 =	vld [tilespmem:$0x1FE30]  }
0x337: {  	v2 =	vld.idx.msk [tilespmem:v4+s23+$0x0], $0xffff  }
0x338: {  	v4 =	vld [tilespmem:$0x1FB20];
	_ =	sdelay $0x3  }
0x339: {  	v3 =	vor.u32 s2, v3  }
0x33a: {  	v4 =	vor.u32 v4, v1;
	_ =	sdelay $0x3  }
0x33b: {  	[tilespmem:v3+s18+$0x0] =	vst.idx.msk $0xffff, v2  }
0x33c: {  	v2 =	vld.idx.msk [tilespmem:v4+s23+$0x0], $0xffff  }
0x33d: {  	v4 =	vld [tilespmem:$0x1FB30];
	_ =	sdelay $0x3  }
0x33e: {  	v3 =	vor.u32 s2, v59  }
0x33f: {  	v4 =	vor.u32 v4, v1;
	_ =	sdelay $0x3  }
0x340: {  	[tilespmem:v3+s18+$0x0] =	vst.idx.msk $0xffff, v2  }
0x341: {  	v2 =	vld.idx.msk [tilespmem:v4+s23+$0x0], $0xffff  }
0x342: {  	v4 =	vld [tilespmem:$0x1FB40];
	_ =	sdelay $0x3  }
0x343: {  	v3 =	vor.u32 s2, v60  }
0x344: {  	v4 =	vor.u32 v4, v1;
	_ =	sdelay $0x3  }
0x345: {  	[tilespmem:v3+s18+$0x0] =	vst.idx.msk $0xffff, v2  }
0x346: {  	v2 =	vld.idx.msk [tilespmem:v4+s23+$0x0], $0xffff  }
0x347: {  	v4 =	vld [tilespmem:$0x1FB50];
	_ =	sdelay $0x3  }
0x348: {  	v3 =	vor.u32 s2, v61  }
0x349: {  	v4 =	vor.u32 v4, v1;
	_ =	sdelay $0x3  }
0x34a: {  	[tilespmem:v3+s18+$0x0] =	vst.idx.msk $0xffff, v2  }
0x34b: {  	v2 =	vld.idx.msk [tilespmem:v4+s23+$0x0], $0xffff  }
0x34c: {  	v4 =	vld [tilespmem:$0x1FB60];
	_ =	sdelay $0x3  }
0x34d: {  	v3 =	vor.u32 s2, v6  }
0x34e: {  	v4 =	vor.u32 v4, v1;
	_ =	sdelay $0x3  }
0x34f: {  	[tilespmem:v3+s18+$0x0] =	vst.idx.msk $0xffff, v2  }
0x350: {  	v2 =	vld.idx.msk [tilespmem:v4+s23+$0x0], $0xffff  }
0x351: {  	v4 =	vld [tilespmem:$0x1FB70];
	_ =	sdelay $0x3  }
0x352: {  	v3 =	vor.u32 s2, v26  }
0x353: {  	v4 =	vor.u32 v4, v1;
	_ =	sdelay $0x3  }
0x354: {  	[tilespmem:v3+s18+$0x0] =	vst.idx.msk $0xffff, v2  }
0x355: {  	v2 =	vld.idx.msk [tilespmem:v4+s23+$0x0], $0xffff  }
0x356: {  	v4 =	vld [tilespmem:$0x1FB80];
	_ =	sdelay $0x3  }
0x357: {  	v3 =	vor.u32 s2, v47  }
0x358: {  	v4 =	vor.u32 v4, v1;
	_ =	sdelay $0x3  }
0x359: {  	[tilespmem:v3+s18+$0x0] =	vst.idx.msk $0xffff, v2  }
0x35a: {  	v2 =	vld.idx.msk [tilespmem:v4+s23+$0x0], $0xffff  }
0x35b: {  	v4 =	vld [tilespmem:$0x1FB90];
	_ =	sdelay $0x3  }
0x35c: {  	v3 =	vor.u32 s2, v25  }
0x35d: {  	v4 =	vor.u32 v4, v1;
	_ =	sdelay $0x3  }
0x35e: {  	[tilespmem:v3+s18+$0x0] =	vst.idx.msk $0xffff, v2  }
0x35f: {  	v2 =	vld.idx.msk [tilespmem:v4+s23+$0x0], $0xffff  }
0x360: {  	v4 =	vld [tilespmem:$0x1FBA0];
	_ =	sdelay $0x4  }
0x361: {  	s20 =	simm.s32 $0x0;
	s14 =	simm.s32 $0x2;
	s12 =	simm.s32 $0x10;
	v3 =	vor.u32 s2, v42;
	v1 =	vor.u32 v4, v1  }
.LBB2_8:
0x362: {  	_ =	sdelay $0x3  }
0x363: {  	[tilespmem:v3+s18+$0x0] =	vst.idx.msk $0xffff, v2  }
0x364: {  	v3 =	vld.idx.msk [tilespmem:v1+s23+$0x0], $0xffff  }
0x365: {  	v1 =	vld [tilespmem:$0x1FE40]  }
0x366: {  	s1 =	sshll.u32 s20, $0x7;
	s21 =	sand.u32 $0x70, s12  }
0x367: {  	s1 =	sor.u32 s21, s1  }
0x368: {  	v4 =	vmov s1  }
0x369: {  	v2 =	vshll.u32 v4, $0x5  }
0x36a: {  	v4 =	vlaneseq.u32;
	v1 =	vor.u32 v1, v2;
	v2 =	vor.u32 s2, v41  }
0x36b: {  	v4 =	vor.u32 v4, v1;
	_ =	sdelay $0x2  }
0x36c: {  	s24 =	sshll.u32 s20, $0xA  }
0x36d: {  	s2 =	sor.u32 s21, s24;
	[tilespmem:v2+s18+$0x0] =	vst.idx.msk $0xffff, v3  }
0x36e: {  	v3 =	vor.u32 s2, v5;
	v2 =	vld.idx.msk [tilespmem:v4+s23+$0x0], $0xffff  }
0x36f: {  	v4 =	vor.u32 v58, v1;
	_ =	sdelay $0x3  }
0x370: {  	[tilespmem:v3+s18+$0x0] =	vst.idx.msk $0xffff, v2  }
0x371: {  	v3 =	vor.u32 s2, v38;
	v2 =	vld.idx.msk [tilespmem:v4+s23+$0x0], $0xffff  }
0x372: {  	v4 =	vor.u32 v8, v1;
	_ =	sdelay $0x3  }
0x373: {  	[tilespmem:v3+s18+$0x0] =	vst.idx.msk $0xffff, v2  }
0x374: {  	v3 =	vor.u32 s2, v36;
	v2 =	vld.idx.msk [tilespmem:v4+s23+$0x0], $0xffff  }
0x375: {  	v4 =	vor.u32 v10, v1;
	_ =	sdelay $0x3  }
0x376: {  	[tilespmem:v3+s18+$0x0] =	vst.idx.msk $0xffff, v2  }
0x377: {  	v3 =	vor.u32 s2, v62;
	v2 =	vld.idx.msk [tilespmem:v4+s23+$0x0], $0xffff  }
0x378: {  	v4 =	vor.u32 v18, v1;
	_ =	sdelay $0x3  }
0x379: {  	[tilespmem:v3+s18+$0x0] =	vst.idx.msk $0xffff, v2  }
0x37a: {  	v3 =	vor.u32 s2, v11;
	v2 =	vld.idx.msk [tilespmem:v4+s23+$0x0], $0xffff  }
0x37b: {  	v4 =	vor.u32 v14, v1;
	_ =	sdelay $0x3  }
0x37c: {  	[tilespmem:v3+s18+$0x0] =	vst.idx.msk $0xffff, v2  }
0x37d: {  	v3 =	vor.u32 s2, v9;
	v2 =	vld.idx.msk [tilespmem:v4+s23+$0x0], $0xffff  }
0x37e: {  	v4 =	vor.u32 v16, v1;
	_ =	sdelay $0x3  }
0x37f: {  	[tilespmem:v3+s18+$0x0] =	vst.idx.msk $0xffff, v2  }
0x380: {  	v3 =	vor.u32 s2, v35;
	v2 =	vld.idx.msk [tilespmem:v4+s23+$0x0], $0xffff  }
0x381: {  	v4 =	vor.u32 v63, v1;
	_ =	sdelay $0x3  }
0x382: {  	[tilespmem:v3+s18+$0x0] =	vst.idx.msk $0xffff, v2  }
0x383: {  	v3 =	vor.u32 s2, v50;
	v2 =	vld.idx.msk [tilespmem:v4+s23+$0x0], $0xffff  }
0x384: {  	v4 =	vor.u32 v20, v1;
	_ =	sdelay $0x3  }
0x385: {  	[tilespmem:v3+s18+$0x0] =	vst.idx.msk $0xffff, v2  }
0x386: {  	v3 =	vor.u32 s2, v17;
	v2 =	vld.idx.msk [tilespmem:v4+s23+$0x0], $0xffff  }
0x387: {  	v4 =	vor.u32 v19, v1;
	_ =	sdelay $0x3  }
0x388: {  	[tilespmem:v3+s18+$0x0] =	vst.idx.msk $0xffff, v2  }
0x389: {  	v3 =	vor.u32 s2, v39;
	v2 =	vld.idx.msk [tilespmem:v4+s23+$0x0], $0xffff  }
0x38a: {  	v4 =	vor.u32 v57, v1;
	_ =	sdelay $0x3  }
0x38b: {  	[tilespmem:v3+s18+$0x0] =	vst.idx.msk $0xffff, v2  }
0x38c: {  	v3 =	vor.u32 s2, v13;
	v2 =	vld.idx.msk [tilespmem:v4+s23+$0x0], $0xffff  }
0x38d: {  	v4 =	vor.u32 v24, v1;
	_ =	sdelay $0x3  }
0x38e: {  	[tilespmem:v3+s18+$0x0] =	vst.idx.msk $0xffff, v2  }
0x38f: {  	v3 =	vor.u32 s2, v15;
	v2 =	vld.idx.msk [tilespmem:v4+s23+$0x0], $0xffff  }
0x390: {  	v4 =	vor.u32 v27, v1;
	_ =	sdelay $0x3  }
0x391: {  	[tilespmem:v3+s18+$0x0] =	vst.idx.msk $0xffff, v2  }
0x392: {  	v3 =	vor.u32 s2, v29;
	v2 =	vld.idx.msk [tilespmem:v4+s23+$0x0], $0xffff  }
0x393: {  	v4 =	vor.u32 v32, v1;
	_ =	sdelay $0x3  }
0x394: {  	[tilespmem:v3+s18+$0x0] =	vst.idx.msk $0xffff, v2  }
0x395: {  	v3 =	vor.u32 s2, v33;
	v2 =	vld.idx.msk [tilespmem:v4+s23+$0x0], $0xffff  }
0x396: {  	v4 =	vor.u32 v40, v1;
	_ =	sdelay $0x3  }
0x397: {  	[tilespmem:v3+s18+$0x0] =	vst.idx.msk $0xffff, v2  }
0x398: {  	v3 =	vor.u32 s2, v37;
	v2 =	vld.idx.msk [tilespmem:v4+s23+$0x0], $0xffff  }
0x399: {  	v4 =	vor.u32 v52, v1;
	_ =	sdelay $0x3  }
0x39a: {  	[tilespmem:v3+s18+$0x0] =	vst.idx.msk $0xffff, v2  }
0x39b: {  	v3 =	vor.u32 s2, v53;
	v2 =	vld.idx.msk [tilespmem:v4+s23+$0x0], $0xffff  }
0x39c: {  	v4 =	vor.u32 v30, v1;
	_ =	sdelay $0x3  }
0x39d: {  	[tilespmem:v3+s18+$0x0] =	vst.idx.msk $0xffff, v2  }
0x39e: {  	v3 =	vor.u32 s2, v54;
	v2 =	vld.idx.msk [tilespmem:v4+s23+$0x0], $0xffff  }
0x39f: {  	v4 =	vor.u32 v23, v1;
	_ =	sdelay $0x3  }
0x3a0: {  	[tilespmem:v3+s18+$0x0] =	vst.idx.msk $0xffff, v2  }
0x3a1: {  	v2 =	vld.idx.msk [tilespmem:v4+s23+$0x0], $0xffff  }
0x3a2: {  	v4 =	vld [tilespmem:$0x1FE60];
	_ =	sdelay $0x3  }
0x3a3: {  	v3 =	vor.u32 s2, v22  }
0x3a4: {  	v4 =	vor.u32 v4, v1;
	_ =	sdelay $0x3  }
0x3a5: {  	[tilespmem:v3+s18+$0x0] =	vst.idx.msk $0xffff, v2;
	v3 =	vld [tilespmem:$0x1FE70]  }
0x3a6: {  	v2 =	vld.idx.msk [tilespmem:v4+s23+$0x0], $0xffff  }
0x3a7: {  	v4 =	vld [tilespmem:$0x1FBB0];
	_ =	sdelay $0x3  }
0x3a8: {  	v3 =	vor.u32 s2, v3  }
0x3a9: {  	v4 =	vor.u32 v4, v1;
	_ =	sdelay $0x3  }
0x3aa: {  	[tilespmem:v3+s18+$0x0] =	vst.idx.msk $0xffff, v2  }
0x3ab: {  	v3 =	vor.u32 s2, v55;
	v2 =	vld.idx.msk [tilespmem:v4+s23+$0x0], $0xffff  }
0x3ac: {  	v4 =	vor.u32 v31, v1;
	_ =	sdelay $0x3  }
0x3ad: {  	[tilespmem:v3+s18+$0x0] =	vst.idx.msk $0xffff, v2  }
0x3ae: {  	v3 =	vor.u32 s2, v56;
	v2 =	vld.idx.msk [tilespmem:v4+s23+$0x0], $0xffff  }
0x3af: {  	v4 =	vor.u32 v43, v1;
	_ =	sdelay $0x3  }
0x3b0: {  	[tilespmem:v3+s18+$0x0] =	vst.idx.msk $0xffff, v2  }
0x3b1: {  	v3 =	vor.u32 s2, v34;
	v2 =	vld.idx.msk [tilespmem:v4+s23+$0x0], $0xffff  }
0x3b2: {  	v4 =	vor.u32 v44, v1;
	_ =	sdelay $0x3  }
0x3b3: {  	[tilespmem:v3+s18+$0x0] =	vst.idx.msk $0xffff, v2  }
0x3b4: {  	v3 =	vor.u32 s2, v7;
	v2 =	vld.idx.msk [tilespmem:v4+s23+$0x0], $0xffff  }
0x3b5: {  	v4 =	vor.u32 v21, v1;
	_ =	sdelay $0x3  }
0x3b6: {  	[tilespmem:v3+s18+$0x0] =	vst.idx.msk $0xffff, v2  }
0x3b7: {  	v3 =	vor.u32 s2, v59;
	v2 =	vld.idx.msk [tilespmem:v4+s23+$0x0], $0xffff  }
0x3b8: {  	v4 =	vor.u32 v45, v1;
	_ =	sdelay $0x3  }
0x3b9: {  	[tilespmem:v3+s18+$0x0] =	vst.idx.msk $0xffff, v2  }
0x3ba: {  	v3 =	vor.u32 s2, v60;
	v2 =	vld.idx.msk [tilespmem:v4+s23+$0x0], $0xffff  }
0x3bb: {  	v4 =	vor.u32 v46, v1;
	_ =	sdelay $0x3  }
0x3bc: {  	[tilespmem:v3+s18+$0x0] =	vst.idx.msk $0xffff, v2  }
0x3bd: {  	v3 =	vor.u32 s2, v61;
	v2 =	vld.idx.msk [tilespmem:v4+s23+$0x0], $0xffff  }
0x3be: {  	v4 =	vor.u32 v48, v1;
	_ =	sdelay $0x3  }
0x3bf: {  	[tilespmem:v3+s18+$0x0] =	vst.idx.msk $0xffff, v2  }
0x3c0: {  	v3 =	vor.u32 s2, v6;
	v2 =	vld.idx.msk [tilespmem:v4+s23+$0x0], $0xffff  }
0x3c1: {  	v4 =	vor.u32 v49, v1;
	_ =	sdelay $0x3  }
0x3c2: {  	[tilespmem:v3+s18+$0x0] =	vst.idx.msk $0xffff, v2  }
0x3c3: {  	v3 =	vor.u32 s2, v26;
	v2 =	vld.idx.msk [tilespmem:v4+s23+$0x0], $0xffff  }
0x3c4: {  	v4 =	vor.u32 v28, v1;
	_ =	sdelay $0x3  }
0x3c5: {  	[tilespmem:v3+s18+$0x0] =	vst.idx.msk $0xffff, v2  }
0x3c6: {  	v3 =	vor.u32 s2, v47;
	v2 =	vld.idx.msk [tilespmem:v4+s23+$0x0], $0xffff  }
0x3c7: {  	v4 =	vor.u32 v0, v1;
	_ =	sdelay $0x3  }
0x3c8: {  	[tilespmem:v3+s18+$0x0] =	vst.idx.msk $0xffff, v2  }
0x3c9: {  	v3 =	vor.u32 s2, v25;
	v2 =	vld.idx.msk [tilespmem:v4+s23+$0x0], $0xffff  }
0x3ca: {  	p1 =	sne.s32 s14, $0x1F;
	v4 =	vor.u32 v12, v1  }
.Ltmp5:
0x3cb: {  	_ = 	snop;
	(pc) =	sbr.rel @p1 .LBB2_8-.Ltmp5, $3  }
0x3cc: {  	_ =	sdelay $0x1  }
0x3cd: {  	[tilespmem:v3+s18+$0x0] =	vst.idx.msk $0xffff, v2  }
0x3ce: {  	s20 =	sshrl.u32 s14, $0x3;
	s14 =	sadd.s32 $0x1, s14;
	s12 =	sadd.s32 $0x10, s12;
	v1 =	vor.u32 v51, v1;
	v3 =	vor.u32 s2, v42;
	v2 =	vld.idx.msk [tilespmem:v4+s23+$0x0], $0xffff  }
0x3cf: {  	_ =	sdelay $0x3  }
0x3d0: {  	[tilespmem:v3+s18+$0x0] =	vst.idx.msk $0xffff, v2;
	v3 =	vld [tilespmem:$0x1FE40]  }
0x3d1: {  	s1 =	sshll.u32 s20, $0x7;
	s12 =	sand.u32 $0x70, s12  }
0x3d2: {  	s1 =	sor.u32 s12, s1  }
0x3d3: {  	v4 =	vmov s1  }
0x3d4: {  	v2 =	vshll.u32 v4, $0x5  }
0x3d5: {  	v4 =	vlaneseq.u32;
	v1 =	vld.idx.msk [tilespmem:v1+s23+$0x0], $0xffff;
	v2 =	vor.u32 v3, v2;
	v3 =	vor.u32 s2, v41  }
0x3d6: {  	v4 =	vor.u32 v4, v2;
	_ =	sdelay $0x2  }
0x3d7: {  	s20 =	sshll.u32 s20, $0xA  }
0x3d8: {  	s21 =	sor.u32 s12, s20;
	[tilespmem:v3+s18+$0x0] =	vst.idx.msk $0xffff, v1  }
0x3d9: {  	v3 =	vor.u32 s21, v5;
	v1 =	vld.idx.msk [tilespmem:v4+s23+$0x0], $0xffff  }
0x3da: {  	v4 =	vor.u32 v58, v2;
	_ =	sdelay $0x3  }
0x3db: {  	[tilespmem:v3+s18+$0x0] =	vst.idx.msk $0xffff, v1  }
0x3dc: {  	v3 =	vor.u32 s21, v38;
	v1 =	vld.idx.msk [tilespmem:v4+s23+$0x0], $0xffff  }
0x3dd: {  	v4 =	vor.u32 v8, v2;
	_ =	sdelay $0x3  }
0x3de: {  	[tilespmem:v3+s18+$0x0] =	vst.idx.msk $0xffff, v1  }
0x3df: {  	v3 =	vor.u32 s21, v36;
	v1 =	vld.idx.msk [tilespmem:v4+s23+$0x0], $0xffff  }
0x3e0: {  	v4 =	vor.u32 v10, v2;
	_ =	sdelay $0x3  }
0x3e1: {  	[tilespmem:v3+s18+$0x0] =	vst.idx.msk $0xffff, v1  }
0x3e2: {  	v3 =	vor.u32 s21, v62;
	v1 =	vld.idx.msk [tilespmem:v4+s23+$0x0], $0xffff  }
0x3e3: {  	v4 =	vor.u32 v18, v2;
	_ =	sdelay $0x3  }
0x3e4: {  	[tilespmem:v3+s18+$0x0] =	vst.idx.msk $0xffff, v1  }
0x3e5: {  	v3 =	vor.u32 s21, v11;
	v1 =	vld.idx.msk [tilespmem:v4+s23+$0x0], $0xffff  }
0x3e6: {  	v4 =	vor.u32 v14, v2;
	_ =	sdelay $0x3  }
0x3e7: {  	[tilespmem:v3+s18+$0x0] =	vst.idx.msk $0xffff, v1  }
0x3e8: {  	v3 =	vor.u32 s21, v9;
	v1 =	vld.idx.msk [tilespmem:v4+s23+$0x0], $0xffff  }
0x3e9: {  	v4 =	vor.u32 v16, v2;
	_ =	sdelay $0x3  }
0x3ea: {  	[tilespmem:v3+s18+$0x0] =	vst.idx.msk $0xffff, v1  }
0x3eb: {  	v3 =	vor.u32 s21, v35;
	v1 =	vld.idx.msk [tilespmem:v4+s23+$0x0], $0xffff  }
0x3ec: {  	v4 =	vor.u32 v63, v2;
	_ =	sdelay $0x3  }
0x3ed: {  	[tilespmem:v3+s18+$0x0] =	vst.idx.msk $0xffff, v1  }
0x3ee: {  	v3 =	vor.u32 s21, v50;
	v1 =	vld.idx.msk [tilespmem:v4+s23+$0x0], $0xffff  }
0x3ef: {  	v4 =	vor.u32 v20, v2;
	_ =	sdelay $0x3  }
0x3f0: {  	[tilespmem:v3+s18+$0x0] =	vst.idx.msk $0xffff, v1  }
0x3f1: {  	v3 =	vor.u32 s21, v17;
	v1 =	vld.idx.msk [tilespmem:v4+s23+$0x0], $0xffff  }
0x3f2: {  	v4 =	vor.u32 v19, v2;
	_ =	sdelay $0x3  }
0x3f3: {  	[tilespmem:v3+s18+$0x0] =	vst.idx.msk $0xffff, v1  }
0x3f4: {  	v3 =	vor.u32 s21, v39;
	v1 =	vld.idx.msk [tilespmem:v4+s23+$0x0], $0xffff  }
0x3f5: {  	v4 =	vor.u32 v57, v2;
	_ =	sdelay $0x3  }
0x3f6: {  	[tilespmem:v3+s18+$0x0] =	vst.idx.msk $0xffff, v1  }
0x3f7: {  	v3 =	vor.u32 s21, v13;
	v1 =	vld.idx.msk [tilespmem:v4+s23+$0x0], $0xffff  }
0x3f8: {  	v4 =	vor.u32 v24, v2;
	_ =	sdelay $0x3  }
0x3f9: {  	[tilespmem:v3+s18+$0x0] =	vst.idx.msk $0xffff, v1  }
0x3fa: {  	v3 =	vor.u32 s21, v15;
	v1 =	vld.idx.msk [tilespmem:v4+s23+$0x0], $0xffff  }
0x3fb: {  	v4 =	vor.u32 v27, v2;
	_ =	sdelay $0x3  }
0x3fc: {  	[tilespmem:v3+s18+$0x0] =	vst.idx.msk $0xffff, v1  }
0x3fd: {  	v3 =	vor.u32 s21, v29;
	v1 =	vld.idx.msk [tilespmem:v4+s23+$0x0], $0xffff  }
0x3fe: {  	v4 =	vor.u32 v32, v2;
	_ =	sdelay $0x3  }
0x3ff: {  	[tilespmem:v3+s18+$0x0] =	vst.idx.msk $0xffff, v1  }
0x400: {  	v3 =	vor.u32 s21, v33;
	v1 =	vld.idx.msk [tilespmem:v4+s23+$0x0], $0xffff  }
0x401: {  	v4 =	vor.u32 v40, v2;
	_ =	sdelay $0x3  }
0x402: {  	[tilespmem:v3+s18+$0x0] =	vst.idx.msk $0xffff, v1  }
0x403: {  	v3 =	vor.u32 s21, v37;
	v1 =	vld.idx.msk [tilespmem:v4+s23+$0x0], $0xffff  }
0x404: {  	v4 =	vor.u32 v52, v2;
	_ =	sdelay $0x3  }
0x405: {  	[tilespmem:v3+s18+$0x0] =	vst.idx.msk $0xffff, v1  }
0x406: {  	v3 =	vor.u32 s21, v53;
	v1 =	vld.idx.msk [tilespmem:v4+s23+$0x0], $0xffff  }
0x407: {  	v4 =	vor.u32 v30, v2;
	_ =	sdelay $0x3  }
0x408: {  	[tilespmem:v3+s18+$0x0] =	vst.idx.msk $0xffff, v1  }
0x409: {  	v3 =	vor.u32 s21, v54;
	v1 =	vld.idx.msk [tilespmem:v4+s23+$0x0], $0xffff  }
0x40a: {  	v4 =	vor.u32 v23, v2;
	_ =	sdelay $0x3  }
0x40b: {  	[tilespmem:v3+s18+$0x0] =	vst.idx.msk $0xffff, v1  }
0x40c: {  	v1 =	vld.idx.msk [tilespmem:v4+s23+$0x0], $0xffff  }
0x40d: {  	v4 =	vld [tilespmem:$0x1FE60];
	_ =	sdelay $0x3  }
0x40e: {  	v3 =	vor.u32 s21, v22  }
0x40f: {  	v10 =	vmov v20;
	v20 =	vmov v4;
	v4 =	vor.u32 v4, v2;
	_ =	sdelay $0x3  }
0x410: {  	v8 =	vmov v15;
	v15 =	vmov v23;
	v23 =	vld [tilespmem:$0x1FE70];
	[tilespmem:v3+s18+$0x0] =	vst.idx.msk $0xffff, v1  }
0x411: {  	v1 =	vld.idx.msk [tilespmem:v4+s23+$0x0], $0xffff  }
0x412: {  	v4 =	vld [tilespmem:$0x1FBB0];
	_ =	sdelay $0x3  }
0x413: {  	v3 =	vor.u32 s21, v23  }
0x414: {  	v4 =	vor.u32 v4, v2;
	_ =	sdelay $0x3  }
0x415: {  	[tilespmem:v3+s18+$0x0] =	vst.idx.msk $0xffff, v1  }
0x416: {  	v3 =	vor.u32 s21, v55;
	v1 =	vld.idx.msk [tilespmem:v4+s23+$0x0], $0xffff  }
0x417: {  	v4 =	vor.u32 v31, v2;
	_ =	sdelay $0x3  }
0x418: {  	[tilespmem:v3+s18+$0x0] =	vst.idx.msk $0xffff, v1  }
0x419: {  	v3 =	vor.u32 s21, v56;
	v1 =	vld.idx.msk [tilespmem:v4+s23+$0x0], $0xffff  }
0x41a: {  	v4 =	vor.u32 v43, v2;
	_ =	sdelay $0x3  }
0x41b: {  	[tilespmem:v3+s18+$0x0] =	vst.idx.msk $0xffff, v1  }
0x41c: {  	v3 =	vor.u32 s21, v34;
	v1 =	vld.idx.msk [tilespmem:v4+s23+$0x0], $0xffff  }
0x41d: {  	v4 =	vor.u32 v44, v2;
	_ =	sdelay $0x3  }
0x41e: {  	[tilespmem:v3+s18+$0x0] =	vst.idx.msk $0xffff, v1  }
0x41f: {  	v3 =	vor.u32 s21, v7;
	v1 =	vld.idx.msk [tilespmem:v4+s23+$0x0], $0xffff  }
0x420: {  	v4 =	vor.u32 v21, v2;
	_ =	sdelay $0x3  }
0x421: {  	[tilespmem:v3+s18+$0x0] =	vst.idx.msk $0xffff, v1  }
0x422: {  	v3 =	vor.u32 s21, v59;
	v1 =	vld.idx.msk [tilespmem:v4+s23+$0x0], $0xffff  }
0x423: {  	v4 =	vor.u32 v45, v2;
	_ =	sdelay $0x3  }
0x424: {  	[tilespmem:v3+s18+$0x0] =	vst.idx.msk $0xffff, v1  }
0x425: {  	v3 =	vor.u32 s21, v60;
	v1 =	vld.idx.msk [tilespmem:v4+s23+$0x0], $0xffff  }
0x426: {  	v4 =	vor.u32 v46, v2;
	_ =	sdelay $0x3  }
0x427: {  	[tilespmem:v3+s18+$0x0] =	vst.idx.msk $0xffff, v1  }
0x428: {  	v3 =	vor.u32 s21, v61;
	v1 =	vld.idx.msk [tilespmem:v4+s23+$0x0], $0xffff  }
0x429: {  	v4 =	vor.u32 v48, v2;
	_ =	sdelay $0x3  }
0x42a: {  	[tilespmem:v3+s18+$0x0] =	vst.idx.msk $0xffff, v1  }
0x42b: {  	v3 =	vor.u32 s21, v6;
	v1 =	vld.idx.msk [tilespmem:v4+s23+$0x0], $0xffff  }
0x42c: {  	v4 =	vor.u32 v49, v2;
	_ =	sdelay $0x3  }
0x42d: {  	[tilespmem:v3+s18+$0x0] =	vst.idx.msk $0xffff, v1  }
0x42e: {  	v3 =	vor.u32 s21, v26;
	v1 =	vld.idx.msk [tilespmem:v4+s23+$0x0], $0xffff  }
0x42f: {  	v4 =	vor.u32 v28, v2;
	_ =	sdelay $0x3  }
0x430: {  	[tilespmem:v3+s18+$0x0] =	vst.idx.msk $0xffff, v1  }
0x431: {  	v3 =	vor.u32 s21, v47;
	v1 =	vld.idx.msk [tilespmem:v4+s23+$0x0], $0xffff  }
0x432: {  	v4 =	vor.u32 v0, v2;
	_ =	sdelay $0x3  }
0x433: {  	[tilespmem:v3+s18+$0x0] =	vst.idx.msk $0xffff, v1  }
0x434: {  	v3 =	vor.u32 s21, v25;
	v1 =	vld.idx.msk [tilespmem:v4+s23+$0x0], $0xffff  }
0x435: {  	v4 =	vor.u32 v12, v2;
	_ =	sdelay $0x3  }
0x436: {  	[tilespmem:v3+s18+$0x0] =	vst.idx.msk $0xffff, v1  }
0x437: {  	v3 =	vor.u32 s21, v42;
	v1 =	vld.idx.msk [tilespmem:v4+s23+$0x0], $0xffff  }
0x438: {  	v60 =	vor.u32 v51, v2;
	_ =	sdelay $0x3  }
0x439: {  	[tilespmem:v3+s18+$0x0] =	vst.idx.msk $0xffff, v1  }
0x43a: {  	v61 =	vor.u32 s21, v41;
	v0 =	vld.idx.msk [tilespmem:v60+s23+$0x0], $0xffff;
	_ =	sdelay $0x1  }
.Ltmp6:
0x43b: {  	_ = 	snop;
	(pc) =	sbr.rel @p0 .LBB2_11-.Ltmp6, $3  }
0x43c: {  	_ =	sdelay $0x1  }
0x43d: {  	s24 =	sadd.s32 s7, s11;
	v5 =	vmovc v57;
	v14 =	vmov v30;
	v16 =	vmov v29;
	v29 =	vmov v55;
	[tilespmem:v61+s18+$0x0] =	vst.idx.msk $0xffff, v0  }
0x43e: {  	v44 =	vmovc v18;
	v59 =	vmovc v9;
	v41 =	vmov v22;
	v4 =	vmov v58;
	v60 =	vmov v23;
	[hbm4b:s24+s3] =	stream.strided.scatter [tilespmem:s18], [sflag:$0x4], $0x4000, s17, s3, $0x38;
	[tilespmem:$0x10400] =	vst v63  }
0x43f: {  	_ =	swait.ge [sflag:s22], $0x200  }
0x440: {  	[sflag:s22] =	ssyncset.done $0x0  }
0x441: {  	[sflag:s22] =	ssyncadd.s32 $0xFFFFFE00  }
0x442: {  	[tilespmem:s23], [sflag:$0x2] =	stream.indirect.gather [hbm4b:s4+s15], $0x20, s13, s15, $0xb8;
	[tilespmem:$0x10400] =	vst v63  }
0x443: {  	s1 =	simm.s32 $0x280  }
0x444: {  	v25 =	vld [tilespmem:$0x1FDE0];
	[tilespmem:s25], [sflag:$0x2] =	stream.indirect.gather [hbm4b:s4+s15], $0x20, s1, s15, $0xb8  }
.Ltmp7:
0x445: {  	v43 =	vld [tilespmem:$0x1FDF0];
	(pc) =	sbr.rel .LBB2_2-.Ltmp7, $4  }
0x446: {  	v9 =	vld [tilespmem:$0x1FE00]  }
0x447: {  	v26 =	vld [tilespmem:$0x1FE10];
	[tilespmem:s28], [sflag:$0x2] =	stream.indirect.gather [hbm4b:s4+s15], $0x20, s26, s15, $0xb8  }
0x448: {  	s8 =	sadd.s32 $0x1, s8;
	v7 =	vld [tilespmem:$0x1FE50]  }
0x449: {  	v34 =	vlaneseq.u32;
	v18 =	vmovc v16;
	v55 =	vmov v29;
	v23 =	vmov v15;
	v1 =	vld [tilespmem:$0x1FE40];
	[tilespmem:s30], [sflag:$0x2] =	stream.indirect.gather [hbm4b:s4+s15], $0x20, s29, s15, $0xb8  }
.LBB2_12:
0x44a: {  	_ =	sfence.sel $0x180000  }
0x44b: {  	[bflag:$0x0] =	sbarrier.arrive $0xFFFF  }
0x44c: {  	_ =	strace $0x90000047  }
0x44d: {  	s0 =	stileid.u32;
	[bflag:$0x2] =	sbarrier.arrive $0xFFFF  }
0x44e: {  	p0 =	sne.s32 s0, $0x0;
	s0 =	rddreg [dreg:$0x2]  }
0x44f: {  	s0 =	sadd.s32 @!p0 $0x100000, s0  }
0x450: {  	[sflag:s0] =	ssyncadd.tile.s32 @!p0 $0x1;
	_ =	shalt  }
.Lfunc_end2:
_tile_overlayer_lowered:
.L_overlay_start_2:
0x451: {  	(tag) =	ssettag $0x2  }
0x452: {  	s0 =	rddreg [dreg:$0x0];
	s2 =	stileid.u32  }
0x453: {  	s1 =	rddreg [dreg:$0x1];
	p0 =	sne.s32 s2, $0x0  }
0x454: {  	s3 =	rddreg [dreg:$0x2];
	[bflag:$0x3] =	sbarrier.arrive $0xFFFF;
	s2 =	simm.s32 @!p0 $0x1C07  }
0x455: {  	[timem:s3], [sflag:s2] =	dma.local @!p0 [hbm:s0], s1  }
0x456: {  	s0 =	simm.s32 @!p0 $0x7  }
0x457: {  	_ =	swait.ge @!p0 [sflag:s0], s1  }
0x458: {  	s1 =	ssub.s32 @!p0 $0x0, s1;
	[sflag:s0] =	ssyncset.done @!p0 $0x0  }
0x459: {  	[sflag:s0] =	ssyncadd.s32 @!p0 s1  }
0x45a: {  	[bflag:$0x3] =	sbarrier.arrive $0xFFFF  }
0x45b: {  	_ =	shalt  }

</sc_bundles>
